<compile_context>
chip_gen: v7x
topology: tpu7x:2x2x1
jax: 0.10.2.dev20260603
libtpu: 0.0.44.dev20260713+nightly
codegen_flags: <defaults>
</compile_context>

<pallas_src>
import functools

import jax
import jax.numpy as jnp
from jax import lax
from jax.experimental import pallas as pl
from jax.experimental.pallas import tpu as pltpu
from jax.experimental.pallas import tpu_sc as plsc

_BINS = 1024
_MAX_V = 4.0
_N = 8388608
_L = 16
_NC = 2
_NS = 16
_NW = _NC * _NS
_PER_W = _N // _NW
_CHUNK = 16384
_NBUF = 4
_NCHUNK = _PER_W // _CHUNK
_VECS = _CHUNK // _L
_STRIDE = _BINS + 1

_SCALE = 128.0
_OFFSET = 512.0

_mesh = plsc.VectorSubcoreMesh(core_axis_name="c", subcore_axis_name="s")


@functools.partial(
    pl.kernel,
    out_type=jax.ShapeDtypeStruct((_NW * _BINS,), jnp.float32),
    mesh=_mesh,
    scratch_types=[
        [pltpu.VMEM((_CHUNK,), jnp.float32) for _ in range(_NBUF)],
        pltpu.VMEM((_L * _STRIDE,), jnp.float32),
        pltpu.VMEM((_BINS,), jnp.float32),
        [pltpu.SemaphoreType.DMA for _ in range(_NBUF)],
    ],
    compiler_params=pltpu.CompilerParams(needs_layout_passes=False),
)
def _sc_hist(x_hbm, out_hbm, bufs, hlanes, htile, sems):
    cid = lax.axis_index("c")
    sid = lax.axis_index("s")
    wid = sid * _NC + cid
    base = wid * _PER_W

    zeros = jnp.zeros((_L,), jnp.float32)
    ones = jnp.ones((_L,), jnp.float32)
    iota = lax.iota(jnp.int32, _L)
    lane_base = iota * _STRIDE
    mx = jnp.full((_L,), _MAX_V, jnp.float32)
    scale = jnp.full((_L,), _SCALE, jnp.float32)
    offs = jnp.full((_L,), _OFFSET, jnp.float32)

    @plsc.parallel_loop(0, _L * _STRIDE // _L, unroll=8)
    def _zero(i):
        hlanes[pl.ds(i * _L, _L)] = zeros

    cps = [pltpu.async_copy(x_hbm.at[pl.ds(base + c * _CHUNK, _CHUNK)],
                            bufs[c], sems[c])
           for c in range(_NBUF)]

    for c in range(_NCHUNK):
        slot = c % _NBUF
        cps[slot].wait()
        buf = bufs[slot]

        @plsc.parallel_loop(0, _VECS, unroll=8)
        def _vec(i):
            xv = buf[pl.ds(i * _L, _L)]
            t = xv * scale + offs
            idx = t.astype(jnp.int32)
            mask = jnp.abs(xv) <= mx
            plsc.addupdate_scatter(hlanes, [lane_base + idx], ones,
                                   mask=mask)

        if c + _NBUF < _NCHUNK:
            cps[slot] = pltpu.async_copy(
                x_hbm.at[pl.ds(base + (c + _NBUF) * _CHUNK, _CHUNK)],
                bufs[slot], sems[slot])

    ovf = plsc.load_gather(hlanes, [lane_base + _BINS])
    plsc.addupdate_scatter(hlanes, [lane_base + (_BINS - 1)], ovf)

    def _reduce(b, _):
        bins = b * _L + iota
        acc = zeros
        for lane in range(_L):
            acc = acc + plsc.load_gather(hlanes, [lane * _STRIDE + bins])
        htile[pl.ds(b * _L, _L)] = acc
        return ()

    lax.fori_loop(0, _BINS // _L, _reduce, ())
    pltpu.sync_copy(htile, out_hbm.at[pl.ds(wid * _BINS, _BINS)])


def _combine_body(p_ref, o_ref):
    o_ref[...] = jnp.sum(p_ref[...], axis=0)


def kernel(x):
    partials = _sc_hist(x).reshape(_NW, _BINS)
    return pl.pallas_call(
        _combine_body,
        out_shape=jax.ShapeDtypeStruct((_BINS,), jnp.float32),
    )(partials)

# --- scband reference (transcript-rebuilt; emitter-appended) ---
"""Pipeline reference for scband-aten-histc-36687610643115 (READ-ONLY COPY).

The authoritative reference and input builder live on the scoring server;
editing this copy changes nothing except your own understanding.
"""

import jax, jax.numpy as jnp
import numpy as np

BINS = 1024
MIN_V = -4.0
MAX_V = 4.0
N = 8388608

def setup_inputs(seed: int = 0) -> dict:
    key = jax.random.key(seed)
    x = jax.random.normal(key, (N,), dtype=jnp.float32)
    return {"x": x}

def reference(x):
    # Faithful translation of torch.histc(x, bins=BINS, min=MIN_V, max=MAX_V):
    # - values outside [min, max] are ignored
    # - bins are uniform over [min, max]; values equal to max fall in the last bin
    mn = jnp.float32(MIN_V)
    mx = jnp.float32(MAX_V)
    in_range = (x >= mn) & (x <= mx)
    scale = jnp.float32(BINS) / (mx - mn)
    idx = jnp.floor((x - mn) * scale).astype(jnp.int32)
    # x == max maps to idx == BINS -> clamp into last bin; out-of-range masked via weights
    idx = jnp.clip(idx, 0, BINS - 1)
    w = in_range.astype(x.dtype)
    hist = jnp.zeros((BINS,), dtype=x.dtype).at[idx].add(w)
    return hist

if __name__ == "__main__":
    import jax
    _d = setup_inputs()
    print(jax.jit(kernel)(*tuple(_d.values())))

</pallas_src>

<mosaic_0001>
#map = affine_map<(d0, d1) -> (0)>
module attributes {stable_mosaic.version = 14 : i64} {
  func.func @_sc_hist(%arg0: i32, %arg1: i32, %arg2: memref<8388608xf32, #tpu.memory_space<hbm>>, %arg3: memref<32768xf32, #tpu.memory_space<hbm>>, %arg4: memref<16384xf32, #tpu.memory_space<vmem>>, %arg5: memref<16384xf32, #tpu.memory_space<vmem>>, %arg6: memref<16384xf32, #tpu.memory_space<vmem>>, %arg7: memref<16384xf32, #tpu.memory_space<vmem>>, %arg8: memref<16400xf32, #tpu.memory_space<vmem>>, %arg9: memref<1024xf32, #tpu.memory_space<vmem>>, %arg10: memref<!tpu.dma_semaphore, #tpu.memory_space<semaphore_mem>>, %arg11: memref<!tpu.dma_semaphore, #tpu.memory_space<semaphore_mem>>, %arg12: memref<!tpu.dma_semaphore, #tpu.memory_space<semaphore_mem>>, %arg13: memref<!tpu.dma_semaphore, #tpu.memory_space<semaphore_mem>>) attributes {dimension_semantics = [#tpu.dimension_semantics<core_parallel>, #tpu.dimension_semantics<subcore_parallel>], iteration_bounds = array<i64: 2, 16>, scalar_prefetch = 0 : i64, scratch_operands = 10 : i64, tpu.core_type = #tpu.core_type<sc_vector_subcore>, window_params = [{transform_indices = #map}, {transform_indices = #map}]} {
    %mul3A = arith.constant 2 : i32
    %mul3A_0 = arith.muli %arg1, %mul3A : i32
    %add3A = arith.addi %mul3A_0, %arg0 : i32
    %mul3A_1 = arith.constant 262144 : i32
    %mul3A_2 = arith.muli %add3A, %mul3A_1 : i32
    %broadcast_in_dim3A = arith.constant 0.000000e+00 : f32
    %broadcast_in_dim3A_3 = vector.broadcast %broadcast_in_dim3A : f32 to vector<16xf32>
    %broadcast_in_dim3A_4 = arith.constant 1.000000e+00 : f32
    %broadcast_in_dim3A_5 = vector.broadcast %broadcast_in_dim3A_4 : f32 to vector<16xf32>
    %iota3A = tpu.iota {dimensions = array<i32: 0>} : vector<16xi32>
    %mul3A_6 = arith.constant 1025 : i32
    %mul3A_7 = vector.broadcast %mul3A_6 : i32 to vector<16xi32>
    %mul3A_8 = arith.muli %iota3A, %mul3A_7 : vector<16xi32>
    %broadcast_in_dim3A_9 = arith.constant 4.000000e+00 : f32
    %broadcast_in_dim3A_10 = vector.broadcast %broadcast_in_dim3A_9 : f32 to vector<16xf32>
    %broadcast_in_dim3A_11 = arith.constant 1.280000e+02 : f32
    %broadcast_in_dim3A_12 = vector.broadcast %broadcast_in_dim3A_11 : f32 to vector<16xf32>
    %broadcast_in_dim3A_13 = arith.constant 5.120000e+02 : f32
    %broadcast_in_dim3A_14 = vector.broadcast %broadcast_in_dim3A_13 : f32 to vector<16xf32>
    %parallel_loop3A = arith.constant 0 : i32
    %parallel_loop3A_15 = arith.constant 1025 : i32
    %parallel_loop3A_16 = arith.constant 1 : i32
    scf.for %parallel_loop3A_171 = %parallel_loop3A to %parallel_loop3A_15 step %parallel_loop3A_16  : i32 {
      %parallel_loop3A_172 = arith.constant 16 : i32
      %parallel_loop3A_173 = arith.muli %parallel_loop3A_171, %parallel_loop3A_172 : i32
      %parallel_loop3A_174 = arith.index_cast %parallel_loop3A_173 : i32 to index
      %parallel_loop3A_175 = tpu.vector_load %arg8[%parallel_loop3A_174] {strides = array<i32>} : memref<16400xf32, #tpu.memory_space<vmem>>, vector<16xf32>,
      tpu.vector_store %arg8[%parallel_loop3A_174], %broadcast_in_dim3A_3 {strides = array<i32>} : memref<16400xf32, #tpu.memory_space<vmem>>, vector<16xf32>,
    } {sc.loop_unroll_factor = 8 : i64, sc.parallel_access}
    %add3A_17 = arith.constant 0 : i32
    %add3A_18 = arith.addi %mul3A_2, %add3A_17 : i32
    %dma_start3A = tpu.memref_slice %arg2[%add3A_18] : memref<8388608xf32, #tpu.memory_space<hbm>> -> memref<16384xf32, #tpu.memory_space<hbm>>
    %dma_start3A_19 = tpu.memref_slice %arg2[%add3A_18] : memref<8388608xf32, #tpu.memory_space<hbm>> -> memref<16384xf32, #tpu.memory_space<hbm>>
    tpu.enqueue_dma source(%dma_start3A_19 : memref<16384xf32, #tpu.memory_space<hbm>>) target(%arg4 : memref<16384xf32, #tpu.memory_space<vmem>>) target_semaphore(%arg10 : memref<!tpu.dma_semaphore, #tpu.memory_space<semaphore_mem>>)
    %add3A_20 = arith.constant 16384 : i32
    %add3A_21 = arith.addi %mul3A_2, %add3A_20 : i32
    %dma_start3A_22 = tpu.memref_slice %arg2[%add3A_21] : memref<8388608xf32, #tpu.memory_space<hbm>> -> memref<16384xf32, #tpu.memory_space<hbm>>
    %dma_start3A_23 = tpu.memref_slice %arg2[%add3A_21] : memref<8388608xf32, #tpu.memory_space<hbm>> -> memref<16384xf32, #tpu.memory_space<hbm>>
    tpu.enqueue_dma source(%dma_start3A_23 : memref<16384xf32, #tpu.memory_space<hbm>>) target(%arg5 : memref<16384xf32, #tpu.memory_space<vmem>>) target_semaphore(%arg11 : memref<!tpu.dma_semaphore, #tpu.memory_space<semaphore_mem>>)
    %add3A_24 = arith.constant 32768 : i32
    %add3A_25 = arith.addi %mul3A_2, %add3A_24 : i32
    %dma_start3A_26 = tpu.memref_slice %arg2[%add3A_25] : memref<8388608xf32, #tpu.memory_space<hbm>> -> memref<16384xf32, #tpu.memory_space<hbm>>
    %dma_start3A_27 = tpu.memref_slice %arg2[%add3A_25] : memref<8388608xf32, #tpu.memory_space<hbm>> -> memref<16384xf32, #tpu.memory_space<hbm>>
    tpu.enqueue_dma source(%dma_start3A_27 : memref<16384xf32, #tpu.memory_space<hbm>>) target(%arg6 : memref<16384xf32, #tpu.memory_space<vmem>>) target_semaphore(%arg12 : memref<!tpu.dma_semaphore, #tpu.memory_space<semaphore_mem>>)
    %add3A_28 = arith.constant 49152 : i32
    %add3A_29 = arith.addi %mul3A_2, %add3A_28 : i32
    %dma_start3A_30 = tpu.memref_slice %arg2[%add3A_29] : memref<8388608xf32, #tpu.memory_space<hbm>> -> memref<16384xf32, #tpu.memory_space<hbm>>
    %dma_start3A_31 = tpu.memref_slice %arg2[%add3A_29] : memref<8388608xf32, #tpu.memory_space<hbm>> -> memref<16384xf32, #tpu.memory_space<hbm>>
    tpu.enqueue_dma source(%dma_start3A_31 : memref<16384xf32, #tpu.memory_space<hbm>>) target(%arg7 : memref<16384xf32, #tpu.memory_space<vmem>>) target_semaphore(%arg13 : memref<!tpu.dma_semaphore, #tpu.memory_space<semaphore_mem>>)
    %dma_wait3A = tpu.memref_slice %arg2[%add3A_18] : memref<8388608xf32, #tpu.memory_space<hbm>> -> memref<16384xf32, #tpu.memory_space<hbm>>
    %dma_wait3A_32 = tpu.memref_slice %arg2[%add3A_18] : memref<8388608xf32, #tpu.memory_space<hbm>> -> memref<16384xf32, #tpu.memory_space<hbm>>
    tpu.wait_dma2 semaphore(%arg10 : memref<!tpu.dma_semaphore, #tpu.memory_space<semaphore_mem>>) src(%dma_wait3A_32 : memref<16384xf32, #tpu.memory_space<hbm>>) dst(%arg4 : memref<16384xf32, #tpu.memory_space<vmem>>)
    %parallel_loop3A_33 = arith.constant 0 : i32
    %parallel_loop3A_34 = arith.constant 1024 : i32
    %parallel_loop3A_35 = arith.constant 1 : i32
    scf.for %parallel_loop3A_171 = %parallel_loop3A_33 to %parallel_loop3A_34 step %parallel_loop3A_35  : i32 {
      %parallel_loop3A_172 = arith.constant 16 : i32
      %parallel_loop3A_173 = arith.muli %parallel_loop3A_171, %parallel_loop3A_172 : i32
      %parallel_loop3A_174 = arith.index_cast %parallel_loop3A_173 : i32 to index
      %parallel_loop3A_175 = tpu.vector_load %arg4[%parallel_loop3A_174] {strides = array<i32>} : memref<16384xf32, #tpu.memory_space<vmem>>, vector<16xf32>,
      %parallel_loop3A_176 = arith.mulf %parallel_loop3A_175, %broadcast_in_dim3A_12 : vector<16xf32>
      %parallel_loop3A_177 = arith.addf %parallel_loop3A_176, %broadcast_in_dim3A_14 : vector<16xf32>
      %parallel_loop3A_178 = arith.fptosi %parallel_loop3A_177 : vector<16xf32> to vector<16xi32>
      %parallel_loop3A_179 = math.absf %parallel_loop3A_175 : vector<16xf32>
      %parallel_loop3A_180 = arith.cmpf ole, %parallel_loop3A_179, %broadcast_in_dim3A_10 : vector<16xf32>
      %parallel_loop3A_181 = arith.addi %mul3A_8, %parallel_loop3A_178 : vector<16xi32>
      tpu.vector_store_idx %arg8[%parallel_loop3A_181], %broadcast_in_dim3A_5 masked %parallel_loop3A_180 {add = true} : memref<16400xf32, #tpu.memory_space<vmem>>[vector<16xi32>], vector<16xf32>, vector<16xi1>
    } {sc.loop_unroll_factor = 8 : i64, sc.parallel_access}
    %add3A_36 = arith.constant 65536 : i32
    %add3A_37 = arith.addi %mul3A_2, %add3A_36 : i32
    %dma_start3A_38 = tpu.memref_slice %arg2[%add3A_37] : memref<8388608xf32, #tpu.memory_space<hbm>> -> memref<16384xf32, #tpu.memory_space<hbm>>
    %dma_start3A_39 = tpu.memref_slice %arg2[%add3A_37] : memref<8388608xf32, #tpu.memory_space<hbm>> -> memref<16384xf32, #tpu.memory_space<hbm>>
    tpu.enqueue_dma source(%dma_start3A_39 : memref<16384xf32, #tpu.memory_space<hbm>>) target(%arg4 : memref<16384xf32, #tpu.memory_space<vmem>>) target_semaphore(%arg10 : memref<!tpu.dma_semaphore, #tpu.memory_space<semaphore_mem>>)
    %dma_wait3A_40 = tpu.memref_slice %arg2[%add3A_21] : memref<8388608xf32, #tpu.memory_space<hbm>> -> memref<16384xf32, #tpu.memory_space<hbm>>
    %dma_wait3A_41 = tpu.memref_slice %arg2[%add3A_21] : memref<8388608xf32, #tpu.memory_space<hbm>> -> memref<16384xf32, #tpu.memory_space<hbm>>
    tpu.wait_dma2 semaphore(%arg11 : memref<!tpu.dma_semaphore, #tpu.memory_space<semaphore_mem>>) src(%dma_wait3A_41 : memref<16384xf32, #tpu.memory_space<hbm>>) dst(%arg5 : memref<16384xf32, #tpu.memory_space<vmem>>)
    %parallel_loop3A_42 = arith.constant 0 : i32
    %parallel_loop3A_43 = arith.constant 1024 : i32
    %parallel_loop3A_44 = arith.constant 1 : i32
    scf.for %parallel_loop3A_171 = %parallel_loop3A_42 to %parallel_loop3A_43 step %parallel_loop3A_44  : i32 {
      %parallel_loop3A_172 = arith.constant 16 : i32
      %parallel_loop3A_173 = arith.muli %parallel_loop3A_171, %parallel_loop3A_172 : i32
      %parallel_loop3A_174 = arith.index_cast %parallel_loop3A_173 : i32 to index
      %parallel_loop3A_175 = tpu.vector_load %arg5[%parallel_loop3A_174] {strides = array<i32>} : memref<16384xf32, #tpu.memory_space<vmem>>, vector<16xf32>,
      %parallel_loop3A_176 = arith.mulf %parallel_loop3A_175, %broadcast_in_dim3A_12 : vector<16xf32>
      %parallel_loop3A_177 = arith.addf %parallel_loop3A_176, %broadcast_in_dim3A_14 : vector<16xf32>
      %parallel_loop3A_178 = arith.fptosi %parallel_loop3A_177 : vector<16xf32> to vector<16xi32>
      %parallel_loop3A_179 = math.absf %parallel_loop3A_175 : vector<16xf32>
      %parallel_loop3A_180 = arith.cmpf ole, %parallel_loop3A_179, %broadcast_in_dim3A_10 : vector<16xf32>
      %parallel_loop3A_181 = arith.addi %mul3A_8, %parallel_loop3A_178 : vector<16xi32>
      tpu.vector_store_idx %arg8[%parallel_loop3A_181], %broadcast_in_dim3A_5 masked %parallel_loop3A_180 {add = true} : memref<16400xf32, #tpu.memory_space<vmem>>[vector<16xi32>], vector<16xf32>, vector<16xi1>
    } {sc.loop_unroll_factor = 8 : i64, sc.parallel_access}
    %add3A_45 = arith.constant 81920 : i32
    %add3A_46 = arith.addi %mul3A_2, %add3A_45 : i32
    %dma_start3A_47 = tpu.memref_slice %arg2[%add3A_46] : memref<8388608xf32, #tpu.memory_space<hbm>> -> memref<16384xf32, #tpu.memory_space<hbm>>
    %dma_start3A_48 = tpu.memref_slice %arg2[%add3A_46] : memref<8388608xf32, #tpu.memory_space<hbm>> -> memref<16384xf32, #tpu.memory_space<hbm>>
    tpu.enqueue_dma source(%dma_start3A_48 : memref<16384xf32, #tpu.memory_space<hbm>>) target(%arg5 : memref<16384xf32, #tpu.memory_space<vmem>>) target_semaphore(%arg11 : memref<!tpu.dma_semaphore, #tpu.memory_space<semaphore_mem>>)
    %dma_wait3A_49 = tpu.memref_slice %arg2[%add3A_25] : memref<8388608xf32, #tpu.memory_space<hbm>> -> memref<16384xf32, #tpu.memory_space<hbm>>
    %dma_wait3A_50 = tpu.memref_slice %arg2[%add3A_25] : memref<8388608xf32, #tpu.memory_space<hbm>> -> memref<16384xf32, #tpu.memory_space<hbm>>
    tpu.wait_dma2 semaphore(%arg12 : memref<!tpu.dma_semaphore, #tpu.memory_space<semaphore_mem>>) src(%dma_wait3A_50 : memref<16384xf32, #tpu.memory_space<hbm>>) dst(%arg6 : memref<16384xf32, #tpu.memory_space<vmem>>)
    %parallel_loop3A_51 = arith.constant 0 : i32
    %parallel_loop3A_52 = arith.constant 1024 : i32
    %parallel_loop3A_53 = arith.constant 1 : i32
    scf.for %parallel_loop3A_171 = %parallel_loop3A_51 to %parallel_loop3A_52 step %parallel_loop3A_53  : i32 {
      %parallel_loop3A_172 = arith.constant 16 : i32
      %parallel_loop3A_173 = arith.muli %parallel_loop3A_171, %parallel_loop3A_172 : i32
      %parallel_loop3A_174 = arith.index_cast %parallel_loop3A_173 : i32 to index
      %parallel_loop3A_175 = tpu.vector_load %arg6[%parallel_loop3A_174] {strides = array<i32>} : memref<16384xf32, #tpu.memory_space<vmem>>, vector<16xf32>,
      %parallel_loop3A_176 = arith.mulf %parallel_loop3A_175, %broadcast_in_dim3A_12 : vector<16xf32>
      %parallel_loop3A_177 = arith.addf %parallel_loop3A_176, %broadcast_in_dim3A_14 : vector<16xf32>
      %parallel_loop3A_178 = arith.fptosi %parallel_loop3A_177 : vector<16xf32> to vector<16xi32>
      %parallel_loop3A_179 = math.absf %parallel_loop3A_175 : vector<16xf32>
      %parallel_loop3A_180 = arith.cmpf ole, %parallel_loop3A_179, %broadcast_in_dim3A_10 : vector<16xf32>
      %parallel_loop3A_181 = arith.addi %mul3A_8, %parallel_loop3A_178 : vector<16xi32>
      tpu.vector_store_idx %arg8[%parallel_loop3A_181], %broadcast_in_dim3A_5 masked %parallel_loop3A_180 {add = true} : memref<16400xf32, #tpu.memory_space<vmem>>[vector<16xi32>], vector<16xf32>, vector<16xi1>
    } {sc.loop_unroll_factor = 8 : i64, sc.parallel_access}
    %add3A_54 = arith.constant 98304 : i32
    %add3A_55 = arith.addi %mul3A_2, %add3A_54 : i32
    %dma_start3A_56 = tpu.memref_slice %arg2[%add3A_55] : memref<8388608xf32, #tpu.memory_space<hbm>> -> memref<16384xf32, #tpu.memory_space<hbm>>
    %dma_start3A_57 = tpu.memref_slice %arg2[%add3A_55] : memref<8388608xf32, #tpu.memory_space<hbm>> -> memref<16384xf32, #tpu.memory_space<hbm>>
    tpu.enqueue_dma source(%dma_start3A_57 : memref<16384xf32, #tpu.memory_space<hbm>>) target(%arg6 : memref<16384xf32, #tpu.memory_space<vmem>>) target_semaphore(%arg12 : memref<!tpu.dma_semaphore, #tpu.memory_space<semaphore_mem>>)
    %dma_wait3A_58 = tpu.memref_slice %arg2[%add3A_29] : memref<8388608xf32, #tpu.memory_space<hbm>> -> memref<16384xf32, #tpu.memory_space<hbm>>
    %dma_wait3A_59 = tpu.memref_slice %arg2[%add3A_29] : memref<8388608xf32, #tpu.memory_space<hbm>> -> memref<16384xf32, #tpu.memory_space<hbm>>
    tpu.wait_dma2 semaphore(%arg13 : memref<!tpu.dma_semaphore, #tpu.memory_space<semaphore_mem>>) src(%dma_wait3A_59 : memref<16384xf32, #tpu.memory_space<hbm>>) dst(%arg7 : memref<16384xf32, #tpu.memory_space<vmem>>)
    %parallel_loop3A_60 = arith.constant 0 : i32
    %parallel_loop3A_61 = arith.constant 1024 : i32
    %parallel_loop3A_62 = arith.constant 1 : i32
    scf.for %parallel_loop3A_171 = %parallel_loop3A_60 to %parallel_loop3A_61 step %parallel_loop3A_62  : i32 {
      %parallel_loop3A_172 = arith.constant 16 : i32
      %parallel_loop3A_173 = arith.muli %parallel_loop3A_171, %parallel_loop3A_172 : i32
      %parallel_loop3A_174 = arith.index_cast %parallel_loop3A_173 : i32 to index
      %parallel_loop3A_175 = tpu.vector_load %arg7[%parallel_loop3A_174] {strides = array<i32>} : memref<16384xf32, #tpu.memory_space<vmem>>, vector<16xf32>,
      %parallel_loop3A_176 = arith.mulf %parallel_loop3A_175, %broadcast_in_dim3A_12 : vector<16xf32>
      %parallel_loop3A_177 = arith.addf %parallel_loop3A_176, %broadcast_in_dim3A_14 : vector<16xf32>
      %parallel_loop3A_178 = arith.fptosi %parallel_loop3A_177 : vector<16xf32> to vector<16xi32>
      %parallel_loop3A_179 = math.absf %parallel_loop3A_175 : vector<16xf32>
      %parallel_loop3A_180 = arith.cmpf ole, %parallel_loop3A_179, %broadcast_in_dim3A_10 : vector<16xf32>
      %parallel_loop3A_181 = arith.addi %mul3A_8, %parallel_loop3A_178 : vector<16xi32>
      tpu.vector_store_idx %arg8[%parallel_loop3A_181], %broadcast_in_dim3A_5 masked %parallel_loop3A_180 {add = true} : memref<16400xf32, #tpu.memory_space<vmem>>[vector<16xi32>], vector<16xf32>, vector<16xi1>
    } {sc.loop_unroll_factor = 8 : i64, sc.parallel_access}
    %add3A_63 = arith.constant 114688 : i32
    %add3A_64 = arith.addi %mul3A_2, %add3A_63 : i32
    %dma_start3A_65 = tpu.memref_slice %arg2[%add3A_64] : memref<8388608xf32, #tpu.memory_space<hbm>> -> memref<16384xf32, #tpu.memory_space<hbm>>
    %dma_start3A_66 = tpu.memref_slice %arg2[%add3A_64] : memref<8388608xf32, #tpu.memory_space<hbm>> -> memref<16384xf32, #tpu.memory_space<hbm>>
    tpu.enqueue_dma source(%dma_start3A_66 : memref<16384xf32, #tpu.memory_space<hbm>>) target(%arg7 : memref<16384xf32, #tpu.memory_space<vmem>>) target_semaphore(%arg13 : memref<!tpu.dma_semaphore, #tpu.memory_space<semaphore_mem>>)
    %dma_wait3A_67 = tpu.memref_slice %arg2[%add3A_37] : memref<8388608xf32, #tpu.memory_space<hbm>> -> memref<16384xf32, #tpu.memory_space<hbm>>
    %dma_wait3A_68 = tpu.memref_slice %arg2[%add3A_37] : memref<8388608xf32, #tpu.memory_space<hbm>> -> memref<16384xf32, #tpu.memory_space<hbm>>
    tpu.wait_dma2 semaphore(%arg10 : memref<!tpu.dma_semaphore, #tpu.memory_space<semaphore_mem>>) src(%dma_wait3A_68 : memref<16384xf32, #tpu.memory_space<hbm>>) dst(%arg4 : memref<16384xf32, #tpu.memory_space<vmem>>)
    %parallel_loop3A_69 = arith.constant 0 : i32
    %parallel_loop3A_70 = arith.constant 1024 : i32
    %parallel_loop3A_71 = arith.constant 1 : i32
    scf.for %parallel_loop3A_171 = %parallel_loop3A_69 to %parallel_loop3A_70 step %parallel_loop3A_71  : i32 {
      %parallel_loop3A_172 = arith.constant 16 : i32
      %parallel_loop3A_173 = arith.muli %parallel_loop3A_171, %parallel_loop3A_172 : i32
      %parallel_loop3A_174 = arith.index_cast %parallel_loop3A_173 : i32 to index
      %parallel_loop3A_175 = tpu.vector_load %arg4[%parallel_loop3A_174] {strides = array<i32>} : memref<16384xf32, #tpu.memory_space<vmem>>, vector<16xf32>,
      %parallel_loop3A_176 = arith.mulf %parallel_loop3A_175, %broadcast_in_dim3A_12 : vector<16xf32>
      %parallel_loop3A_177 = arith.addf %parallel_loop3A_176, %broadcast_in_dim3A_14 : vector<16xf32>
      %parallel_loop3A_178 = arith.fptosi %parallel_loop3A_177 : vector<16xf32> to vector<16xi32>
      %parallel_loop3A_179 = math.absf %parallel_loop3A_175 : vector<16xf32>
      %parallel_loop3A_180 = arith.cmpf ole, %parallel_loop3A_179, %broadcast_in_dim3A_10 : vector<16xf32>
      %parallel_loop3A_181 = arith.addi %mul3A_8, %parallel_loop3A_178 : vector<16xi32>
      tpu.vector_store_idx %arg8[%parallel_loop3A_181], %broadcast_in_dim3A_5 masked %parallel_loop3A_180 {add = true} : memref<16400xf32, #tpu.memory_space<vmem>>[vector<16xi32>], vector<16xf32>, vector<16xi1>
    } {sc.loop_unroll_factor = 8 : i64, sc.parallel_access}
    %add3A_72 = arith.constant 131072 : i32
    %add3A_73 = arith.addi %mul3A_2, %add3A_72 : i32
    %dma_start3A_74 = tpu.memref_slice %arg2[%add3A_73] : memref<8388608xf32, #tpu.memory_space<hbm>> -> memref<16384xf32, #tpu.memory_space<hbm>>
    %dma_start3A_75 = tpu.memref_slice %arg2[%add3A_73] : memref<8388608xf32, #tpu.memory_space<hbm>> -> memref<16384xf32, #tpu.memory_space<hbm>>
    tpu.enqueue_dma source(%dma_start3A_75 : memref<16384xf32, #tpu.memory_space<hbm>>) target(%arg4 : memref<16384xf32, #tpu.memory_space<vmem>>) target_semaphore(%arg10 : memref<!tpu.dma_semaphore, #tpu.memory_space<semaphore_mem>>)
    %dma_wait3A_76 = tpu.memref_slice %arg2[%add3A_46] : memref<8388608xf32, #tpu.memory_space<hbm>> -> memref<16384xf32, #tpu.memory_space<hbm>>
    %dma_wait3A_77 = tpu.memref_slice %arg2[%add3A_46] : memref<8388608xf32, #tpu.memory_space<hbm>> -> memref<16384xf32, #tpu.memory_space<hbm>>
    tpu.wait_dma2 semaphore(%arg11 : memref<!tpu.dma_semaphore, #tpu.memory_space<semaphore_mem>>) src(%dma_wait3A_77 : memref<16384xf32, #tpu.memory_space<hbm>>) dst(%arg5 : memref<16384xf32, #tpu.memory_space<vmem>>)
    %parallel_loop3A_78 = arith.constant 0 : i32
    %parallel_loop3A_79 = arith.constant 1024 : i32
    %parallel_loop3A_80 = arith.constant 1 : i32
    scf.for %parallel_loop3A_171 = %parallel_loop3A_78 to %parallel_loop3A_79 step %parallel_loop3A_80  : i32 {
      %parallel_loop3A_172 = arith.constant 16 : i32
      %parallel_loop3A_173 = arith.muli %parallel_loop3A_171, %parallel_loop3A_172 : i32
      %parallel_loop3A_174 = arith.index_cast %parallel_loop3A_173 : i32 to index
      %parallel_loop3A_175 = tpu.vector_load %arg5[%parallel_loop3A_174] {strides = array<i32>} : memref<16384xf32, #tpu.memory_space<vmem>>, vector<16xf32>,
      %parallel_loop3A_176 = arith.mulf %parallel_loop3A_175, %broadcast_in_dim3A_12 : vector<16xf32>
      %parallel_loop3A_177 = arith.addf %parallel_loop3A_176, %broadcast_in_dim3A_14 : vector<16xf32>
      %parallel_loop3A_178 = arith.fptosi %parallel_loop3A_177 : vector<16xf32> to vector<16xi32>
      %parallel_loop3A_179 = math.absf %parallel_loop3A_175 : vector<16xf32>
      %parallel_loop3A_180 = arith.cmpf ole, %parallel_loop3A_179, %broadcast_in_dim3A_10 : vector<16xf32>
      %parallel_loop3A_181 = arith.addi %mul3A_8, %parallel_loop3A_178 : vector<16xi32>
      tpu.vector_store_idx %arg8[%parallel_loop3A_181], %broadcast_in_dim3A_5 masked %parallel_loop3A_180 {add = true} : memref<16400xf32, #tpu.memory_space<vmem>>[vector<16xi32>], vector<16xf32>, vector<16xi1>
    } {sc.loop_unroll_factor = 8 : i64, sc.parallel_access}
    %add3A_81 = arith.constant 147456 : i32
    %add3A_82 = arith.addi %mul3A_2, %add3A_81 : i32
    %dma_start3A_83 = tpu.memref_slice %arg2[%add3A_82] : memref<8388608xf32, #tpu.memory_space<hbm>> -> memref<16384xf32, #tpu.memory_space<hbm>>
    %dma_start3A_84 = tpu.memref_slice %arg2[%add3A_82] : memref<8388608xf32, #tpu.memory_space<hbm>> -> memref<16384xf32, #tpu.memory_space<hbm>>
    tpu.enqueue_dma source(%dma_start3A_84 : memref<16384xf32, #tpu.memory_space<hbm>>) target(%arg5 : memref<16384xf32, #tpu.memory_space<vmem>>) target_semaphore(%arg11 : memref<!tpu.dma_semaphore, #tpu.memory_space<semaphore_mem>>)
    %dma_wait3A_85 = tpu.memref_slice %arg2[%add3A_55] : memref<8388608xf32, #tpu.memory_space<hbm>> -> memref<16384xf32, #tpu.memory_space<hbm>>
    %dma_wait3A_86 = tpu.memref_slice %arg2[%add3A_55] : memref<8388608xf32, #tpu.memory_space<hbm>> -> memref<16384xf32, #tpu.memory_space<hbm>>
    tpu.wait_dma2 semaphore(%arg12 : memref<!tpu.dma_semaphore, #tpu.memory_space<semaphore_mem>>) src(%dma_wait3A_86 : memref<16384xf32, #tpu.memory_space<hbm>>) dst(%arg6 : memref<16384xf32, #tpu.memory_space<vmem>>)
    %parallel_loop3A_87 = arith.constant 0 : i32
    %parallel_loop3A_88 = arith.constant 1024 : i32
    %parallel_loop3A_89 = arith.constant 1 : i32
    scf.for %parallel_loop3A_171 = %parallel_loop3A_87 to %parallel_loop3A_88 step %parallel_loop3A_89  : i32 {
      %parallel_loop3A_172 = arith.constant 16 : i32
      %parallel_loop3A_173 = arith.muli %parallel_loop3A_171, %parallel_loop3A_172 : i32
      %parallel_loop3A_174 = arith.index_cast %parallel_loop3A_173 : i32 to index
      %parallel_loop3A_175 = tpu.vector_load %arg6[%parallel_loop3A_174] {strides = array<i32>} : memref<16384xf32, #tpu.memory_space<vmem>>, vector<16xf32>,
      %parallel_loop3A_176 = arith.mulf %parallel_loop3A_175, %broadcast_in_dim3A_12 : vector<16xf32>
      %parallel_loop3A_177 = arith.addf %parallel_loop3A_176, %broadcast_in_dim3A_14 : vector<16xf32>
      %parallel_loop3A_178 = arith.fptosi %parallel_loop3A_177 : vector<16xf32> to vector<16xi32>
      %parallel_loop3A_179 = math.absf %parallel_loop3A_175 : vector<16xf32>
      %parallel_loop3A_180 = arith.cmpf ole, %parallel_loop3A_179, %broadcast_in_dim3A_10 : vector<16xf32>
      %parallel_loop3A_181 = arith.addi %mul3A_8, %parallel_loop3A_178 : vector<16xi32>
      tpu.vector_store_idx %arg8[%parallel_loop3A_181], %broadcast_in_dim3A_5 masked %parallel_loop3A_180 {add = true} : memref<16400xf32, #tpu.memory_space<vmem>>[vector<16xi32>], vector<16xf32>, vector<16xi1>
    } {sc.loop_unroll_factor = 8 : i64, sc.parallel_access}
    %add3A_90 = arith.constant 163840 : i32
    %add3A_91 = arith.addi %mul3A_2, %add3A_90 : i32
    %dma_start3A_92 = tpu.memref_slice %arg2[%add3A_91] : memref<8388608xf32, #tpu.memory_space<hbm>> -> memref<16384xf32, #tpu.memory_space<hbm>>
    %dma_start3A_93 = tpu.memref_slice %arg2[%add3A_91] : memref<8388608xf32, #tpu.memory_space<hbm>> -> memref<16384xf32, #tpu.memory_space<hbm>>
    tpu.enqueue_dma source(%dma_start3A_93 : memref<16384xf32, #tpu.memory_space<hbm>>) target(%arg6 : memref<16384xf32, #tpu.memory_space<vmem>>) target_semaphore(%arg12 : memref<!tpu.dma_semaphore, #tpu.memory_space<semaphore_mem>>)
    %dma_wait3A_94 = tpu.memref_slice %arg2[%add3A_64] : memref<8388608xf32, #tpu.memory_space<hbm>> -> memref<16384xf32, #tpu.memory_space<hbm>>
    %dma_wait3A_95 = tpu.memref_slice %arg2[%add3A_64] : memref<8388608xf32, #tpu.memory_space<hbm>> -> memref<16384xf32, #tpu.memory_space<hbm>>
    tpu.wait_dma2 semaphore(%arg13 : memref<!tpu.dma_semaphore, #tpu.memory_space<semaphore_mem>>) src(%dma_wait3A_95 : memref<16384xf32, #tpu.memory_space<hbm>>) dst(%arg7 : memref<16384xf32, #tpu.memory_space<vmem>>)
    %parallel_loop3A_96 = arith.constant 0 : i32
    %parallel_loop3A_97 = arith.constant 1024 : i32
    %parallel_loop3A_98 = arith.constant 1 : i32
    scf.for %parallel_loop3A_171 = %parallel_loop3A_96 to %parallel_loop3A_97 step %parallel_loop3A_98  : i32 {
      %parallel_loop3A_172 = arith.constant 16 : i32
      %parallel_loop3A_173 = arith.muli %parallel_loop3A_171, %parallel_loop3A_172 : i32
      %parallel_loop3A_174 = arith.index_cast %parallel_loop3A_173 : i32 to index
      %parallel_loop3A_175 = tpu.vector_load %arg7[%parallel_loop3A_174] {strides = array<i32>} : memref<16384xf32, #tpu.memory_space<vmem>>, vector<16xf32>,
      %parallel_loop3A_176 = arith.mulf %parallel_loop3A_175, %broadcast_in_dim3A_12 : vector<16xf32>
      %parallel_loop3A_177 = arith.addf %parallel_loop3A_176, %broadcast_in_dim3A_14 : vector<16xf32>
      %parallel_loop3A_178 = arith.fptosi %parallel_loop3A_177 : vector<16xf32> to vector<16xi32>
      %parallel_loop3A_179 = math.absf %parallel_loop3A_175 : vector<16xf32>
      %parallel_loop3A_180 = arith.cmpf ole, %parallel_loop3A_179, %broadcast_in_dim3A_10 : vector<16xf32>
      %parallel_loop3A_181 = arith.addi %mul3A_8, %parallel_loop3A_178 : vector<16xi32>
      tpu.vector_store_idx %arg8[%parallel_loop3A_181], %broadcast_in_dim3A_5 masked %parallel_loop3A_180 {add = true} : memref<16400xf32, #tpu.memory_space<vmem>>[vector<16xi32>], vector<16xf32>, vector<16xi1>
    } {sc.loop_unroll_factor = 8 : i64, sc.parallel_access}
    %add3A_99 = arith.constant 180224 : i32
    %add3A_100 = arith.addi %mul3A_2, %add3A_99 : i32
    %dma_start3A_101 = tpu.memref_slice %arg2[%add3A_100] : memref<8388608xf32, #tpu.memory_space<hbm>> -> memref<16384xf32, #tpu.memory_space<hbm>>
    %dma_start3A_102 = tpu.memref_slice %arg2[%add3A_100] : memref<8388608xf32, #tpu.memory_space<hbm>> -> memref<16384xf32, #tpu.memory_space<hbm>>
    tpu.enqueue_dma source(%dma_start3A_102 : memref<16384xf32, #tpu.memory_space<hbm>>) target(%arg7 : memref<16384xf32, #tpu.memory_space<vmem>>) target_semaphore(%arg13 : memref<!tpu.dma_semaphore, #tpu.memory_space<semaphore_mem>>)
    %dma_wait3A_103 = tpu.memref_slice %arg2[%add3A_73] : memref<8388608xf32, #tpu.memory_space<hbm>> -> memref<16384xf32, #tpu.memory_space<hbm>>
    %dma_wait3A_104 = tpu.memref_slice %arg2[%add3A_73] : memref<8388608xf32, #tpu.memory_space<hbm>> -> memref<16384xf32, #tpu.memory_space<hbm>>
    tpu.wait_dma2 semaphore(%arg10 : memref<!tpu.dma_semaphore, #tpu.memory_space<semaphore_mem>>) src(%dma_wait3A_104 : memref<16384xf32, #tpu.memory_space<hbm>>) dst(%arg4 : memref<16384xf32, #tpu.memory_space<vmem>>)
    %parallel_loop3A_105 = arith.constant 0 : i32
    %parallel_loop3A_106 = arith.constant 1024 : i32
    %parallel_loop3A_107 = arith.constant 1 : i32
    scf.for %parallel_loop3A_171 = %parallel_loop3A_105 to %parallel_loop3A_106 step %parallel_loop3A_107  : i32 {
      %parallel_loop3A_172 = arith.constant 16 : i32
      %parallel_loop3A_173 = arith.muli %parallel_loop3A_171, %parallel_loop3A_172 : i32
      %parallel_loop3A_174 = arith.index_cast %parallel_loop3A_173 : i32 to index
      %parallel_loop3A_175 = tpu.vector_load %arg4[%parallel_loop3A_174] {strides = array<i32>} : memref<16384xf32, #tpu.memory_space<vmem>>, vector<16xf32>,
      %parallel_loop3A_176 = arith.mulf %parallel_loop3A_175, %broadcast_in_dim3A_12 : vector<16xf32>
      %parallel_loop3A_177 = arith.addf %parallel_loop3A_176, %broadcast_in_dim3A_14 : vector<16xf32>
      %parallel_loop3A_178 = arith.fptosi %parallel_loop3A_177 : vector<16xf32> to vector<16xi32>
      %parallel_loop3A_179 = math.absf %parallel_loop3A_175 : vector<16xf32>
      %parallel_loop3A_180 = arith.cmpf ole, %parallel_loop3A_179, %broadcast_in_dim3A_10 : vector<16xf32>
      %parallel_loop3A_181 = arith.addi %mul3A_8, %parallel_loop3A_178 : vector<16xi32>
      tpu.vector_store_idx %arg8[%parallel_loop3A_181], %broadcast_in_dim3A_5 masked %parallel_loop3A_180 {add = true} : memref<16400xf32, #tpu.memory_space<vmem>>[vector<16xi32>], vector<16xf32>, vector<16xi1>
    } {sc.loop_unroll_factor = 8 : i64, sc.parallel_access}
    %add3A_108 = arith.constant 196608 : i32
    %add3A_109 = arith.addi %mul3A_2, %add3A_108 : i32
    %dma_start3A_110 = tpu.memref_slice %arg2[%add3A_109] : memref<8388608xf32, #tpu.memory_space<hbm>> -> memref<16384xf32, #tpu.memory_space<hbm>>
    %dma_start3A_111 = tpu.memref_slice %arg2[%add3A_109] : memref<8388608xf32, #tpu.memory_space<hbm>> -> memref<16384xf32, #tpu.memory_space<hbm>>
    tpu.enqueue_dma source(%dma_start3A_111 : memref<16384xf32, #tpu.memory_space<hbm>>) target(%arg4 : memref<16384xf32, #tpu.memory_space<vmem>>) target_semaphore(%arg10 : memref<!tpu.dma_semaphore, #tpu.memory_space<semaphore_mem>>)
    %dma_wait3A_112 = tpu.memref_slice %arg2[%add3A_82] : memref<8388608xf32, #tpu.memory_space<hbm>> -> memref<16384xf32, #tpu.memory_space<hbm>>
    %dma_wait3A_113 = tpu.memref_slice %arg2[%add3A_82] : memref<8388608xf32, #tpu.memory_space<hbm>> -> memref<16384xf32, #tpu.memory_space<hbm>>
    tpu.wait_dma2 semaphore(%arg11 : memref<!tpu.dma_semaphore, #tpu.memory_space<semaphore_mem>>) src(%dma_wait3A_113 : memref<16384xf32, #tpu.memory_space<hbm>>) dst(%arg5 : memref<16384xf32, #tpu.memory_space<vmem>>)
    %parallel_loop3A_114 = arith.constant 0 : i32
    %parallel_loop3A_115 = arith.constant 1024 : i32
    %parallel_loop3A_116 = arith.constant 1 : i32
    scf.for %parallel_loop3A_171 = %parallel_loop3A_114 to %parallel_loop3A_115 step %parallel_loop3A_116  : i32 {
      %parallel_loop3A_172 = arith.constant 16 : i32
      %parallel_loop3A_173 = arith.muli %parallel_loop3A_171, %parallel_loop3A_172 : i32
      %parallel_loop3A_174 = arith.index_cast %parallel_loop3A_173 : i32 to index
      %parallel_loop3A_175 = tpu.vector_load %arg5[%parallel_loop3A_174] {strides = array<i32>} : memref<16384xf32, #tpu.memory_space<vmem>>, vector<16xf32>,
      %parallel_loop3A_176 = arith.mulf %parallel_loop3A_175, %broadcast_in_dim3A_12 : vector<16xf32>
      %parallel_loop3A_177 = arith.addf %parallel_loop3A_176, %broadcast_in_dim3A_14 : vector<16xf32>
      %parallel_loop3A_178 = arith.fptosi %parallel_loop3A_177 : vector<16xf32> to vector<16xi32>
      %parallel_loop3A_179 = math.absf %parallel_loop3A_175 : vector<16xf32>
      %parallel_loop3A_180 = arith.cmpf ole, %parallel_loop3A_179, %broadcast_in_dim3A_10 : vector<16xf32>
      %parallel_loop3A_181 = arith.addi %mul3A_8, %parallel_loop3A_178 : vector<16xi32>
      tpu.vector_store_idx %arg8[%parallel_loop3A_181], %broadcast_in_dim3A_5 masked %parallel_loop3A_180 {add = true} : memref<16400xf32, #tpu.memory_space<vmem>>[vector<16xi32>], vector<16xf32>, vector<16xi1>
    } {sc.loop_unroll_factor = 8 : i64, sc.parallel_access}
    %add3A_117 = arith.constant 212992 : i32
    %add3A_118 = arith.addi %mul3A_2, %add3A_117 : i32
    %dma_start3A_119 = tpu.memref_slice %arg2[%add3A_118] : memref<8388608xf32, #tpu.memory_space<hbm>> -> memref<16384xf32, #tpu.memory_space<hbm>>
    %dma_start3A_120 = tpu.memref_slice %arg2[%add3A_118] : memref<8388608xf32, #tpu.memory_space<hbm>> -> memref<16384xf32, #tpu.memory_space<hbm>>
    tpu.enqueue_dma source(%dma_start3A_120 : memref<16384xf32, #tpu.memory_space<hbm>>) target(%arg5 : memref<16384xf32, #tpu.memory_space<vmem>>) target_semaphore(%arg11 : memref<!tpu.dma_semaphore, #tpu.memory_space<semaphore_mem>>)
    %dma_wait3A_121 = tpu.memref_slice %arg2[%add3A_91] : memref<8388608xf32, #tpu.memory_space<hbm>> -> memref<16384xf32, #tpu.memory_space<hbm>>
    %dma_wait3A_122 = tpu.memref_slice %arg2[%add3A_91] : memref<8388608xf32, #tpu.memory_space<hbm>> -> memref<16384xf32, #tpu.memory_space<hbm>>
    tpu.wait_dma2 semaphore(%arg12 : memref<!tpu.dma_semaphore, #tpu.memory_space<semaphore_mem>>) src(%dma_wait3A_122 : memref<16384xf32, #tpu.memory_space<hbm>>) dst(%arg6 : memref<16384xf32, #tpu.memory_space<vmem>>)
    %parallel_loop3A_123 = arith.constant 0 : i32
    %parallel_loop3A_124 = arith.constant 1024 : i32
    %parallel_loop3A_125 = arith.constant 1 : i32
    scf.for %parallel_loop3A_171 = %parallel_loop3A_123 to %parallel_loop3A_124 step %parallel_loop3A_125  : i32 {
      %parallel_loop3A_172 = arith.constant 16 : i32
      %parallel_loop3A_173 = arith.muli %parallel_loop3A_171, %parallel_loop3A_172 : i32
      %parallel_loop3A_174 = arith.index_cast %parallel_loop3A_173 : i32 to index
      %parallel_loop3A_175 = tpu.vector_load %arg6[%parallel_loop3A_174] {strides = array<i32>} : memref<16384xf32, #tpu.memory_space<vmem>>, vector<16xf32>,
      %parallel_loop3A_176 = arith.mulf %parallel_loop3A_175, %broadcast_in_dim3A_12 : vector<16xf32>
      %parallel_loop3A_177 = arith.addf %parallel_loop3A_176, %broadcast_in_dim3A_14 : vector<16xf32>
      %parallel_loop3A_178 = arith.fptosi %parallel_loop3A_177 : vector<16xf32> to vector<16xi32>
      %parallel_loop3A_179 = math.absf %parallel_loop3A_175 : vector<16xf32>
      %parallel_loop3A_180 = arith.cmpf ole, %parallel_loop3A_179, %broadcast_in_dim3A_10 : vector<16xf32>
      %parallel_loop3A_181 = arith.addi %mul3A_8, %parallel_loop3A_178 : vector<16xi32>
      tpu.vector_store_idx %arg8[%parallel_loop3A_181], %broadcast_in_dim3A_5 masked %parallel_loop3A_180 {add = true} : memref<16400xf32, #tpu.memory_space<vmem>>[vector<16xi32>], vector<16xf32>, vector<16xi1>
    } {sc.loop_unroll_factor = 8 : i64, sc.parallel_access}
    %add3A_126 = arith.constant 229376 : i32
    %add3A_127 = arith.addi %mul3A_2, %add3A_126 : i32
    %dma_start3A_128 = tpu.memref_slice %arg2[%add3A_127] : memref<8388608xf32, #tpu.memory_space<hbm>> -> memref<16384xf32, #tpu.memory_space<hbm>>
    %dma_start3A_129 = tpu.memref_slice %arg2[%add3A_127] : memref<8388608xf32, #tpu.memory_space<hbm>> -> memref<16384xf32, #tpu.memory_space<hbm>>
    tpu.enqueue_dma source(%dma_start3A_129 : memref<16384xf32, #tpu.memory_space<hbm>>) target(%arg6 : memref<16384xf32, #tpu.memory_space<vmem>>) target_semaphore(%arg12 : memref<!tpu.dma_semaphore, #tpu.memory_space<semaphore_mem>>)
    %dma_wait3A_130 = tpu.memref_slice %arg2[%add3A_100] : memref<8388608xf32, #tpu.memory_space<hbm>> -> memref<16384xf32, #tpu.memory_space<hbm>>
    %dma_wait3A_131 = tpu.memref_slice %arg2[%add3A_100] : memref<8388608xf32, #tpu.memory_space<hbm>> -> memref<16384xf32, #tpu.memory_space<hbm>>
    tpu.wait_dma2 semaphore(%arg13 : memref<!tpu.dma_semaphore, #tpu.memory_space<semaphore_mem>>) src(%dma_wait3A_131 : memref<16384xf32, #tpu.memory_space<hbm>>) dst(%arg7 : memref<16384xf32, #tpu.memory_space<vmem>>)
    %parallel_loop3A_132 = arith.constant 0 : i32
    %parallel_loop3A_133 = arith.constant 1024 : i32
    %parallel_loop3A_134 = arith.constant 1 : i32
    scf.for %parallel_loop3A_171 = %parallel_loop3A_132 to %parallel_loop3A_133 step %parallel_loop3A_134  : i32 {
      %parallel_loop3A_172 = arith.constant 16 : i32
      %parallel_loop3A_173 = arith.muli %parallel_loop3A_171, %parallel_loop3A_172 : i32
      %parallel_loop3A_174 = arith.index_cast %parallel_loop3A_173 : i32 to index
      %parallel_loop3A_175 = tpu.vector_load %arg7[%parallel_loop3A_174] {strides = array<i32>} : memref<16384xf32, #tpu.memory_space<vmem>>, vector<16xf32>,
      %parallel_loop3A_176 = arith.mulf %parallel_loop3A_175, %broadcast_in_dim3A_12 : vector<16xf32>
      %parallel_loop3A_177 = arith.addf %parallel_loop3A_176, %broadcast_in_dim3A_14 : vector<16xf32>
      %parallel_loop3A_178 = arith.fptosi %parallel_loop3A_177 : vector<16xf32> to vector<16xi32>
      %parallel_loop3A_179 = math.absf %parallel_loop3A_175 : vector<16xf32>
      %parallel_loop3A_180 = arith.cmpf ole, %parallel_loop3A_179, %broadcast_in_dim3A_10 : vector<16xf32>
      %parallel_loop3A_181 = arith.addi %mul3A_8, %parallel_loop3A_178 : vector<16xi32>
      tpu.vector_store_idx %arg8[%parallel_loop3A_181], %broadcast_in_dim3A_5 masked %parallel_loop3A_180 {add = true} : memref<16400xf32, #tpu.memory_space<vmem>>[vector<16xi32>], vector<16xf32>, vector<16xi1>
    } {sc.loop_unroll_factor = 8 : i64, sc.parallel_access}
    %add3A_135 = arith.constant 245760 : i32
    %add3A_136 = arith.addi %mul3A_2, %add3A_135 : i32
    %dma_start3A_137 = tpu.memref_slice %arg2[%add3A_136] : memref<8388608xf32, #tpu.memory_space<hbm>> -> memref<16384xf32, #tpu.memory_space<hbm>>
    %dma_start3A_138 = tpu.memref_slice %arg2[%add3A_136] : memref<8388608xf32, #tpu.memory_space<hbm>> -> memref<16384xf32, #tpu.memory_space<hbm>>
    tpu.enqueue_dma source(%dma_start3A_138 : memref<16384xf32, #tpu.memory_space<hbm>>) target(%arg7 : memref<16384xf32, #tpu.memory_space<vmem>>) target_semaphore(%arg13 : memref<!tpu.dma_semaphore, #tpu.memory_space<semaphore_mem>>)
    %dma_wait3A_139 = tpu.memref_slice %arg2[%add3A_109] : memref<8388608xf32, #tpu.memory_space<hbm>> -> memref<16384xf32, #tpu.memory_space<hbm>>
    %dma_wait3A_140 = tpu.memref_slice %arg2[%add3A_109] : memref<8388608xf32, #tpu.memory_space<hbm>> -> memref<16384xf32, #tpu.memory_space<hbm>>
    tpu.wait_dma2 semaphore(%arg10 : memref<!tpu.dma_semaphore, #tpu.memory_space<semaphore_mem>>) src(%dma_wait3A_140 : memref<16384xf32, #tpu.memory_space<hbm>>) dst(%arg4 : memref<16384xf32, #tpu.memory_space<vmem>>)
    %parallel_loop3A_141 = arith.constant 0 : i32
    %parallel_loop3A_142 = arith.constant 1024 : i32
    %parallel_loop3A_143 = arith.constant 1 : i32
    scf.for %parallel_loop3A_171 = %parallel_loop3A_141 to %parallel_loop3A_142 step %parallel_loop3A_143  : i32 {
      %parallel_loop3A_172 = arith.constant 16 : i32
      %parallel_loop3A_173 = arith.muli %parallel_loop3A_171, %parallel_loop3A_172 : i32
      %parallel_loop3A_174 = arith.index_cast %parallel_loop3A_173 : i32 to index
      %parallel_loop3A_175 = tpu.vector_load %arg4[%parallel_loop3A_174] {strides = array<i32>} : memref<16384xf32, #tpu.memory_space<vmem>>, vector<16xf32>,
      %parallel_loop3A_176 = arith.mulf %parallel_loop3A_175, %broadcast_in_dim3A_12 : vector<16xf32>
      %parallel_loop3A_177 = arith.addf %parallel_loop3A_176, %broadcast_in_dim3A_14 : vector<16xf32>
      %parallel_loop3A_178 = arith.fptosi %parallel_loop3A_177 : vector<16xf32> to vector<16xi32>
      %parallel_loop3A_179 = math.absf %parallel_loop3A_175 : vector<16xf32>
      %parallel_loop3A_180 = arith.cmpf ole, %parallel_loop3A_179, %broadcast_in_dim3A_10 : vector<16xf32>
      %parallel_loop3A_181 = arith.addi %mul3A_8, %parallel_loop3A_178 : vector<16xi32>
      tpu.vector_store_idx %arg8[%parallel_loop3A_181], %broadcast_in_dim3A_5 masked %parallel_loop3A_180 {add = true} : memref<16400xf32, #tpu.memory_space<vmem>>[vector<16xi32>], vector<16xf32>, vector<16xi1>
    } {sc.loop_unroll_factor = 8 : i64, sc.parallel_access}
    %dma_wait3A_144 = tpu.memref_slice %arg2[%add3A_118] : memref<8388608xf32, #tpu.memory_space<hbm>> -> memref<16384xf32, #tpu.memory_space<hbm>>
    %dma_wait3A_145 = tpu.memref_slice %arg2[%add3A_118] : memref<8388608xf32, #tpu.memory_space<hbm>> -> memref<16384xf32, #tpu.memory_space<hbm>>
    tpu.wait_dma2 semaphore(%arg11 : memref<!tpu.dma_semaphore, #tpu.memory_space<semaphore_mem>>) src(%dma_wait3A_145 : memref<16384xf32, #tpu.memory_space<hbm>>) dst(%arg5 : memref<16384xf32, #tpu.memory_space<vmem>>)
    %parallel_loop3A_146 = arith.constant 0 : i32
    %parallel_loop3A_147 = arith.constant 1024 : i32
    %parallel_loop3A_148 = arith.constant 1 : i32
    scf.for %parallel_loop3A_171 = %parallel_loop3A_146 to %parallel_loop3A_147 step %parallel_loop3A_148  : i32 {
      %parallel_loop3A_172 = arith.constant 16 : i32
      %parallel_loop3A_173 = arith.muli %parallel_loop3A_171, %parallel_loop3A_172 : i32
      %parallel_loop3A_174 = arith.index_cast %parallel_loop3A_173 : i32 to index
      %parallel_loop3A_175 = tpu.vector_load %arg5[%parallel_loop3A_174] {strides = array<i32>} : memref<16384xf32, #tpu.memory_space<vmem>>, vector<16xf32>,
      %parallel_loop3A_176 = arith.mulf %parallel_loop3A_175, %broadcast_in_dim3A_12 : vector<16xf32>
      %parallel_loop3A_177 = arith.addf %parallel_loop3A_176, %broadcast_in_dim3A_14 : vector<16xf32>
      %parallel_loop3A_178 = arith.fptosi %parallel_loop3A_177 : vector<16xf32> to vector<16xi32>
      %parallel_loop3A_179 = math.absf %parallel_loop3A_175 : vector<16xf32>
      %parallel_loop3A_180 = arith.cmpf ole, %parallel_loop3A_179, %broadcast_in_dim3A_10 : vector<16xf32>
      %parallel_loop3A_181 = arith.addi %mul3A_8, %parallel_loop3A_178 : vector<16xi32>
      tpu.vector_store_idx %arg8[%parallel_loop3A_181], %broadcast_in_dim3A_5 masked %parallel_loop3A_180 {add = true} : memref<16400xf32, #tpu.memory_space<vmem>>[vector<16xi32>], vector<16xf32>, vector<16xi1>
    } {sc.loop_unroll_factor = 8 : i64, sc.parallel_access}
    %dma_wait3A_149 = tpu.memref_slice %arg2[%add3A_127] : memref<8388608xf32, #tpu.memory_space<hbm>> -> memref<16384xf32, #tpu.memory_space<hbm>>
    %dma_wait3A_150 = tpu.memref_slice %arg2[%add3A_127] : memref<8388608xf32, #tpu.memory_space<hbm>> -> memref<16384xf32, #tpu.memory_space<hbm>>
    tpu.wait_dma2 semaphore(%arg12 : memref<!tpu.dma_semaphore, #tpu.memory_space<semaphore_mem>>) src(%dma_wait3A_150 : memref<16384xf32, #tpu.memory_space<hbm>>) dst(%arg6 : memref<16384xf32, #tpu.memory_space<vmem>>)
    %parallel_loop3A_151 = arith.constant 0 : i32
    %parallel_loop3A_152 = arith.constant 1024 : i32
    %parallel_loop3A_153 = arith.constant 1 : i32
    scf.for %parallel_loop3A_171 = %parallel_loop3A_151 to %parallel_loop3A_152 step %parallel_loop3A_153  : i32 {
      %parallel_loop3A_172 = arith.constant 16 : i32
      %parallel_loop3A_173 = arith.muli %parallel_loop3A_171, %parallel_loop3A_172 : i32
      %parallel_loop3A_174 = arith.index_cast %parallel_loop3A_173 : i32 to index
      %parallel_loop3A_175 = tpu.vector_load %arg6[%parallel_loop3A_174] {strides = array<i32>} : memref<16384xf32, #tpu.memory_space<vmem>>, vector<16xf32>,
      %parallel_loop3A_176 = arith.mulf %parallel_loop3A_175, %broadcast_in_dim3A_12 : vector<16xf32>
      %parallel_loop3A_177 = arith.addf %parallel_loop3A_176, %broadcast_in_dim3A_14 : vector<16xf32>
      %parallel_loop3A_178 = arith.fptosi %parallel_loop3A_177 : vector<16xf32> to vector<16xi32>
      %parallel_loop3A_179 = math.absf %parallel_loop3A_175 : vector<16xf32>
      %parallel_loop3A_180 = arith.cmpf ole, %parallel_loop3A_179, %broadcast_in_dim3A_10 : vector<16xf32>
      %parallel_loop3A_181 = arith.addi %mul3A_8, %parallel_loop3A_178 : vector<16xi32>
      tpu.vector_store_idx %arg8[%parallel_loop3A_181], %broadcast_in_dim3A_5 masked %parallel_loop3A_180 {add = true} : memref<16400xf32, #tpu.memory_space<vmem>>[vector<16xi32>], vector<16xf32>, vector<16xi1>
    } {sc.loop_unroll_factor = 8 : i64, sc.parallel_access}
    %dma_wait3A_154 = tpu.memref_slice %arg2[%add3A_136] : memref<8388608xf32, #tpu.memory_space<hbm>> -> memref<16384xf32, #tpu.memory_space<hbm>>
    %dma_wait3A_155 = tpu.memref_slice %arg2[%add3A_136] : memref<8388608xf32, #tpu.memory_space<hbm>> -> memref<16384xf32, #tpu.memory_space<hbm>>
    tpu.wait_dma2 semaphore(%arg13 : memref<!tpu.dma_semaphore, #tpu.memory_space<semaphore_mem>>) src(%dma_wait3A_155 : memref<16384xf32, #tpu.memory_space<hbm>>) dst(%arg7 : memref<16384xf32, #tpu.memory_space<vmem>>)
    %parallel_loop3A_156 = arith.constant 0 : i32
    %parallel_loop3A_157 = arith.constant 1024 : i32
    %parallel_loop3A_158 = arith.constant 1 : i32
    scf.for %parallel_loop3A_171 = %parallel_loop3A_156 to %parallel_loop3A_157 step %parallel_loop3A_158  : i32 {
      %parallel_loop3A_172 = arith.constant 16 : i32
      %parallel_loop3A_173 = arith.muli %parallel_loop3A_171, %parallel_loop3A_172 : i32
      %parallel_loop3A_174 = arith.index_cast %parallel_loop3A_173 : i32 to index
      %parallel_loop3A_175 = tpu.vector_load %arg7[%parallel_loop3A_174] {strides = array<i32>} : memref<16384xf32, #tpu.memory_space<vmem>>, vector<16xf32>,
      %parallel_loop3A_176 = arith.mulf %parallel_loop3A_175, %broadcast_in_dim3A_12 : vector<16xf32>
      %parallel_loop3A_177 = arith.addf %parallel_loop3A_176, %broadcast_in_dim3A_14 : vector<16xf32>
      %parallel_loop3A_178 = arith.fptosi %parallel_loop3A_177 : vector<16xf32> to vector<16xi32>
      %parallel_loop3A_179 = math.absf %parallel_loop3A_175 : vector<16xf32>
      %parallel_loop3A_180 = arith.cmpf ole, %parallel_loop3A_179, %broadcast_in_dim3A_10 : vector<16xf32>
      %parallel_loop3A_181 = arith.addi %mul3A_8, %parallel_loop3A_178 : vector<16xi32>
      tpu.vector_store_idx %arg8[%parallel_loop3A_181], %broadcast_in_dim3A_5 masked %parallel_loop3A_180 {add = true} : memref<16400xf32, #tpu.memory_space<vmem>>[vector<16xi32>], vector<16xf32>, vector<16xi1>
    } {sc.loop_unroll_factor = 8 : i64, sc.parallel_access}
    %add3A_159 = arith.constant 1024 : i32
    %add3A_160 = vector.broadcast %add3A_159 : i32 to vector<16xi32>
    %add3A_161 = arith.addi %mul3A_8, %add3A_160 : vector<16xi32>
    %gather3A = tpu.vector_load_idx %arg8[%add3A_161] : memref<16400xf32, #tpu.memory_space<vmem>>[vector<16xi32>], vector<16xf32>,
    %add3A_162 = arith.constant 1023 : i32
    %add3A_163 = vector.broadcast %add3A_162 : i32 to vector<16xi32>
    %add3A_164 = arith.addi %mul3A_8, %add3A_163 : vector<16xi32>
    tpu.vector_store_idx %arg8[%add3A_164], %gather3A {add = true} : memref<16400xf32, #tpu.memory_space<vmem>>[vector<16xi32>], vector<16xf32>,
    %scan3A = arith.constant 0 : i32
    %scan3A_165 = arith.constant 64 : i32
    %scan3A_166 = arith.addi %scan3A, %scan3A_165 : i32
    %scan3A_167 = arith.constant 1 : i32
    scf.for %scan3A_171 = %scan3A to %scan3A_166 step %scan3A_167  : i32 {
      %mul3A_172 = arith.constant 16 : i32
      %mul3A_173 = arith.muli %scan3A_171, %mul3A_172 : i32
      %add3A_174 = vector.broadcast %mul3A_173 : i32 to vector<16xi32>
      %add3A_175 = arith.addi %add3A_174, %iota3A : vector<16xi32>
      %add3A_176 = arith.constant 0 : i32
      %add3A_177 = vector.broadcast %add3A_176 : i32 to vector<16xi32>
      %add3A_178 = arith.addi %add3A_177, %add3A_175 : vector<16xi32>
      %gather3A_179 = tpu.vector_load_idx %arg8[%add3A_178] : memref<16400xf32, #tpu.memory_space<vmem>>[vector<16xi32>], vector<16xf32>,
      %add3A_180 = arith.addf %broadcast_in_dim3A_3, %gather3A_179 : vector<16xf32>
      %add3A_181 = arith.constant 1025 : i32
      %add3A_182 = vector.broadcast %add3A_181 : i32 to vector<16xi32>
      %add3A_183 = arith.addi %add3A_182, %add3A_175 : vector<16xi32>
      %gather3A_184 = tpu.vector_load_idx %arg8[%add3A_183] : memref<16400xf32, #tpu.memory_space<vmem>>[vector<16xi32>], vector<16xf32>,
      %add3A_185 = arith.addf %add3A_180, %gather3A_184 : vector<16xf32>
      %add3A_186 = arith.constant 2050 : i32
      %add3A_187 = vector.broadcast %add3A_186 : i32 to vector<16xi32>
      %add3A_188 = arith.addi %add3A_187, %add3A_175 : vector<16xi32>
      %gather3A_189 = tpu.vector_load_idx %arg8[%add3A_188] : memref<16400xf32, #tpu.memory_space<vmem>>[vector<16xi32>], vector<16xf32>,
      %add3A_190 = arith.addf %add3A_185, %gather3A_189 : vector<16xf32>
      %add3A_191 = arith.constant 3075 : i32
      %add3A_192 = vector.broadcast %add3A_191 : i32 to vector<16xi32>
      %add3A_193 = arith.addi %add3A_192, %add3A_175 : vector<16xi32>
      %gather3A_194 = tpu.vector_load_idx %arg8[%add3A_193] : memref<16400xf32, #tpu.memory_space<vmem>>[vector<16xi32>], vector<16xf32>,
      %add3A_195 = arith.addf %add3A_190, %gather3A_194 : vector<16xf32>
      %add3A_196 = arith.constant 4100 : i32
      %add3A_197 = vector.broadcast %add3A_196 : i32 to vector<16xi32>
      %add3A_198 = arith.addi %add3A_197, %add3A_175 : vector<16xi32>
      %gather3A_199 = tpu.vector_load_idx %arg8[%add3A_198] : memref<16400xf32, #tpu.memory_space<vmem>>[vector<16xi32>], vector<16xf32>,
      %add3A_200 = arith.addf %add3A_195, %gather3A_199 : vector<16xf32>
      %add3A_201 = arith.constant 5125 : i32
      %add3A_202 = vector.broadcast %add3A_201 : i32 to vector<16xi32>
      %add3A_203 = arith.addi %add3A_202, %add3A_175 : vector<16xi32>
      %gather3A_204 = tpu.vector_load_idx %arg8[%add3A_203] : memref<16400xf32, #tpu.memory_space<vmem>>[vector<16xi32>], vector<16xf32>,
      %add3A_205 = arith.addf %add3A_200, %gather3A_204 : vector<16xf32>
      %add3A_206 = arith.constant 6150 : i32
      %add3A_207 = vector.broadcast %add3A_206 : i32 to vector<16xi32>
      %add3A_208 = arith.addi %add3A_207, %add3A_175 : vector<16xi32>
      %gather3A_209 = tpu.vector_load_idx %arg8[%add3A_208] : memref<16400xf32, #tpu.memory_space<vmem>>[vector<16xi32>], vector<16xf32>,
      %add3A_210 = arith.addf %add3A_205, %gather3A_209 : vector<16xf32>
      %add3A_211 = arith.constant 7175 : i32
      %add3A_212 = vector.broadcast %add3A_211 : i32 to vector<16xi32>
      %add3A_213 = arith.addi %add3A_212, %add3A_175 : vector<16xi32>
      %gather3A_214 = tpu.vector_load_idx %arg8[%add3A_213] : memref<16400xf32, #tpu.memory_space<vmem>>[vector<16xi32>], vector<16xf32>,
      %add3A_215 = arith.addf %add3A_210, %gather3A_214 : vector<16xf32>
      %add3A_216 = arith.constant 8200 : i32
      %add3A_217 = vector.broadcast %add3A_216 : i32 to vector<16xi32>
      %add3A_218 = arith.addi %add3A_217, %add3A_175 : vector<16xi32>
      %gather3A_219 = tpu.vector_load_idx %arg8[%add3A_218] : memref<16400xf32, #tpu.memory_space<vmem>>[vector<16xi32>], vector<16xf32>,
      %add3A_220 = arith.addf %add3A_215, %gather3A_219 : vector<16xf32>
      %add3A_221 = arith.constant 9225 : i32
      %add3A_222 = vector.broadcast %add3A_221 : i32 to vector<16xi32>
      %add3A_223 = arith.addi %add3A_222, %add3A_175 : vector<16xi32>
      %gather3A_224 = tpu.vector_load_idx %arg8[%add3A_223] : memref<16400xf32, #tpu.memory_space<vmem>>[vector<16xi32>], vector<16xf32>,
      %add3A_225 = arith.addf %add3A_220, %gather3A_224 : vector<16xf32>
      %add3A_226 = arith.constant 10250 : i32
      %add3A_227 = vector.broadcast %add3A_226 : i32 to vector<16xi32>
      %add3A_228 = arith.addi %add3A_227, %add3A_175 : vector<16xi32>
      %gather3A_229 = tpu.vector_load_idx %arg8[%add3A_228] : memref<16400xf32, #tpu.memory_space<vmem>>[vector<16xi32>], vector<16xf32>,
      %add3A_230 = arith.addf %add3A_225, %gather3A_229 : vector<16xf32>
      %add3A_231 = arith.constant 11275 : i32
      %add3A_232 = vector.broadcast %add3A_231 : i32 to vector<16xi32>
      %add3A_233 = arith.addi %add3A_232, %add3A_175 : vector<16xi32>
      %gather3A_234 = tpu.vector_load_idx %arg8[%add3A_233] : memref<16400xf32, #tpu.memory_space<vmem>>[vector<16xi32>], vector<16xf32>,
      %add3A_235 = arith.addf %add3A_230, %gather3A_234 : vector<16xf32>
      %add3A_236 = arith.constant 12300 : i32
      %add3A_237 = vector.broadcast %add3A_236 : i32 to vector<16xi32>
      %add3A_238 = arith.addi %add3A_237, %add3A_175 : vector<16xi32>
      %gather3A_239 = tpu.vector_load_idx %arg8[%add3A_238] : memref<16400xf32, #tpu.memory_space<vmem>>[vector<16xi32>], vector<16xf32>,
      %add3A_240 = arith.addf %add3A_235, %gather3A_239 : vector<16xf32>
      %add3A_241 = arith.constant 13325 : i32
      %add3A_242 = vector.broadcast %add3A_241 : i32 to vector<16xi32>
      %add3A_243 = arith.addi %add3A_242, %add3A_175 : vector<16xi32>
      %gather3A_244 = tpu.vector_load_idx %arg8[%add3A_243] : memref<16400xf32, #tpu.memory_space<vmem>>[vector<16xi32>], vector<16xf32>,
      %add3A_245 = arith.addf %add3A_240, %gather3A_244 : vector<16xf32>
      %add3A_246 = arith.constant 14350 : i32
      %add3A_247 = vector.broadcast %add3A_246 : i32 to vector<16xi32>
      %add3A_248 = arith.addi %add3A_247, %add3A_175 : vector<16xi32>
      %gather3A_249 = tpu.vector_load_idx %arg8[%add3A_248] : memref<16400xf32, #tpu.memory_space<vmem>>[vector<16xi32>], vector<16xf32>,
      %add3A_250 = arith.addf %add3A_245, %gather3A_249 : vector<16xf32>
      %add3A_251 = arith.constant 15375 : i32
      %add3A_252 = vector.broadcast %add3A_251 : i32 to vector<16xi32>
      %add3A_253 = arith.addi %add3A_252, %add3A_175 : vector<16xi32>
      %gather3A_254 = tpu.vector_load_idx %arg8[%add3A_253] : memref<16400xf32, #tpu.memory_space<vmem>>[vector<16xi32>], vector<16xf32>,
      %add3A_255 = arith.addf %add3A_250, %gather3A_254 : vector<16xf32>
      %mul3A_256 = arith.constant 16 : i32
      %mul3A_257 = arith.muli %scan3A_171, %mul3A_256 : i32
      %swap3A = arith.index_cast %mul3A_257 : i32 to index
      %swap3A_258 = tpu.vector_load %arg9[%swap3A] {strides = array<i32>} : memref<1024xf32, #tpu.memory_space<vmem>>, vector<16xf32>,
      tpu.vector_store %arg9[%swap3A], %add3A_255 {strides = array<i32>} : memref<1024xf32, #tpu.memory_space<vmem>>, vector<16xf32>,
    }
    %scan3A_168 = arith.constant 64 : i32
    %mul3A_169 = arith.constant 1024 : i32
    %mul3A_170 = arith.muli %add3A, %mul3A_169 : i32
    "tpu.region"() ({
      %run_scoped3A = tpu.sem_alloc : memref<!tpu.dma_semaphore, #tpu.memory_space<semaphore_mem>>
      %dma_start3A_171 = tpu.memref_slice %arg3[%mul3A_170] : memref<32768xf32, #tpu.memory_space<hbm>> -> memref<1024xf32, #tpu.memory_space<hbm>>
      %dma_start3A_172 = tpu.memref_slice %arg3[%mul3A_170] : memref<32768xf32, #tpu.memory_space<hbm>> -> memref<1024xf32, #tpu.memory_space<hbm>>
      tpu.enqueue_dma source(%arg9 : memref<1024xf32, #tpu.memory_space<vmem>>) target(%dma_start3A_172 : memref<1024xf32, #tpu.memory_space<hbm>>) target_semaphore(%run_scoped3A : memref<!tpu.dma_semaphore, #tpu.memory_space<semaphore_mem>>)
      %dma_wait3A_173 = tpu.memref_slice %arg3[%mul3A_170] : memref<32768xf32, #tpu.memory_space<hbm>> -> memref<1024xf32, #tpu.memory_space<hbm>>
      %dma_wait3A_174 = tpu.memref_slice %arg3[%mul3A_170] : memref<32768xf32, #tpu.memory_space<hbm>> -> memref<1024xf32, #tpu.memory_space<hbm>>
      tpu.wait_dma2 semaphore(%run_scoped3A : memref<!tpu.dma_semaphore, #tpu.memory_space<semaphore_mem>>) src(%arg9 : memref<1024xf32, #tpu.memory_space<vmem>>) dst(%dma_wait3A_174 : memref<1024xf32, #tpu.memory_space<hbm>>)
      tpu.yield
    }) : () -> ()
    return
  }
}

module attributes {stable_mosaic.version = 14 : i64} {
  func.func @_combine_body(%arg0: memref<32x1024xf32, #tpu.memory_space<vmem>>, %arg1: memref<1024xf32, #tpu.memory_space<vmem>>) attributes {dimension_semantics = [], scalar_prefetch = 0 : i64, scratch_operands = 0 : i64, tpu.core_type = #tpu.core_type<tc>} {
    %get3A = arith.constant 0 : index
    %get3A_0 = arith.constant 0 : index
    %get3A_1 = vector.load %arg0[%get3A, %get3A_0] : memref<32x1024xf32, #tpu.memory_space<vmem>>, vector<32x1024xf32>
    %reduce_sum3A = arith.constant dense<0.000000e+00> : vector<1024xf32>
    %reduce_sum3A_2 = vector.multi_reduction <add>, %get3A_1, %reduce_sum3A [0] : vector<32x1024xf32> to vector<1024xf32>
    %swap3A = arith.constant 0 : index
    %swap3A_3 = vector.load %arg1[%swap3A] : memref<1024xf32, #tpu.memory_space<vmem>>, vector<1024xf32>
    tpu.vector_store %arg1[%swap3A], %reduce_sum3A_2 {strides = array<i32>} : memref<1024xf32, #tpu.memory_space<vmem>>, vector<1024xf32>,
    return
  }
}

</mosaic_0001>

<sc_bundles>
// kernel: kernel.4.cloned.1.call-start
scs
__scs_entry_jumppad:
0x0: {  	(pc) =	sbr.rel $0x88, $3  }
0x1: {  	(tag) =	ssettag $0x0;
	lr =	simm.s32 $0x1  }
0x2: {  	[smem:$0x3FA0] =	sst lr;
	_ =	strace $0xD0000000  }
0x3: {  	_ = 	snop  }
0x4: {  	_ = 	snop  }
0x5: {  	_ = 	snop  }
0x6: {  	_ = 	snop  }
0x7: {  	_ = 	snop  }
__scs_overlays_trampoline_lowered:
0x8: {  	[smem:$0x3FAF] =	sst s0  }
0x9: {  	[smem:$0x3FB0] =	sst s1  }
0xa: {  	[smem:$0x3FB1] =	sst s2  }
0xb: {  	[smem:$0x3FB2] =	sst s3  }
0xc: {  	[smem:$0x3FB3] =	sst s4  }
0xd: {  	[smem:$0x3FB4] =	sst s5  }
0xe: {  	[smem:$0x3FB5] =	sst s6  }
0xf: {  	[smem:$0x3FB6] =	sst s7  }
0x10: {  	[smem:$0x3FB7] =	sst s8  }
0x11: {  	[smem:$0x3FB8] =	sst s9;
	s0 =	simm.s32 @!p0 $0x0  }
0x12: {  	s1 =	sld [smem:$0x3F9E];
	s0 =	simm.s32 @p0 $0x1  }
0x13: {  	[smem:$0x3FB9] =	sst s0;
	s0 =	simm.s32 @!p1 $0x0  }
0x14: {  	s2 =	sld [smem:$0x3F9D];
	s0 =	simm.s32 @p1 $0x1  }
0x15: {  	[smem:$0x3FBA] =	sst s0;
	s0 =	simm.s32 @!p2 $0x0  }
0x16: {  	s3 =	sld [smem:$0x3FDB];
	s0 =	simm.s32 @p2 $0x1  }
0x17: {  	s4 =	simm.s32 $0x1BF5;
	[smem:$0x3FBC] =	sst s0  }
0x18: {  	s0 =	sld [smem:$0x3F9F];
	_ =	swait.ge [sflag:s4], $0x0  }
0x19: {  	s7 =	sld [smem:$0x3FA0]  }
0x1a: {  	s8 =	sadd.s32 $0xFFFFE003, lr  }
0x1b: {  	s9 =	sadd.s32 $0xFFFFFEF7, lr;
	s5 =	simm.s32 $0xFFFFFFFF;
	p2 =	slt.u32 s8, $0xFFFFF086  }
0x1c: {  	p1 =	slt.u32 s9, $0xF7A;
	s5 =	simm.s32 @!p2 $0x0  }
0x1d: {  	s5 =	simm.s32 @p1 $0x1;
	p0 =	seq.s32 s7, s2  }
0x1e: {  	s7 =	smul.u32 @!p0 $0xF7A, s2;
	p2 =	seq.s32 @!p0 s5, $0x0  }
0x1f: {  	s9 =	smul.u32 $0xF7A, s1;
	s8 =	simm.s32 @!p0 $0x1BF5;
	p2 =	por !p2, p0  }
0x20: {  	[sflag:s8] =	ssyncset.s32 @!p0 $0xFFFFF086;
	s6 =	sadd.s32 @!p0 s3, s7;
	s7 =	simm.s32 @!p0 $0x108  }
0x21: {  	s3 =	sadd.s32 s3, s9;
	s6 =	sadd.s32 @!p0 $0x88, s6;
	s7 =	simm.s32 @p2 $0x1082  }
0x22: {  	[simem:s7], [sflag:s8] =	dma.local @!p0 [hbm:s6], $0xF7A  }
0x23: {  	s9 =	sor.u32 $0xD0000000, s2;
	s6 =	simm.s32 $0x108;
	_ =	swait.ge @!p0 [sflag:s8], $0x0  }
0x24: {  	s3 =	sadd.s32 $0x88, s3;
	s6 =	simm.s32 @!p1 $0x1082;
	[sflag:s4] =	ssyncset.s32 $0xFFFFF086  }
0x25: {  	[simem:s6], [sflag:s4] =	dma.local [hbm:s3], $0xF7A  }
0x26: {  	[smem:$0x3FA0] =	sst s1;
	(tag) =	ssettag s2;
	_ =	strace s9  }
0x27: {  	s1 =	sld [smem:$0x3FB0]  }
0x28: {  	s2 =	sld [smem:$0x3FB1]  }
0x29: {  	s4 =	sld [smem:$0x3FB3]  }
0x2a: {  	p0 =	seq.s32 s5, $0x0;
	s5 =	sld [smem:$0x3FB4]  }
0x2b: {  	s6 =	sld [smem:$0x3FB5]  }
0x2c: {  	s7 =	sld [smem:$0x3FB6]  }
0x2d: {  	s3 =	simm.s32 $0x108;
	s8 =	sld [smem:$0x3FB7]  }
0x2e: {  	s3 =	simm.s32 @!p0 $0x1082;
	s9 =	sld [smem:$0x3FB8]  }
0x2f: {  	lr =	sadd.s32 s0, s3;
	s0 =	sld [smem:$0x3FAF]  }
0x30: {  	s3 =	sld [smem:$0x3FB2]  }
0x31: {  	[smem:$0x3FBB] =	sst s10  }
0x32: {  	s10 =	sld [smem:$0x3FB9];
	_ =	sdelay $0x3  }
0x33: {  	p0 =	seq.s32 s10, $0x1;
	s10 =	sld [smem:$0x3FBB];
	_ =	sdelay $0x3  }
0x34: {  	[smem:$0x3FBB] =	sst s10  }
0x35: {  	s10 =	sld [smem:$0x3FBA];
	_ =	sdelay $0x3  }
0x36: {  	p1 =	seq.s32 s10, $0x1;
	s10 =	sld [smem:$0x3FBB];
	_ =	sdelay $0x3  }
0x37: {  	[smem:$0x3FBB] =	sst s10  }
0x38: {  	s10 =	sld [smem:$0x3FBC]  }
0x39: {  	_ = 	snop;
	(pc) =	sbr.ind lr, $3  }
0x3a: {  	_ = 	snop  }
0x3b: {  	_ = 	snop  }
0x3c: {  	p2 =	seq.s32 s10, $0x1;
	s10 =	sld [smem:$0x3FBB]  }
0x3d: {  	_ =	shalt  }
0x3e: {  	_ =	shalt  }
0x3f: {  	_ =	shalt  }
0x40: {  	_ =	shalt  }
0x41: {  	_ =	shalt  }
0x42: {  	_ =	shalt  }
0x43: {  	_ =	shalt  }
0x44: {  	_ =	shalt  }
0x45: {  	_ =	shalt  }
0x46: {  	_ =	shalt  }
0x47: {  	_ =	shalt  }
0x48: {  	_ =	shalt  }
0x49: {  	_ =	shalt  }
0x4a: {  	_ =	shalt  }
0x4b: {  	_ =	shalt  }
0x4c: {  	_ =	shalt  }
0x4d: {  	_ =	shalt  }
0x4e: {  	_ =	shalt  }
0x4f: {  	_ =	shalt  }
0x50: {  	_ =	shalt  }
0x51: {  	_ =	shalt  }
0x52: {  	_ =	shalt  }
0x53: {  	_ =	shalt  }
0x54: {  	_ =	shalt  }
0x55: {  	_ =	shalt  }
0x56: {  	_ =	shalt  }
0x57: {  	_ =	shalt  }
0x58: {  	_ =	shalt  }
0x59: {  	_ =	shalt  }
0x5a: {  	_ =	shalt  }
0x5b: {  	_ =	shalt  }
0x5c: {  	_ =	shalt  }
0x5d: {  	_ =	shalt  }
0x5e: {  	_ =	shalt  }
0x5f: {  	_ =	shalt  }
0x60: {  	_ =	shalt  }
0x61: {  	_ =	shalt  }
0x62: {  	_ =	shalt  }
0x63: {  	_ =	shalt  }
0x64: {  	_ =	shalt  }
0x65: {  	_ =	shalt  }
0x66: {  	_ =	shalt  }
0x67: {  	_ =	shalt  }
0x68: {  	_ =	shalt  }
0x69: {  	_ =	shalt  }
0x6a: {  	_ =	shalt  }
0x6b: {  	_ =	shalt  }
0x6c: {  	_ =	shalt  }
0x6d: {  	_ =	shalt  }
0x6e: {  	_ =	shalt  }
0x6f: {  	_ =	shalt  }
0x70: {  	_ =	shalt  }
0x71: {  	_ =	shalt  }
0x72: {  	_ =	shalt  }
0x73: {  	_ =	shalt  }
0x74: {  	_ =	shalt  }
0x75: {  	_ =	shalt  }
0x76: {  	_ =	shalt  }
0x77: {  	_ =	shalt  }
0x78: {  	_ =	shalt  }
0x79: {  	_ =	shalt  }
0x7a: {  	_ =	shalt  }
0x7b: {  	_ =	shalt  }
0x7c: {  	_ =	shalt  }
0x7d: {  	_ =	shalt  }
0x7e: {  	_ =	shalt  }
0x7f: {  	_ =	shalt  }
0x80: {  	_ =	shalt  }
0x81: {  	_ =	shalt  }
0x82: {  	_ =	shalt  }
0x83: {  	_ =	shalt  }
0x84: {  	_ =	shalt  }
0x85: {  	_ =	shalt  }
0x86: {  	_ =	shalt  }
0x87: {  	_ =	shalt  }
.Lfunc_end0:
.L_simem_size_0:
called_computation_lowered:
.L_overlay_start_0:
0x88: {  	s2 =	sld [smem:$0x3FD9]  }
0x89: {  	s3 =	sld [smem:$0x3FFE];
	_ =	sdelay $0x1  }
0x8a: {  	s1 =	srdreg.scid  }
0x8b: {  	s0 =	sand.u32 $0x1, s1  }
0x8c: {  	s17 =	sshll.u32 s0, $0xA;
	s2 =	sadd.s32 s3, s2  }
0x8d: {  	s2 =	sadd.s32 s2, s17  }
0x8e: {  	[smem:$0x3FC7] =	sst s2  }
0x8f: {  	_ = 	snop  }
0x90: {  	s2 =	sld [smem:$0x3FC9];
	(tm) =	ssettm $0x1  }
0x91: {  	s18 =	sld [smem:$0x3FFB];
	_ =	sdelay $0x3  }
0x92: {  	_ =	strace s18  }
0x93: {  	s3 =	sld [smem:$0x3FFC];
	_ =	sdelay $0x3  }
0x94: {  	_ =	strace s3  }
0x95: {  	s3 =	sld [smem:$0x3FFD];
	_ =	sdelay $0x3  }
0x96: {  	_ =	strace s3  }
0x97: {  	_ =	strace $0x8FFFFFFF  }
0x98: {  	s19 =	sld [smem:$0x3FDB];
	_ =	sdelay $0x1  }
0x99: {  	s4 =	simm.s32 $_scs_section_size  }
0x9a: {  	s5 =	simm.s32 $_size__tile_overlayer_lowered;
	s6 =	simm.s32 $_tile_overlayer_lowered  }
0x9b: {  	s22 =	simm.s32 $0x1BFF;
	s21 =	sshll.u32 s6, $0x1;
	s3 =	sadd.s32 s4, s19  }
0x9c: {  	s7 =	simm.s32 $0x0;
	s20 =	sshll.u32 s5, $0x1;
	s5 =	sadd.s32 s21, s3  }
0x9d: {  	[timem:s7], [sflag:s22] =	dma.local [hbm:s5], s20  }
0x9e: {  	_ =	swait.ge [sflag:s22], s20  }
0x9f: {  	s4 =	ssub.s32 $0x0, s20;
	[sflag:s22] =	ssyncset.done $0x0  }
0xa0: {  	[sflag:s22] =	ssyncadd.s32 s4;
	_ =	sdelay $0x1  }
0xa1: {  	s23 =	simm.s32 $0x1B8B  }
0xa2: {  	_ =	swait.ge [sflag:s23], $0x1  }
0xa3: {  	[sflag:s23] =	ssyncset.done $0x0  }
0xa4: {  	s25 =	simm.s32 $0x1B8E;
	s24 =	sld [smem:$0x3FFE];
	[sflag:s23] =	ssyncadd.s32 $0xFFFFFFFF  }
0xa5: {  	s26 =	simm.s32 $execute0_lowered;
	[smem:$0x3FD2] =	sst s25  }
0xa6: {  	s5 =	sshll.u32 s26, $0x1;
	_ =	strace $0x80000046;
	[dreg:$0x1] =	wrdreg $0xFFFFFFFF  }
0xa7: {  	s28 =	simm.s32 $_size_execute0_lowered;
	s3 =	sadd.s32 s3, s5;
	[dreg:$0x0] =	wrdreg $0x0  }
0xa8: {  	s5 =	sshll.u32 s28, $0x1;
	[dreg:$0x2] =	wrdreg s3  }
0xa9: {  	[dreg:$0x3] =	wrdreg s5  }
0xaa: {  	[dreg:$0x4] =	wrdreg $0xC0  }
0xab: {  	_ =	task [dreg:s7], $0x5FFFF  }
0xac: {  	[dreg:$0x1] =	wrdreg $0xFFFFFFFF  }
0xad: {  	[dreg:$0x0] =	wrdreg $0x60  }
0xae: {  	[dreg:$0x2] =	wrdreg s2  }
0xaf: {  	[dreg:$0x3] =	wrdreg s24  }
0xb0: {  	[dreg:$0x4] =	wrdreg $0x9  }
0xb1: {  	_ =	task.clear_ibuf [dreg:s7], $0x5FFFF;
	_ =	strace $0x90000046  }
0xb2: {  	s29 =	simm.s32 $0x9;
	_ =	strace $0x80000048  }
0xb3: {  	_ =	swait.ge [sflag:s29], $0x1  }
0xb4: {  	[sflag:s29] =	ssyncadd.s32 $0xFFFFFFFF  }
0xb5: {  	_ =	strace $0x90000048  }
0xb6: {  	_ =	sfence  }
0xb7: {  	s30 =	sld [smem:$0x0];
	_ =	sdelay $0x2  }
0xb8: {  	s31 =	sshll.u32 s1, $0xD;
	s1 =	sshrl.u32 s1, $0x2  }
0xb9: {  	s3 =	sand.u32 $0x4000, s31;
	s1 =	sadd.s32 s1, s30  }
0xba: {  	s0 =	sor.u32 s3, s0;
	s1 =	sshll.u32 s1, $0x11  }
0xbb: {  	s0 =	sor.u32 s1, s0  }
0xbc: {  	s0 =	sadd.s32 $0x8F2B, s0  }
0xbd: {  	[sflag:s0] =	ssyncadd.remote.s32 $0x1  }
0xbe: {  	_ =	sfence.sel $0xFFFF  }
0xbf: {  	[dreg:$0x0] =	wrdreg $0xFFFFFFFF;
	(pc) =	sbr.abs _section_cstart, $3  }
0xc0: {  	[dreg:$0x1] =	wrdreg $0xFFFFFFFF  }
0xc1: {  	_ =	task.clear_ibuf [dreg:s7], $0x2FFFF;
	_ =	strace $0x9FFFFFFF  }
0xc2: {  	(tm) =	ssettm $0x7FFFFFFF  }
0xc3: {  	_ =	shalt  }
tec
execute0_lowered:
.L_overlay_start_1:
0x0: {  	(tag) =	ssettag $0x1  }
0x1: {  	s0 =	rddreg [dreg:$0x0]  }
0x2: {  	s1 =	rddreg [dreg:$0x1];
	s3 =	srdreg.scid  }
0x3: {  	s4 =	stileid.u32;
	s2 =	simm.s32 $0x0;
	s21 =	simm.s32 $0x4000  }
0x4: {  	s22 =	simm.s32 $0x8000;
	s23 =	simm.s32 $0xC000;
	s28 =	simm.s32 $0x3  }
0x5: {  	s29 =	simm.s32 $0x4;
	s3 =	sand.u32 $0x1, s3;
	s4 =	sshll.u32 s4, $0x1  }
0x6: {  	s31 =	simm.s32 $0x5;
	[smem:$0x7FF] =	sst s2;
	s4 =	sor.u32 s3, s4  }
0x7: {  	_ =	strace $0x80000047;
	s5 =	ssub.s32 $0x2, s3;
	s24 =	sshll.u32 s4, $0xF  }
0x8: {  	s4 =	sshll.u32 s4, $0x7;
	s6 =	sshrl.u32 s5, $0x1;
	s3 =	sadd.s32 s0, s24  }
0x9: {  	s25 =	sadd.s32 s4, s1;
	s26 =	ssub.s32 s5, s6;
	s24 =	simm.s32 $0x1  }
0xa: {  	s0 =	simm.s32 $0x0;
	s30 =	sadd.s32 $0x800, s3;
	s5 =	sadd.s32 $0x1000, s3  }
0xb: {  	s6 =	sadd.s32 $0x1800, s3;
	s7 =	sadd.s32 $0x2000, s3;
	s8 =	sadd.s32 $0x2800, s3  }
0xc: {  	s9 =	sadd.s32 $0x3000, s3;
	s10 =	sadd.s32 $0x3800, s3;
	s11 =	sadd.s32 $0x4000, s3  }
0xd: {  	s12 =	sadd.s32 $0x4800, s3;
	s13 =	sadd.s32 $0x5000, s3;
	s14 =	sadd.s32 $0x5800, s3  }
0xe: {  	v0 =	vlaneseq.u32;
	s15 =	sadd.s32 $0x6000, s3;
	s16 =	sadd.s32 $0x6800, s3;
	s17 =	sadd.s32 $0x7000, s3  }
0xf: {  	v2 =	vmul.u32 $0x401, v0;
	s18 =	sadd.s32 $0x7800, s3;
	s19 =	sadd.s32 $0x400, s25;
	s20 =	smax.u32 s26, $0x1  }
0x10: {  	v1 =	vimm.f32 $0.0e+00;
	v3 =	vimm.f32 $1.000000000e+00;
	s25 =	simm.s32 $0x10000;
	s26 =	simm.s32 $0x2;
	[dreg:$0x3] =	wrdreg s30  }
.LBB2_1:
0x11: {  	s1 =	simm.s32 $0x10040  }
0x12: {  	[tilespmem:s1+$0xFFFFFFC0] =	vst v1  }
0x13: {  	[tilespmem:s1+$0x30] =	vst v1  }
0x14: {  	[tilespmem:s1+$0x20] =	vst v1  }
0x15: {  	[tilespmem:s1+$0x10] =	vst v1  }
0x16: {  	[tilespmem:s1+$0x0] =	vst v1  }
0x17: {  	[tilespmem:s1+$0xFFFFFFF0] =	vst v1  }
0x18: {  	s4 =	simm.s32 $0x0;
	[tilespmem:s1+$0xFFFFFFE0] =	vst v1  }
.LBB2_2:
0x19: {  	s4 =	sadd.s32 $0x8, s4;
	[tilespmem:s1+$0xFFFFFFD0] =	vst v1;
	s1 =	sadd.s32 $0x80, s1  }
0x1a: {  	[tilespmem:s1+$0xFFFFFFC0] =	vst v1;
	p0 =	slt.u32 s4, $0x3F8  }
0x1b: {  	[tilespmem:s1+$0x30] =	vst v1  }
.Ltmp0:
0x1c: {  	[tilespmem:s1+$0x20] =	vst v1;
	(pc) =	sbr.rel @p0 .LBB2_2-.Ltmp0, $4  }
0x1d: {  	[tilespmem:s1+$0x10] =	vst v1  }
0x1e: {  	[tilespmem:s1+$0x0] =	vst v1  }
0x1f: {  	[tilespmem:s1+$0xFFFFFFF0] =	vst v1  }
0x20: {  	[tilespmem:s1+$0xFFFFFFE0] =	vst v1  }
0x21: {  	[tilespmem:s1+$0xFFFFFFD0] =	vst v1  }
0x22: {  	[tilespmem:$0x14000] =	vst v1  }
0x23: {  	[tilespmem:s2], [sflag:$0x1] =	stream.linear.gather [hbm4b:s3+s2], $0x4000, $0x38;
	[tilespmem:$0x14480] =	vst v63  }
0x24: {  	s1 =	rddreg [dreg:$0x3]  }
0x25: {  	[tilespmem:s21], [sflag:$0x2] =	stream.linear.gather [hbm4b:s1+s2], $0x4000, $0x38;
	[tilespmem:$0x14480] =	vst v63  }
0x26: {  	_ = 	snop  }
0x27: {  	[tilespmem:s22], [sflag:$0x3] =	stream.linear.gather [hbm4b:s5+s2], $0x4000, $0x38;
	[tilespmem:$0x14480] =	vst v63  }
0x28: {  	_ = 	snop  }
0x29: {  	[tilespmem:s23], [sflag:$0x4] =	stream.linear.gather [hbm4b:s6+s2], $0x4000, $0x38;
	[tilespmem:$0x14480] =	vst v63  }
0x2a: {  	_ =	swait.ge [sflag:s24], $0x4000  }
0x2b: {  	[sflag:s24] =	ssyncset.done $0x0  }
0x2c: {  	s4 =	simm.s32 $0x40;
	[sflag:s24] =	ssyncadd.s32 $0xFFFFC000  }
0x2d: {  	v7 =	vld [tilespmem:s4+$0x30]  }
0x2e: {  	v4 =	vld [tilespmem:s4+$0xFFFFFFD0]  }
0x2f: {  	v5 =	vld [tilespmem:s4+$0xFFFFFFE0]  }
0x30: {  	v6 =	vld [tilespmem:s4+$0xFFFFFFF0]  }
0x31: {  	v8 =	vld [tilespmem:s4+$0x0]  }
0x32: {  	v10 =	vld [tilespmem:s4+$0x10]  }
0x33: {  	v12 =	vld [tilespmem:s4+$0xFFFFFFC0]  }
0x34: {  	v9 =	vmul.f32 $1.280000000e+02, v7;
	v11 =	vmul.f32 $1.280000000e+02, v4;
	v4 =	vand.u32 $0x7FFFFFFF, v4  }
0x35: {  	v18 =	vld [tilespmem:s4+$0x20];
	v13 =	vmul.f32 $1.280000000e+02, v5;
	v5 =	vand.u32 $0x7FFFFFFF, v5;
	v14 =	vmul.f32 $1.280000000e+02, v6  }
0x36: {  	v6 =	vand.u32 $0x7FFFFFFF, v6;
	v7 =	vand.u32 $0x7FFFFFFF, v7;
	v9 =	vadd.f32 $5.120000000e+02, v9  }
0x37: {  	v15 =	vmul.f32 $1.280000000e+02, v8;
	v16 =	vmul.f32 $1.280000000e+02, v10;
	vm0 =	vle.f32 v7, $4.000000000e+00  }
0x38: {  	v7 =	vmul.f32 $1.280000000e+02, v12;
	v11 =	vadd.f32 $5.120000000e+02, v11;
	v9 =	vtrunc.f32 v9  }
0x39: {  	v13 =	vadd.f32 $5.120000000e+02, v13;
	v14 =	vadd.f32 $5.120000000e+02, v14;
	v9 =	vcvt.f32.s32 v9  }
0x3a: {  	v17 =	vmul.f32 $1.280000000e+02, v18;
	v15 =	vadd.f32 $5.120000000e+02, v15;
	v7 =	vadd.f32 $5.120000000e+02, v7  }
0x3b: {  	v20 =	vtrunc.f32 v11;
	v11 =	vadd.f32 $5.120000000e+02, v16;
	v19 =	vadd.s32 v2, v9  }
0x3c: {  	v16 =	vadd.f32 $5.120000000e+02, v17;
	v21 =	vtrunc.f32 v13;
	v14 =	vtrunc.f32 v14  }
0x3d: {  	v13 =	vtrunc.f32 v15;
	v15 =	vtrunc.f32 v7;
	v7 =	vand.u32 $0x7FFFFFFF, v8  }
0x3e: {  	v8 =	vand.u32 $0x7FFFFFFF, v10;
	v14 =	vcvt.f32.s32 v14;
	v17 =	vcvt.f32.s32 v15  }
0x3f: {  	v15 =	vcvt.f32.s32 v20;
	v9 =	vand.u32 $0x7FFFFFFF, v12;
	v12 =	vtrunc.f32 v11  }
0x40: {  	s30 =	simm.s32 $0xC0;
	s1 =	simm.s32 $0x0;
	v10 =	vand.u32 $0x7FFFFFFF, v18;
	v11 =	vtrunc.f32 v16;
	v16 =	vcvt.f32.s32 v21;
	[tilespmem:v19+s25+$0x0] =	vst.idx.add.f32.msk vm0, v3  }
.LBB2_4:
0x41: {  	v18 =	vld [tilespmem:s30+$0x30];
	s1 =	sadd.s32 $0x8, s1;
	v17 =	vadd.s32 v2, v17;
	v13 =	vcvt.f32.s32 v13;
	v12 =	vcvt.f32.s32 v12  }
0x42: {  	v15 =	vadd.s32 v2, v15;
	v11 =	vcvt.f32.s32 v11;
	v19 =	vld [tilespmem:s30+$0xFFFFFFD0];
	p0 =	slt.u32 s1, $0x3F8;
	v16 =	vadd.s32 v2, v16  }
0x43: {  	v14 =	vadd.s32 v2, v14;
	v20 =	vld [tilespmem:s30+$0xFFFFFFE0];
	v13 =	vadd.s32 v2, v13;
	v12 =	vadd.s32 v2, v12  }
0x44: {  	vm6 =	vle.f32 v9, $4.000000000e+00;
	vm5 =	vle.f32 v4, $4.000000000e+00;
	v11 =	vadd.s32 v2, v11;
	v21 =	vld [tilespmem:s30+$0xFFFFFFF0]  }
0x45: {  	vm4 =	vle.f32 v5, $4.000000000e+00;
	vm3 =	vle.f32 v6, $4.000000000e+00;
	vm2 =	vle.f32 v7, $4.000000000e+00;
	v22 =	vld [tilespmem:s30+$0x0]  }
0x46: {  	vm1 =	vle.f32 v8, $4.000000000e+00;
	vm0 =	vle.f32 v10, $4.000000000e+00;
	v23 =	vld [tilespmem:s30+$0x10];
	v6 =	vmul.f32 $1.280000000e+02, v18  }
0x47: {  	v7 =	vmul.f32 $1.280000000e+02, v19;
	v4 =	vand.u32 $0x7FFFFFFF, v19;
	v10 =	vld [tilespmem:s30+$0x20]  }
0x48: {  	v8 =	vld [tilespmem:s30+$0xFFFFFFC0];
	v9 =	vmul.f32 $1.280000000e+02, v20;
	v5 =	vand.u32 $0x7FFFFFFF, v20;
	v19 =	vadd.f32 $5.120000000e+02, v6  }
0x49: {  	v7 =	vadd.f32 $5.120000000e+02, v7;
	v20 =	vmul.f32 $1.280000000e+02, v21;
	v6 =	vand.u32 $0x7FFFFFFF, v21  }
0x4a: {  	v9 =	vadd.f32 $5.120000000e+02, v9;
	v21 =	vmul.f32 $1.280000000e+02, v22;
	v19 =	vtrunc.f32 v19;
	[tilespmem:v17+s25+$0x0] =	vst.idx.add.f32.msk vm6, v3  }
0x4b: {  	v18 =	vand.u32 $0x7FFFFFFF, v18;
	v17 =	vmul.f32 $1.280000000e+02, v23;
	v19 =	vcvt.f32.s32 v19;
	[tilespmem:v15+s25+$0x0] =	vst.idx.add.f32.msk vm5, v3  }
0x4c: {  	v15 =	vadd.f32 $5.120000000e+02, v20;
	vm5 =	vle.f32 v18, $4.000000000e+00;
	v20 =	vmul.f32 $1.280000000e+02, v10;
	[tilespmem:v16+s25+$0x0] =	vst.idx.add.f32.msk vm4, v3  }
0x4d: {  	v18 =	vadd.f32 $5.120000000e+02, v21;
	v16 =	vmul.f32 $1.280000000e+02, v8;
	v19 =	vadd.s32 v2, v19;
	[tilespmem:v14+s25+$0x0] =	vst.idx.add.f32.msk vm3, v3  }
0x4e: {  	v14 =	vtrunc.f32 v7;
	v7 =	vadd.f32 $5.120000000e+02, v17;
	v17 =	vadd.f32 $5.120000000e+02, v20;
	[tilespmem:v13+s25+$0x0] =	vst.idx.add.f32.msk vm2, v3  }
.Ltmp1:
0x4f: {  	v21 =	vtrunc.f32 v15;
	v20 =	vtrunc.f32 v9;
	v16 =	vadd.f32 $5.120000000e+02, v16;
	[tilespmem:v12+s25+$0x0] =	vst.idx.add.f32.msk vm1, v3;
	(pc) =	sbr.rel @p0 .LBB2_4-.Ltmp1, $4  }
0x50: {  	v9 =	vand.u32 $0x7FFFFFFF, v8;
	v13 =	vtrunc.f32 v18;
	v12 =	vtrunc.f32 v7;
	[tilespmem:v11+s25+$0x0] =	vst.idx.add.f32.msk vm0, v3  }
0x51: {  	v7 =	vand.u32 $0x7FFFFFFF, v22;
	v11 =	vtrunc.f32 v17;
	v8 =	vtrunc.f32 v16  }
0x52: {  	v15 =	vcvt.f32.s32 v14;
	v17 =	vcvt.f32.s32 v8;
	v8 =	vand.u32 $0x7FFFFFFF, v23;
	[tilespmem:v19+s25+$0x0] =	vst.idx.add.f32.msk vm5, v3  }
0x53: {  	s30 =	sadd.s32 $0x80, s30;
	v10 =	vand.u32 $0x7FFFFFFF, v10;
	v14 =	vcvt.f32.s32 v21;
	v16 =	vcvt.f32.s32 v20  }
0x54: {  	vm0 =	vle.f32 v9, $4.000000000e+00  }
0x55: {  	v9 =	vadd.s32 v2, v17;
	vm1 =	vle.f32 v4, $4.000000000e+00  }
0x56: {  	v4 =	vadd.s32 v2, v15;
	vm2 =	vle.f32 v5, $4.000000000e+00  }
0x57: {  	v5 =	vcvt.f32.s32 v13;
	vm3 =	vle.f32 v6, $4.000000000e+00;
	v13 =	vadd.s32 v2, v16  }
0x58: {  	v6 =	vcvt.f32.s32 v12;
	vm4 =	vle.f32 v7, $4.000000000e+00;
	v12 =	vadd.s32 v2, v14  }
0x59: {  	v7 =	vcvt.f32.s32 v11;
	vm5 =	vle.f32 v8, $4.000000000e+00;
	v5 =	vadd.s32 v2, v5  }
0x5a: {  	vm6 =	vle.f32 v10, $4.000000000e+00;
	v6 =	vadd.s32 v2, v6;
	[tilespmem:v9+s25+$0x0] =	vst.idx.add.f32.msk vm0, v3  }
0x5b: {  	v7 =	vadd.s32 v2, v7;
	[tilespmem:v4+s25+$0x0] =	vst.idx.add.f32.msk vm1, v3  }
0x5c: {  	[tilespmem:v13+s25+$0x0] =	vst.idx.add.f32.msk vm2, v3  }
0x5d: {  	[tilespmem:v12+s25+$0x0] =	vst.idx.add.f32.msk vm3, v3  }
0x5e: {  	[tilespmem:v5+s25+$0x0] =	vst.idx.add.f32.msk vm4, v3  }
0x5f: {  	[tilespmem:v6+s25+$0x0] =	vst.idx.add.f32.msk vm5, v3  }
0x60: {  	[tilespmem:v7+s25+$0x0] =	vst.idx.add.f32.msk vm6, v3  }
0x61: {  	[tilespmem:s2], [sflag:$0x1] =	stream.linear.gather [hbm4b:s7+s2], $0x4000, $0x38;
	[tilespmem:$0x14480] =	vst v63  }
0x62: {  	_ =	swait.ge [sflag:s26], $0x4000  }
0x63: {  	[sflag:s26] =	ssyncset.done $0x0  }
0x64: {  	s1 =	simm.s32 $0x4040;
	[sflag:s26] =	ssyncadd.s32 $0xFFFFC000  }
0x65: {  	v7 =	vld [tilespmem:s1+$0x30]  }
0x66: {  	v4 =	vld [tilespmem:s1+$0xFFFFFFD0]  }
0x67: {  	v5 =	vld [tilespmem:s1+$0xFFFFFFE0]  }
0x68: {  	v6 =	vld [tilespmem:s1+$0xFFFFFFF0]  }
0x69: {  	v8 =	vld [tilespmem:s1+$0x0]  }
0x6a: {  	v10 =	vld [tilespmem:s1+$0x10]  }
0x6b: {  	v12 =	vld [tilespmem:s1+$0xFFFFFFC0]  }
0x6c: {  	v9 =	vmul.f32 $1.280000000e+02, v7;
	v11 =	vmul.f32 $1.280000000e+02, v4;
	v4 =	vand.u32 $0x7FFFFFFF, v4  }
0x6d: {  	v18 =	vld [tilespmem:s1+$0x20];
	v13 =	vmul.f32 $1.280000000e+02, v5;
	v5 =	vand.u32 $0x7FFFFFFF, v5;
	v14 =	vmul.f32 $1.280000000e+02, v6  }
0x6e: {  	v6 =	vand.u32 $0x7FFFFFFF, v6;
	v7 =	vand.u32 $0x7FFFFFFF, v7;
	v9 =	vadd.f32 $5.120000000e+02, v9  }
0x6f: {  	v15 =	vmul.f32 $1.280000000e+02, v8;
	v16 =	vmul.f32 $1.280000000e+02, v10;
	vm15 =	vle.f32 v7, $4.000000000e+00  }
0x70: {  	v7 =	vmul.f32 $1.280000000e+02, v12;
	v11 =	vadd.f32 $5.120000000e+02, v11;
	v9 =	vtrunc.f32 v9  }
0x71: {  	v13 =	vadd.f32 $5.120000000e+02, v13;
	v14 =	vadd.f32 $5.120000000e+02, v14;
	v9 =	vcvt.f32.s32 v9  }
0x72: {  	v17 =	vmul.f32 $1.280000000e+02, v18;
	v15 =	vadd.f32 $5.120000000e+02, v15;
	v7 =	vadd.f32 $5.120000000e+02, v7  }
0x73: {  	v20 =	vtrunc.f32 v11;
	v11 =	vadd.f32 $5.120000000e+02, v16;
	v19 =	vadd.s32 v2, v9  }
0x74: {  	v16 =	vadd.f32 $5.120000000e+02, v17;
	v21 =	vtrunc.f32 v13;
	v14 =	vtrunc.f32 v14  }
0x75: {  	v13 =	vtrunc.f32 v15;
	v15 =	vtrunc.f32 v7;
	v7 =	vand.u32 $0x7FFFFFFF, v8  }
0x76: {  	v8 =	vand.u32 $0x7FFFFFFF, v10;
	v14 =	vcvt.f32.s32 v14;
	v17 =	vcvt.f32.s32 v15  }
0x77: {  	v15 =	vcvt.f32.s32 v20;
	v9 =	vand.u32 $0x7FFFFFFF, v12;
	v12 =	vtrunc.f32 v11  }
0x78: {  	s30 =	simm.s32 $0x40C0;
	s1 =	simm.s32 $0x0;
	v10 =	vand.u32 $0x7FFFFFFF, v18;
	v11 =	vtrunc.f32 v16;
	v16 =	vcvt.f32.s32 v21;
	[tilespmem:v19+s25+$0x0] =	vst.idx.add.f32.msk vm15, v3  }
.LBB2_6:
0x79: {  	v18 =	vld [tilespmem:s30+$0x30];
	s1 =	sadd.s32 $0x8, s1;
	v17 =	vadd.s32 v2, v17;
	v13 =	vcvt.f32.s32 v13;
	v12 =	vcvt.f32.s32 v12  }
0x7a: {  	v15 =	vadd.s32 v2, v15;
	v11 =	vcvt.f32.s32 v11;
	v19 =	vld [tilespmem:s30+$0xFFFFFFD0];
	p0 =	slt.u32 s1, $0x3F8;
	v16 =	vadd.s32 v2, v16  }
0x7b: {  	v14 =	vadd.s32 v2, v14;
	v20 =	vld [tilespmem:s30+$0xFFFFFFE0];
	v13 =	vadd.s32 v2, v13;
	v12 =	vadd.s32 v2, v12  }
0x7c: {  	vm6 =	vle.f32 v9, $4.000000000e+00;
	vm5 =	vle.f32 v4, $4.000000000e+00;
	v11 =	vadd.s32 v2, v11;
	v21 =	vld [tilespmem:s30+$0xFFFFFFF0]  }
0x7d: {  	vm4 =	vle.f32 v5, $4.000000000e+00;
	vm3 =	vle.f32 v6, $4.000000000e+00;
	vm2 =	vle.f32 v7, $4.000000000e+00;
	v22 =	vld [tilespmem:s30+$0x0]  }
0x7e: {  	vm1 =	vle.f32 v8, $4.000000000e+00;
	vm0 =	vle.f32 v10, $4.000000000e+00;
	v23 =	vld [tilespmem:s30+$0x10];
	v6 =	vmul.f32 $1.280000000e+02, v18  }
0x7f: {  	v7 =	vmul.f32 $1.280000000e+02, v19;
	v4 =	vand.u32 $0x7FFFFFFF, v19;
	v10 =	vld [tilespmem:s30+$0x20]  }
0x80: {  	v8 =	vld [tilespmem:s30+$0xFFFFFFC0];
	v9 =	vmul.f32 $1.280000000e+02, v20;
	v5 =	vand.u32 $0x7FFFFFFF, v20;
	v19 =	vadd.f32 $5.120000000e+02, v6  }
0x81: {  	v7 =	vadd.f32 $5.120000000e+02, v7;
	v20 =	vmul.f32 $1.280000000e+02, v21;
	v6 =	vand.u32 $0x7FFFFFFF, v21  }
0x82: {  	v9 =	vadd.f32 $5.120000000e+02, v9;
	v21 =	vmul.f32 $1.280000000e+02, v22;
	v19 =	vtrunc.f32 v19;
	[tilespmem:v17+s25+$0x0] =	vst.idx.add.f32.msk vm6, v3  }
0x83: {  	v18 =	vand.u32 $0x7FFFFFFF, v18;
	v17 =	vmul.f32 $1.280000000e+02, v23;
	v19 =	vcvt.f32.s32 v19;
	[tilespmem:v15+s25+$0x0] =	vst.idx.add.f32.msk vm5, v3  }
0x84: {  	v15 =	vadd.f32 $5.120000000e+02, v20;
	vm5 =	vle.f32 v18, $4.000000000e+00;
	v20 =	vmul.f32 $1.280000000e+02, v10;
	[tilespmem:v16+s25+$0x0] =	vst.idx.add.f32.msk vm4, v3  }
0x85: {  	v18 =	vadd.f32 $5.120000000e+02, v21;
	v16 =	vmul.f32 $1.280000000e+02, v8;
	v19 =	vadd.s32 v2, v19;
	[tilespmem:v14+s25+$0x0] =	vst.idx.add.f32.msk vm3, v3  }
0x86: {  	v14 =	vtrunc.f32 v7;
	v7 =	vadd.f32 $5.120000000e+02, v17;
	v17 =	vadd.f32 $5.120000000e+02, v20;
	[tilespmem:v13+s25+$0x0] =	vst.idx.add.f32.msk vm2, v3  }
.Ltmp2:
0x87: {  	v21 =	vtrunc.f32 v15;
	v20 =	vtrunc.f32 v9;
	v16 =	vadd.f32 $5.120000000e+02, v16;
	[tilespmem:v12+s25+$0x0] =	vst.idx.add.f32.msk vm1, v3;
	(pc) =	sbr.rel @p0 .LBB2_6-.Ltmp2, $4  }
0x88: {  	v9 =	vand.u32 $0x7FFFFFFF, v8;
	v13 =	vtrunc.f32 v18;
	v12 =	vtrunc.f32 v7;
	[tilespmem:v11+s25+$0x0] =	vst.idx.add.f32.msk vm0, v3  }
0x89: {  	v7 =	vand.u32 $0x7FFFFFFF, v22;
	v11 =	vtrunc.f32 v17;
	v8 =	vtrunc.f32 v16  }
0x8a: {  	v15 =	vcvt.f32.s32 v14;
	v17 =	vcvt.f32.s32 v8;
	v8 =	vand.u32 $0x7FFFFFFF, v23;
	[tilespmem:v19+s25+$0x0] =	vst.idx.add.f32.msk vm5, v3  }
0x8b: {  	s30 =	sadd.s32 $0x80, s30;
	v10 =	vand.u32 $0x7FFFFFFF, v10;
	v14 =	vcvt.f32.s32 v21;
	v16 =	vcvt.f32.s32 v20  }
0x8c: {  	vm0 =	vle.f32 v9, $4.000000000e+00  }
0x8d: {  	v9 =	vadd.s32 v2, v17;
	vm1 =	vle.f32 v4, $4.000000000e+00  }
0x8e: {  	v4 =	vadd.s32 v2, v15;
	vm2 =	vle.f32 v5, $4.000000000e+00  }
0x8f: {  	v5 =	vcvt.f32.s32 v13;
	vm3 =	vle.f32 v6, $4.000000000e+00;
	v13 =	vadd.s32 v2, v16  }
0x90: {  	v6 =	vcvt.f32.s32 v12;
	vm4 =	vle.f32 v7, $4.000000000e+00;
	v12 =	vadd.s32 v2, v14  }
0x91: {  	v7 =	vcvt.f32.s32 v11;
	vm5 =	vle.f32 v8, $4.000000000e+00;
	v5 =	vadd.s32 v2, v5  }
0x92: {  	vm6 =	vle.f32 v10, $4.000000000e+00;
	v6 =	vadd.s32 v2, v6;
	[tilespmem:v9+s25+$0x0] =	vst.idx.add.f32.msk vm0, v3  }
0x93: {  	v7 =	vadd.s32 v2, v7;
	[tilespmem:v4+s25+$0x0] =	vst.idx.add.f32.msk vm1, v3  }
0x94: {  	[tilespmem:v13+s25+$0x0] =	vst.idx.add.f32.msk vm2, v3  }
0x95: {  	[tilespmem:v12+s25+$0x0] =	vst.idx.add.f32.msk vm3, v3  }
0x96: {  	[tilespmem:v5+s25+$0x0] =	vst.idx.add.f32.msk vm4, v3  }
0x97: {  	[tilespmem:v6+s25+$0x0] =	vst.idx.add.f32.msk vm5, v3  }
0x98: {  	[tilespmem:v7+s25+$0x0] =	vst.idx.add.f32.msk vm6, v3  }
0x99: {  	[tilespmem:s21], [sflag:$0x2] =	stream.linear.gather [hbm4b:s8+s2], $0x4000, $0x38;
	[tilespmem:$0x14480] =	vst v63  }
0x9a: {  	_ =	swait.ge [sflag:s28], $0x4000  }
0x9b: {  	[sflag:s28] =	ssyncset.done $0x0  }
0x9c: {  	s1 =	simm.s32 $0x8040;
	[sflag:s28] =	ssyncadd.s32 $0xFFFFC000  }
0x9d: {  	v7 =	vld [tilespmem:s1+$0x30]  }
0x9e: {  	v4 =	vld [tilespmem:s1+$0xFFFFFFD0]  }
0x9f: {  	v5 =	vld [tilespmem:s1+$0xFFFFFFE0]  }
0xa0: {  	v6 =	vld [tilespmem:s1+$0xFFFFFFF0]  }
0xa1: {  	v8 =	vld [tilespmem:s1+$0x0]  }
0xa2: {  	v10 =	vld [tilespmem:s1+$0x10]  }
0xa3: {  	v12 =	vld [tilespmem:s1+$0xFFFFFFC0]  }
0xa4: {  	v9 =	vmul.f32 $1.280000000e+02, v7;
	v11 =	vmul.f32 $1.280000000e+02, v4;
	v4 =	vand.u32 $0x7FFFFFFF, v4  }
0xa5: {  	v18 =	vld [tilespmem:s1+$0x20];
	v13 =	vmul.f32 $1.280000000e+02, v5;
	v5 =	vand.u32 $0x7FFFFFFF, v5;
	v14 =	vmul.f32 $1.280000000e+02, v6  }
0xa6: {  	v6 =	vand.u32 $0x7FFFFFFF, v6;
	v7 =	vand.u32 $0x7FFFFFFF, v7;
	v9 =	vadd.f32 $5.120000000e+02, v9  }
0xa7: {  	v15 =	vmul.f32 $1.280000000e+02, v8;
	v16 =	vmul.f32 $1.280000000e+02, v10;
	vm15 =	vle.f32 v7, $4.000000000e+00  }
0xa8: {  	v7 =	vmul.f32 $1.280000000e+02, v12;
	v11 =	vadd.f32 $5.120000000e+02, v11;
	v9 =	vtrunc.f32 v9  }
0xa9: {  	v13 =	vadd.f32 $5.120000000e+02, v13;
	v14 =	vadd.f32 $5.120000000e+02, v14;
	v9 =	vcvt.f32.s32 v9  }
0xaa: {  	v17 =	vmul.f32 $1.280000000e+02, v18;
	v15 =	vadd.f32 $5.120000000e+02, v15;
	v7 =	vadd.f32 $5.120000000e+02, v7  }
0xab: {  	v20 =	vtrunc.f32 v11;
	v11 =	vadd.f32 $5.120000000e+02, v16;
	v19 =	vadd.s32 v2, v9  }
0xac: {  	v16 =	vadd.f32 $5.120000000e+02, v17;
	v21 =	vtrunc.f32 v13;
	v14 =	vtrunc.f32 v14  }
0xad: {  	v13 =	vtrunc.f32 v15;
	v15 =	vtrunc.f32 v7;
	v7 =	vand.u32 $0x7FFFFFFF, v8  }
0xae: {  	v8 =	vand.u32 $0x7FFFFFFF, v10;
	v14 =	vcvt.f32.s32 v14;
	v17 =	vcvt.f32.s32 v15  }
0xaf: {  	v15 =	vcvt.f32.s32 v20;
	v9 =	vand.u32 $0x7FFFFFFF, v12;
	v12 =	vtrunc.f32 v11  }
0xb0: {  	s30 =	simm.s32 $0x80C0;
	s1 =	simm.s32 $0x0;
	v10 =	vand.u32 $0x7FFFFFFF, v18;
	v11 =	vtrunc.f32 v16;
	v16 =	vcvt.f32.s32 v21;
	[tilespmem:v19+s25+$0x0] =	vst.idx.add.f32.msk vm15, v3  }
.LBB2_8:
0xb1: {  	v18 =	vld [tilespmem:s30+$0x30];
	s1 =	sadd.s32 $0x8, s1;
	v17 =	vadd.s32 v2, v17;
	v13 =	vcvt.f32.s32 v13;
	v12 =	vcvt.f32.s32 v12  }
0xb2: {  	v15 =	vadd.s32 v2, v15;
	v11 =	vcvt.f32.s32 v11;
	v19 =	vld [tilespmem:s30+$0xFFFFFFD0];
	p0 =	slt.u32 s1, $0x3F8;
	v16 =	vadd.s32 v2, v16  }
0xb3: {  	v14 =	vadd.s32 v2, v14;
	v20 =	vld [tilespmem:s30+$0xFFFFFFE0];
	v13 =	vadd.s32 v2, v13;
	v12 =	vadd.s32 v2, v12  }
0xb4: {  	vm6 =	vle.f32 v9, $4.000000000e+00;
	vm5 =	vle.f32 v4, $4.000000000e+00;
	v11 =	vadd.s32 v2, v11;
	v21 =	vld [tilespmem:s30+$0xFFFFFFF0]  }
0xb5: {  	vm4 =	vle.f32 v5, $4.000000000e+00;
	vm3 =	vle.f32 v6, $4.000000000e+00;
	vm2 =	vle.f32 v7, $4.000000000e+00;
	v22 =	vld [tilespmem:s30+$0x0]  }
0xb6: {  	vm1 =	vle.f32 v8, $4.000000000e+00;
	vm0 =	vle.f32 v10, $4.000000000e+00;
	v23 =	vld [tilespmem:s30+$0x10];
	v6 =	vmul.f32 $1.280000000e+02, v18  }
0xb7: {  	v7 =	vmul.f32 $1.280000000e+02, v19;
	v4 =	vand.u32 $0x7FFFFFFF, v19;
	v10 =	vld [tilespmem:s30+$0x20]  }
0xb8: {  	v8 =	vld [tilespmem:s30+$0xFFFFFFC0];
	v9 =	vmul.f32 $1.280000000e+02, v20;
	v5 =	vand.u32 $0x7FFFFFFF, v20;
	v19 =	vadd.f32 $5.120000000e+02, v6  }
0xb9: {  	v7 =	vadd.f32 $5.120000000e+02, v7;
	v20 =	vmul.f32 $1.280000000e+02, v21;
	v6 =	vand.u32 $0x7FFFFFFF, v21  }
0xba: {  	v9 =	vadd.f32 $5.120000000e+02, v9;
	v21 =	vmul.f32 $1.280000000e+02, v22;
	v19 =	vtrunc.f32 v19;
	[tilespmem:v17+s25+$0x0] =	vst.idx.add.f32.msk vm6, v3  }
0xbb: {  	v18 =	vand.u32 $0x7FFFFFFF, v18;
	v17 =	vmul.f32 $1.280000000e+02, v23;
	v19 =	vcvt.f32.s32 v19;
	[tilespmem:v15+s25+$0x0] =	vst.idx.add.f32.msk vm5, v3  }
0xbc: {  	v15 =	vadd.f32 $5.120000000e+02, v20;
	vm5 =	vle.f32 v18, $4.000000000e+00;
	v20 =	vmul.f32 $1.280000000e+02, v10;
	[tilespmem:v16+s25+$0x0] =	vst.idx.add.f32.msk vm4, v3  }
0xbd: {  	v18 =	vadd.f32 $5.120000000e+02, v21;
	v16 =	vmul.f32 $1.280000000e+02, v8;
	v19 =	vadd.s32 v2, v19;
	[tilespmem:v14+s25+$0x0] =	vst.idx.add.f32.msk vm3, v3  }
0xbe: {  	v14 =	vtrunc.f32 v7;
	v7 =	vadd.f32 $5.120000000e+02, v17;
	v17 =	vadd.f32 $5.120000000e+02, v20;
	[tilespmem:v13+s25+$0x0] =	vst.idx.add.f32.msk vm2, v3  }
.Ltmp3:
0xbf: {  	v21 =	vtrunc.f32 v15;
	v20 =	vtrunc.f32 v9;
	v16 =	vadd.f32 $5.120000000e+02, v16;
	[tilespmem:v12+s25+$0x0] =	vst.idx.add.f32.msk vm1, v3;
	(pc) =	sbr.rel @p0 .LBB2_8-.Ltmp3, $4  }
0xc0: {  	v9 =	vand.u32 $0x7FFFFFFF, v8;
	v13 =	vtrunc.f32 v18;
	v12 =	vtrunc.f32 v7;
	[tilespmem:v11+s25+$0x0] =	vst.idx.add.f32.msk vm0, v3  }
0xc1: {  	v7 =	vand.u32 $0x7FFFFFFF, v22;
	v11 =	vtrunc.f32 v17;
	v8 =	vtrunc.f32 v16  }
0xc2: {  	v15 =	vcvt.f32.s32 v14;
	v17 =	vcvt.f32.s32 v8;
	v8 =	vand.u32 $0x7FFFFFFF, v23;
	[tilespmem:v19+s25+$0x0] =	vst.idx.add.f32.msk vm5, v3  }
0xc3: {  	s30 =	sadd.s32 $0x80, s30;
	v10 =	vand.u32 $0x7FFFFFFF, v10;
	v14 =	vcvt.f32.s32 v21;
	v16 =	vcvt.f32.s32 v20  }
0xc4: {  	vm0 =	vle.f32 v9, $4.000000000e+00  }
0xc5: {  	v9 =	vadd.s32 v2, v17;
	vm1 =	vle.f32 v4, $4.000000000e+00  }
0xc6: {  	v4 =	vadd.s32 v2, v15;
	vm2 =	vle.f32 v5, $4.000000000e+00  }
0xc7: {  	v5 =	vcvt.f32.s32 v13;
	vm3 =	vle.f32 v6, $4.000000000e+00;
	v13 =	vadd.s32 v2, v16  }
0xc8: {  	v6 =	vcvt.f32.s32 v12;
	vm4 =	vle.f32 v7, $4.000000000e+00;
	v12 =	vadd.s32 v2, v14  }
0xc9: {  	v7 =	vcvt.f32.s32 v11;
	vm5 =	vle.f32 v8, $4.000000000e+00;
	v5 =	vadd.s32 v2, v5  }
0xca: {  	vm6 =	vle.f32 v10, $4.000000000e+00;
	v6 =	vadd.s32 v2, v6;
	[tilespmem:v9+s25+$0x0] =	vst.idx.add.f32.msk vm0, v3  }
0xcb: {  	v7 =	vadd.s32 v2, v7;
	[tilespmem:v4+s25+$0x0] =	vst.idx.add.f32.msk vm1, v3  }
0xcc: {  	[tilespmem:v13+s25+$0x0] =	vst.idx.add.f32.msk vm2, v3  }
0xcd: {  	[tilespmem:v12+s25+$0x0] =	vst.idx.add.f32.msk vm3, v3  }
0xce: {  	[tilespmem:v5+s25+$0x0] =	vst.idx.add.f32.msk vm4, v3  }
0xcf: {  	[tilespmem:v6+s25+$0x0] =	vst.idx.add.f32.msk vm5, v3  }
0xd0: {  	[tilespmem:v7+s25+$0x0] =	vst.idx.add.f32.msk vm6, v3  }
0xd1: {  	[tilespmem:s22], [sflag:$0x3] =	stream.linear.gather [hbm4b:s9+s2], $0x4000, $0x38;
	[tilespmem:$0x14480] =	vst v63  }
0xd2: {  	_ =	swait.ge [sflag:s29], $0x4000  }
0xd3: {  	[sflag:s29] =	ssyncset.done $0x0  }
0xd4: {  	s1 =	simm.s32 $0xC040;
	[sflag:s29] =	ssyncadd.s32 $0xFFFFC000  }
0xd5: {  	v7 =	vld [tilespmem:s1+$0x30]  }
0xd6: {  	v4 =	vld [tilespmem:s1+$0xFFFFFFD0]  }
0xd7: {  	v5 =	vld [tilespmem:s1+$0xFFFFFFE0]  }
0xd8: {  	v6 =	vld [tilespmem:s1+$0xFFFFFFF0]  }
0xd9: {  	v8 =	vld [tilespmem:s1+$0x0]  }
0xda: {  	v10 =	vld [tilespmem:s1+$0x10]  }
0xdb: {  	v12 =	vld [tilespmem:s1+$0xFFFFFFC0]  }
0xdc: {  	v9 =	vmul.f32 $1.280000000e+02, v7;
	v11 =	vmul.f32 $1.280000000e+02, v4;
	v4 =	vand.u32 $0x7FFFFFFF, v4  }
0xdd: {  	v18 =	vld [tilespmem:s1+$0x20];
	v13 =	vmul.f32 $1.280000000e+02, v5;
	v5 =	vand.u32 $0x7FFFFFFF, v5;
	v14 =	vmul.f32 $1.280000000e+02, v6  }
0xde: {  	v6 =	vand.u32 $0x7FFFFFFF, v6;
	v7 =	vand.u32 $0x7FFFFFFF, v7;
	v9 =	vadd.f32 $5.120000000e+02, v9  }
0xdf: {  	v15 =	vmul.f32 $1.280000000e+02, v8;
	v16 =	vmul.f32 $1.280000000e+02, v10;
	vm15 =	vle.f32 v7, $4.000000000e+00  }
0xe0: {  	v7 =	vmul.f32 $1.280000000e+02, v12;
	v11 =	vadd.f32 $5.120000000e+02, v11;
	v9 =	vtrunc.f32 v9  }
0xe1: {  	v13 =	vadd.f32 $5.120000000e+02, v13;
	v14 =	vadd.f32 $5.120000000e+02, v14;
	v9 =	vcvt.f32.s32 v9  }
0xe2: {  	v17 =	vmul.f32 $1.280000000e+02, v18;
	v15 =	vadd.f32 $5.120000000e+02, v15;
	v7 =	vadd.f32 $5.120000000e+02, v7  }
0xe3: {  	v20 =	vtrunc.f32 v11;
	v11 =	vadd.f32 $5.120000000e+02, v16;
	v19 =	vadd.s32 v2, v9  }
0xe4: {  	v16 =	vadd.f32 $5.120000000e+02, v17;
	v21 =	vtrunc.f32 v13;
	v14 =	vtrunc.f32 v14  }
0xe5: {  	v13 =	vtrunc.f32 v15;
	v15 =	vtrunc.f32 v7;
	v7 =	vand.u32 $0x7FFFFFFF, v8  }
0xe6: {  	v8 =	vand.u32 $0x7FFFFFFF, v10;
	v14 =	vcvt.f32.s32 v14;
	v17 =	vcvt.f32.s32 v15  }
0xe7: {  	v15 =	vcvt.f32.s32 v20;
	v9 =	vand.u32 $0x7FFFFFFF, v12;
	v12 =	vtrunc.f32 v11  }
0xe8: {  	s30 =	simm.s32 $0xC0C0;
	s1 =	simm.s32 $0x0;
	v10 =	vand.u32 $0x7FFFFFFF, v18;
	v11 =	vtrunc.f32 v16;
	v16 =	vcvt.f32.s32 v21;
	[tilespmem:v19+s25+$0x0] =	vst.idx.add.f32.msk vm15, v3  }
.LBB2_10:
0xe9: {  	v18 =	vld [tilespmem:s30+$0x30];
	s1 =	sadd.s32 $0x8, s1;
	v17 =	vadd.s32 v2, v17;
	v13 =	vcvt.f32.s32 v13;
	v12 =	vcvt.f32.s32 v12  }
0xea: {  	v15 =	vadd.s32 v2, v15;
	v11 =	vcvt.f32.s32 v11;
	v19 =	vld [tilespmem:s30+$0xFFFFFFD0];
	p0 =	slt.u32 s1, $0x3F8;
	v16 =	vadd.s32 v2, v16  }
0xeb: {  	v14 =	vadd.s32 v2, v14;
	v20 =	vld [tilespmem:s30+$0xFFFFFFE0];
	v13 =	vadd.s32 v2, v13;
	v12 =	vadd.s32 v2, v12  }
0xec: {  	vm6 =	vle.f32 v9, $4.000000000e+00;
	vm5 =	vle.f32 v4, $4.000000000e+00;
	v11 =	vadd.s32 v2, v11;
	v21 =	vld [tilespmem:s30+$0xFFFFFFF0]  }
0xed: {  	vm4 =	vle.f32 v5, $4.000000000e+00;
	vm3 =	vle.f32 v6, $4.000000000e+00;
	vm2 =	vle.f32 v7, $4.000000000e+00;
	v22 =	vld [tilespmem:s30+$0x0]  }
0xee: {  	vm1 =	vle.f32 v8, $4.000000000e+00;
	vm0 =	vle.f32 v10, $4.000000000e+00;
	v23 =	vld [tilespmem:s30+$0x10];
	v6 =	vmul.f32 $1.280000000e+02, v18  }
0xef: {  	v7 =	vmul.f32 $1.280000000e+02, v19;
	v4 =	vand.u32 $0x7FFFFFFF, v19;
	v10 =	vld [tilespmem:s30+$0x20]  }
0xf0: {  	v8 =	vld [tilespmem:s30+$0xFFFFFFC0];
	v9 =	vmul.f32 $1.280000000e+02, v20;
	v5 =	vand.u32 $0x7FFFFFFF, v20;
	v19 =	vadd.f32 $5.120000000e+02, v6  }
0xf1: {  	v7 =	vadd.f32 $5.120000000e+02, v7;
	v20 =	vmul.f32 $1.280000000e+02, v21;
	v6 =	vand.u32 $0x7FFFFFFF, v21  }
0xf2: {  	v9 =	vadd.f32 $5.120000000e+02, v9;
	v21 =	vmul.f32 $1.280000000e+02, v22;
	v19 =	vtrunc.f32 v19;
	[tilespmem:v17+s25+$0x0] =	vst.idx.add.f32.msk vm6, v3  }
0xf3: {  	v18 =	vand.u32 $0x7FFFFFFF, v18;
	v17 =	vmul.f32 $1.280000000e+02, v23;
	v19 =	vcvt.f32.s32 v19;
	[tilespmem:v15+s25+$0x0] =	vst.idx.add.f32.msk vm5, v3  }
0xf4: {  	v15 =	vadd.f32 $5.120000000e+02, v20;
	vm5 =	vle.f32 v18, $4.000000000e+00;
	v20 =	vmul.f32 $1.280000000e+02, v10;
	[tilespmem:v16+s25+$0x0] =	vst.idx.add.f32.msk vm4, v3  }
0xf5: {  	v18 =	vadd.f32 $5.120000000e+02, v21;
	v16 =	vmul.f32 $1.280000000e+02, v8;
	v19 =	vadd.s32 v2, v19;
	[tilespmem:v14+s25+$0x0] =	vst.idx.add.f32.msk vm3, v3  }
0xf6: {  	v14 =	vtrunc.f32 v7;
	v7 =	vadd.f32 $5.120000000e+02, v17;
	v17 =	vadd.f32 $5.120000000e+02, v20;
	[tilespmem:v13+s25+$0x0] =	vst.idx.add.f32.msk vm2, v3  }
.Ltmp4:
0xf7: {  	v21 =	vtrunc.f32 v15;
	v20 =	vtrunc.f32 v9;
	v16 =	vadd.f32 $5.120000000e+02, v16;
	[tilespmem:v12+s25+$0x0] =	vst.idx.add.f32.msk vm1, v3;
	(pc) =	sbr.rel @p0 .LBB2_10-.Ltmp4, $4  }
0xf8: {  	v9 =	vand.u32 $0x7FFFFFFF, v8;
	v13 =	vtrunc.f32 v18;
	v12 =	vtrunc.f32 v7;
	[tilespmem:v11+s25+$0x0] =	vst.idx.add.f32.msk vm0, v3  }
0xf9: {  	v7 =	vand.u32 $0x7FFFFFFF, v22;
	v11 =	vtrunc.f32 v17;
	v8 =	vtrunc.f32 v16  }
0xfa: {  	v15 =	vcvt.f32.s32 v14;
	v17 =	vcvt.f32.s32 v8;
	v8 =	vand.u32 $0x7FFFFFFF, v23;
	[tilespmem:v19+s25+$0x0] =	vst.idx.add.f32.msk vm5, v3  }
0xfb: {  	s30 =	sadd.s32 $0x80, s30;
	v10 =	vand.u32 $0x7FFFFFFF, v10;
	v14 =	vcvt.f32.s32 v21;
	v16 =	vcvt.f32.s32 v20  }
0xfc: {  	vm0 =	vle.f32 v9, $4.000000000e+00  }
0xfd: {  	v9 =	vadd.s32 v2, v17;
	vm1 =	vle.f32 v4, $4.000000000e+00  }
0xfe: {  	v4 =	vadd.s32 v2, v15;
	vm2 =	vle.f32 v5, $4.000000000e+00  }
0xff: {  	v5 =	vcvt.f32.s32 v13;
	vm3 =	vle.f32 v6, $4.000000000e+00;
	v13 =	vadd.s32 v2, v16  }
0x100: {  	v6 =	vcvt.f32.s32 v12;
	vm4 =	vle.f32 v7, $4.000000000e+00;
	v12 =	vadd.s32 v2, v14  }
0x101: {  	v7 =	vcvt.f32.s32 v11;
	vm5 =	vle.f32 v8, $4.000000000e+00;
	v5 =	vadd.s32 v2, v5  }
0x102: {  	vm6 =	vle.f32 v10, $4.000000000e+00;
	v6 =	vadd.s32 v2, v6;
	[tilespmem:v9+s25+$0x0] =	vst.idx.add.f32.msk vm0, v3  }
0x103: {  	v7 =	vadd.s32 v2, v7;
	[tilespmem:v4+s25+$0x0] =	vst.idx.add.f32.msk vm1, v3  }
0x104: {  	[tilespmem:v13+s25+$0x0] =	vst.idx.add.f32.msk vm2, v3  }
0x105: {  	[tilespmem:v12+s25+$0x0] =	vst.idx.add.f32.msk vm3, v3  }
0x106: {  	[tilespmem:v5+s25+$0x0] =	vst.idx.add.f32.msk vm4, v3  }
0x107: {  	[tilespmem:v6+s25+$0x0] =	vst.idx.add.f32.msk vm5, v3  }
0x108: {  	[tilespmem:v7+s25+$0x0] =	vst.idx.add.f32.msk vm6, v3  }
0x109: {  	[tilespmem:s23], [sflag:$0x4] =	stream.linear.gather [hbm4b:s10+s2], $0x4000, $0x38;
	[tilespmem:$0x14480] =	vst v63  }
0x10a: {  	_ =	swait.ge [sflag:s24], $0x4000  }
0x10b: {  	[sflag:s24] =	ssyncset.done $0x0  }
0x10c: {  	s1 =	simm.s32 $0x40;
	[sflag:s24] =	ssyncadd.s32 $0xFFFFC000  }
0x10d: {  	v7 =	vld [tilespmem:s1+$0x30]  }
0x10e: {  	v4 =	vld [tilespmem:s1+$0xFFFFFFD0]  }
0x10f: {  	v5 =	vld [tilespmem:s1+$0xFFFFFFE0]  }
0x110: {  	v6 =	vld [tilespmem:s1+$0xFFFFFFF0]  }
0x111: {  	v8 =	vld [tilespmem:s1+$0x0]  }
0x112: {  	v10 =	vld [tilespmem:s1+$0x10]  }
0x113: {  	v12 =	vld [tilespmem:s1+$0xFFFFFFC0]  }
0x114: {  	v9 =	vmul.f32 $1.280000000e+02, v7;
	v11 =	vmul.f32 $1.280000000e+02, v4;
	v4 =	vand.u32 $0x7FFFFFFF, v4  }
0x115: {  	v18 =	vld [tilespmem:s1+$0x20];
	v13 =	vmul.f32 $1.280000000e+02, v5;
	v5 =	vand.u32 $0x7FFFFFFF, v5;
	v14 =	vmul.f32 $1.280000000e+02, v6  }
0x116: {  	v6 =	vand.u32 $0x7FFFFFFF, v6;
	v7 =	vand.u32 $0x7FFFFFFF, v7;
	v9 =	vadd.f32 $5.120000000e+02, v9  }
0x117: {  	v15 =	vmul.f32 $1.280000000e+02, v8;
	v16 =	vmul.f32 $1.280000000e+02, v10;
	vm15 =	vle.f32 v7, $4.000000000e+00  }
0x118: {  	v7 =	vmul.f32 $1.280000000e+02, v12;
	v11 =	vadd.f32 $5.120000000e+02, v11;
	v9 =	vtrunc.f32 v9  }
0x119: {  	v13 =	vadd.f32 $5.120000000e+02, v13;
	v14 =	vadd.f32 $5.120000000e+02, v14;
	v9 =	vcvt.f32.s32 v9  }
0x11a: {  	v17 =	vmul.f32 $1.280000000e+02, v18;
	v15 =	vadd.f32 $5.120000000e+02, v15;
	v7 =	vadd.f32 $5.120000000e+02, v7  }
0x11b: {  	v20 =	vtrunc.f32 v11;
	v11 =	vadd.f32 $5.120000000e+02, v16;
	v19 =	vadd.s32 v2, v9  }
0x11c: {  	v16 =	vadd.f32 $5.120000000e+02, v17;
	v21 =	vtrunc.f32 v13;
	v14 =	vtrunc.f32 v14  }
0x11d: {  	v13 =	vtrunc.f32 v15;
	v15 =	vtrunc.f32 v7;
	v7 =	vand.u32 $0x7FFFFFFF, v8  }
0x11e: {  	v8 =	vand.u32 $0x7FFFFFFF, v10;
	v14 =	vcvt.f32.s32 v14;
	v17 =	vcvt.f32.s32 v15  }
0x11f: {  	v15 =	vcvt.f32.s32 v20;
	v9 =	vand.u32 $0x7FFFFFFF, v12;
	v12 =	vtrunc.f32 v11  }
0x120: {  	s30 =	simm.s32 $0xC0;
	s1 =	simm.s32 $0x0;
	v10 =	vand.u32 $0x7FFFFFFF, v18;
	v11 =	vtrunc.f32 v16;
	v16 =	vcvt.f32.s32 v21;
	[tilespmem:v19+s25+$0x0] =	vst.idx.add.f32.msk vm15, v3  }
.LBB2_12:
0x121: {  	v18 =	vld [tilespmem:s30+$0x30];
	s1 =	sadd.s32 $0x8, s1;
	v17 =	vadd.s32 v2, v17;
	v13 =	vcvt.f32.s32 v13;
	v12 =	vcvt.f32.s32 v12  }
0x122: {  	v15 =	vadd.s32 v2, v15;
	v11 =	vcvt.f32.s32 v11;
	v19 =	vld [tilespmem:s30+$0xFFFFFFD0];
	p0 =	slt.u32 s1, $0x3F8;
	v16 =	vadd.s32 v2, v16  }
0x123: {  	v14 =	vadd.s32 v2, v14;
	v20 =	vld [tilespmem:s30+$0xFFFFFFE0];
	v13 =	vadd.s32 v2, v13;
	v12 =	vadd.s32 v2, v12  }
0x124: {  	vm6 =	vle.f32 v9, $4.000000000e+00;
	vm5 =	vle.f32 v4, $4.000000000e+00;
	v11 =	vadd.s32 v2, v11;
	v21 =	vld [tilespmem:s30+$0xFFFFFFF0]  }
0x125: {  	vm4 =	vle.f32 v5, $4.000000000e+00;
	vm3 =	vle.f32 v6, $4.000000000e+00;
	vm2 =	vle.f32 v7, $4.000000000e+00;
	v22 =	vld [tilespmem:s30+$0x0]  }
0x126: {  	vm1 =	vle.f32 v8, $4.000000000e+00;
	vm0 =	vle.f32 v10, $4.000000000e+00;
	v23 =	vld [tilespmem:s30+$0x10];
	v6 =	vmul.f32 $1.280000000e+02, v18  }
0x127: {  	v7 =	vmul.f32 $1.280000000e+02, v19;
	v4 =	vand.u32 $0x7FFFFFFF, v19;
	v10 =	vld [tilespmem:s30+$0x20]  }
0x128: {  	v8 =	vld [tilespmem:s30+$0xFFFFFFC0];
	v9 =	vmul.f32 $1.280000000e+02, v20;
	v5 =	vand.u32 $0x7FFFFFFF, v20;
	v19 =	vadd.f32 $5.120000000e+02, v6  }
0x129: {  	v7 =	vadd.f32 $5.120000000e+02, v7;
	v20 =	vmul.f32 $1.280000000e+02, v21;
	v6 =	vand.u32 $0x7FFFFFFF, v21  }
0x12a: {  	v9 =	vadd.f32 $5.120000000e+02, v9;
	v21 =	vmul.f32 $1.280000000e+02, v22;
	v19 =	vtrunc.f32 v19;
	[tilespmem:v17+s25+$0x0] =	vst.idx.add.f32.msk vm6, v3  }
0x12b: {  	v18 =	vand.u32 $0x7FFFFFFF, v18;
	v17 =	vmul.f32 $1.280000000e+02, v23;
	v19 =	vcvt.f32.s32 v19;
	[tilespmem:v15+s25+$0x0] =	vst.idx.add.f32.msk vm5, v3  }
0x12c: {  	v15 =	vadd.f32 $5.120000000e+02, v20;
	vm5 =	vle.f32 v18, $4.000000000e+00;
	v20 =	vmul.f32 $1.280000000e+02, v10;
	[tilespmem:v16+s25+$0x0] =	vst.idx.add.f32.msk vm4, v3  }
0x12d: {  	v18 =	vadd.f32 $5.120000000e+02, v21;
	v16 =	vmul.f32 $1.280000000e+02, v8;
	v19 =	vadd.s32 v2, v19;
	[tilespmem:v14+s25+$0x0] =	vst.idx.add.f32.msk vm3, v3  }
0x12e: {  	v14 =	vtrunc.f32 v7;
	v7 =	vadd.f32 $5.120000000e+02, v17;
	v17 =	vadd.f32 $5.120000000e+02, v20;
	[tilespmem:v13+s25+$0x0] =	vst.idx.add.f32.msk vm2, v3  }
.Ltmp5:
0x12f: {  	v21 =	vtrunc.f32 v15;
	v20 =	vtrunc.f32 v9;
	v16 =	vadd.f32 $5.120000000e+02, v16;
	[tilespmem:v12+s25+$0x0] =	vst.idx.add.f32.msk vm1, v3;
	(pc) =	sbr.rel @p0 .LBB2_12-.Ltmp5, $4  }
0x130: {  	v9 =	vand.u32 $0x7FFFFFFF, v8;
	v13 =	vtrunc.f32 v18;
	v12 =	vtrunc.f32 v7;
	[tilespmem:v11+s25+$0x0] =	vst.idx.add.f32.msk vm0, v3  }
0x131: {  	v7 =	vand.u32 $0x7FFFFFFF, v22;
	v11 =	vtrunc.f32 v17;
	v8 =	vtrunc.f32 v16  }
0x132: {  	v15 =	vcvt.f32.s32 v14;
	v17 =	vcvt.f32.s32 v8;
	v8 =	vand.u32 $0x7FFFFFFF, v23;
	[tilespmem:v19+s25+$0x0] =	vst.idx.add.f32.msk vm5, v3  }
0x133: {  	s30 =	sadd.s32 $0x80, s30;
	v10 =	vand.u32 $0x7FFFFFFF, v10;
	v14 =	vcvt.f32.s32 v21;
	v16 =	vcvt.f32.s32 v20  }
0x134: {  	vm0 =	vle.f32 v9, $4.000000000e+00  }
0x135: {  	v9 =	vadd.s32 v2, v17;
	vm1 =	vle.f32 v4, $4.000000000e+00  }
0x136: {  	v4 =	vadd.s32 v2, v15;
	vm2 =	vle.f32 v5, $4.000000000e+00  }
0x137: {  	v5 =	vcvt.f32.s32 v13;
	vm3 =	vle.f32 v6, $4.000000000e+00;
	v13 =	vadd.s32 v2, v16  }
0x138: {  	v6 =	vcvt.f32.s32 v12;
	vm4 =	vle.f32 v7, $4.000000000e+00;
	v12 =	vadd.s32 v2, v14  }
0x139: {  	v7 =	vcvt.f32.s32 v11;
	vm5 =	vle.f32 v8, $4.000000000e+00;
	v5 =	vadd.s32 v2, v5  }
0x13a: {  	vm6 =	vle.f32 v10, $4.000000000e+00;
	v6 =	vadd.s32 v2, v6;
	[tilespmem:v9+s25+$0x0] =	vst.idx.add.f32.msk vm0, v3  }
0x13b: {  	v7 =	vadd.s32 v2, v7;
	[tilespmem:v4+s25+$0x0] =	vst.idx.add.f32.msk vm1, v3  }
0x13c: {  	[tilespmem:v13+s25+$0x0] =	vst.idx.add.f32.msk vm2, v3  }
0x13d: {  	[tilespmem:v12+s25+$0x0] =	vst.idx.add.f32.msk vm3, v3  }
0x13e: {  	[tilespmem:v5+s25+$0x0] =	vst.idx.add.f32.msk vm4, v3  }
0x13f: {  	[tilespmem:v6+s25+$0x0] =	vst.idx.add.f32.msk vm5, v3  }
0x140: {  	[tilespmem:v7+s25+$0x0] =	vst.idx.add.f32.msk vm6, v3  }
0x141: {  	[tilespmem:s2], [sflag:$0x1] =	stream.linear.gather [hbm4b:s11+s2], $0x4000, $0x38;
	[tilespmem:$0x14480] =	vst v63  }
0x142: {  	_ =	swait.ge [sflag:s26], $0x4000  }
0x143: {  	[sflag:s26] =	ssyncset.done $0x0  }
0x144: {  	s1 =	simm.s32 $0x4040;
	[sflag:s26] =	ssyncadd.s32 $0xFFFFC000  }
0x145: {  	v7 =	vld [tilespmem:s1+$0x30]  }
0x146: {  	v4 =	vld [tilespmem:s1+$0xFFFFFFD0]  }
0x147: {  	v5 =	vld [tilespmem:s1+$0xFFFFFFE0]  }
0x148: {  	v6 =	vld [tilespmem:s1+$0xFFFFFFF0]  }
0x149: {  	v8 =	vld [tilespmem:s1+$0x0]  }
0x14a: {  	v10 =	vld [tilespmem:s1+$0x10]  }
0x14b: {  	v12 =	vld [tilespmem:s1+$0xFFFFFFC0]  }
0x14c: {  	v9 =	vmul.f32 $1.280000000e+02, v7;
	v11 =	vmul.f32 $1.280000000e+02, v4;
	v4 =	vand.u32 $0x7FFFFFFF, v4  }
0x14d: {  	v18 =	vld [tilespmem:s1+$0x20];
	v13 =	vmul.f32 $1.280000000e+02, v5;
	v5 =	vand.u32 $0x7FFFFFFF, v5;
	v14 =	vmul.f32 $1.280000000e+02, v6  }
0x14e: {  	v6 =	vand.u32 $0x7FFFFFFF, v6;
	v7 =	vand.u32 $0x7FFFFFFF, v7;
	v9 =	vadd.f32 $5.120000000e+02, v9  }
0x14f: {  	v15 =	vmul.f32 $1.280000000e+02, v8;
	v16 =	vmul.f32 $1.280000000e+02, v10;
	vm15 =	vle.f32 v7, $4.000000000e+00  }
0x150: {  	v7 =	vmul.f32 $1.280000000e+02, v12;
	v11 =	vadd.f32 $5.120000000e+02, v11;
	v9 =	vtrunc.f32 v9  }
0x151: {  	v13 =	vadd.f32 $5.120000000e+02, v13;
	v14 =	vadd.f32 $5.120000000e+02, v14;
	v9 =	vcvt.f32.s32 v9  }
0x152: {  	v17 =	vmul.f32 $1.280000000e+02, v18;
	v15 =	vadd.f32 $5.120000000e+02, v15;
	v7 =	vadd.f32 $5.120000000e+02, v7  }
0x153: {  	v20 =	vtrunc.f32 v11;
	v11 =	vadd.f32 $5.120000000e+02, v16;
	v19 =	vadd.s32 v2, v9  }
0x154: {  	v16 =	vadd.f32 $5.120000000e+02, v17;
	v21 =	vtrunc.f32 v13;
	v14 =	vtrunc.f32 v14  }
0x155: {  	v13 =	vtrunc.f32 v15;
	v15 =	vtrunc.f32 v7;
	v7 =	vand.u32 $0x7FFFFFFF, v8  }
0x156: {  	v8 =	vand.u32 $0x7FFFFFFF, v10;
	v14 =	vcvt.f32.s32 v14;
	v17 =	vcvt.f32.s32 v15  }
0x157: {  	v15 =	vcvt.f32.s32 v20;
	v9 =	vand.u32 $0x7FFFFFFF, v12;
	v12 =	vtrunc.f32 v11  }
0x158: {  	s30 =	simm.s32 $0x40C0;
	s1 =	simm.s32 $0x0;
	v10 =	vand.u32 $0x7FFFFFFF, v18;
	v11 =	vtrunc.f32 v16;
	v16 =	vcvt.f32.s32 v21;
	[tilespmem:v19+s25+$0x0] =	vst.idx.add.f32.msk vm15, v3  }
.LBB2_14:
0x159: {  	v18 =	vld [tilespmem:s30+$0x30];
	s1 =	sadd.s32 $0x8, s1;
	v17 =	vadd.s32 v2, v17;
	v13 =	vcvt.f32.s32 v13;
	v12 =	vcvt.f32.s32 v12  }
0x15a: {  	v15 =	vadd.s32 v2, v15;
	v11 =	vcvt.f32.s32 v11;
	v19 =	vld [tilespmem:s30+$0xFFFFFFD0];
	p0 =	slt.u32 s1, $0x3F8;
	v16 =	vadd.s32 v2, v16  }
0x15b: {  	v14 =	vadd.s32 v2, v14;
	v20 =	vld [tilespmem:s30+$0xFFFFFFE0];
	v13 =	vadd.s32 v2, v13;
	v12 =	vadd.s32 v2, v12  }
0x15c: {  	vm6 =	vle.f32 v9, $4.000000000e+00;
	vm5 =	vle.f32 v4, $4.000000000e+00;
	v11 =	vadd.s32 v2, v11;
	v21 =	vld [tilespmem:s30+$0xFFFFFFF0]  }
0x15d: {  	vm4 =	vle.f32 v5, $4.000000000e+00;
	vm3 =	vle.f32 v6, $4.000000000e+00;
	vm2 =	vle.f32 v7, $4.000000000e+00;
	v22 =	vld [tilespmem:s30+$0x0]  }
0x15e: {  	vm1 =	vle.f32 v8, $4.000000000e+00;
	vm0 =	vle.f32 v10, $4.000000000e+00;
	v23 =	vld [tilespmem:s30+$0x10];
	v6 =	vmul.f32 $1.280000000e+02, v18  }
0x15f: {  	v7 =	vmul.f32 $1.280000000e+02, v19;
	v4 =	vand.u32 $0x7FFFFFFF, v19;
	v10 =	vld [tilespmem:s30+$0x20]  }
0x160: {  	v8 =	vld [tilespmem:s30+$0xFFFFFFC0];
	v9 =	vmul.f32 $1.280000000e+02, v20;
	v5 =	vand.u32 $0x7FFFFFFF, v20;
	v19 =	vadd.f32 $5.120000000e+02, v6  }
0x161: {  	v7 =	vadd.f32 $5.120000000e+02, v7;
	v20 =	vmul.f32 $1.280000000e+02, v21;
	v6 =	vand.u32 $0x7FFFFFFF, v21  }
0x162: {  	v9 =	vadd.f32 $5.120000000e+02, v9;
	v21 =	vmul.f32 $1.280000000e+02, v22;
	v19 =	vtrunc.f32 v19;
	[tilespmem:v17+s25+$0x0] =	vst.idx.add.f32.msk vm6, v3  }
0x163: {  	v18 =	vand.u32 $0x7FFFFFFF, v18;
	v17 =	vmul.f32 $1.280000000e+02, v23;
	v19 =	vcvt.f32.s32 v19;
	[tilespmem:v15+s25+$0x0] =	vst.idx.add.f32.msk vm5, v3  }
0x164: {  	v15 =	vadd.f32 $5.120000000e+02, v20;
	vm5 =	vle.f32 v18, $4.000000000e+00;
	v20 =	vmul.f32 $1.280000000e+02, v10;
	[tilespmem:v16+s25+$0x0] =	vst.idx.add.f32.msk vm4, v3  }
0x165: {  	v18 =	vadd.f32 $5.120000000e+02, v21;
	v16 =	vmul.f32 $1.280000000e+02, v8;
	v19 =	vadd.s32 v2, v19;
	[tilespmem:v14+s25+$0x0] =	vst.idx.add.f32.msk vm3, v3  }
0x166: {  	v14 =	vtrunc.f32 v7;
	v7 =	vadd.f32 $5.120000000e+02, v17;
	v17 =	vadd.f32 $5.120000000e+02, v20;
	[tilespmem:v13+s25+$0x0] =	vst.idx.add.f32.msk vm2, v3  }
.Ltmp6:
0x167: {  	v21 =	vtrunc.f32 v15;
	v20 =	vtrunc.f32 v9;
	v16 =	vadd.f32 $5.120000000e+02, v16;
	[tilespmem:v12+s25+$0x0] =	vst.idx.add.f32.msk vm1, v3;
	(pc) =	sbr.rel @p0 .LBB2_14-.Ltmp6, $4  }
0x168: {  	v9 =	vand.u32 $0x7FFFFFFF, v8;
	v13 =	vtrunc.f32 v18;
	v12 =	vtrunc.f32 v7;
	[tilespmem:v11+s25+$0x0] =	vst.idx.add.f32.msk vm0, v3  }
0x169: {  	v7 =	vand.u32 $0x7FFFFFFF, v22;
	v11 =	vtrunc.f32 v17;
	v8 =	vtrunc.f32 v16  }
0x16a: {  	v15 =	vcvt.f32.s32 v14;
	v17 =	vcvt.f32.s32 v8;
	v8 =	vand.u32 $0x7FFFFFFF, v23;
	[tilespmem:v19+s25+$0x0] =	vst.idx.add.f32.msk vm5, v3  }
0x16b: {  	s30 =	sadd.s32 $0x80, s30;
	v10 =	vand.u32 $0x7FFFFFFF, v10;
	v14 =	vcvt.f32.s32 v21;
	v16 =	vcvt.f32.s32 v20  }
0x16c: {  	vm0 =	vle.f32 v9, $4.000000000e+00  }
0x16d: {  	v9 =	vadd.s32 v2, v17;
	vm1 =	vle.f32 v4, $4.000000000e+00  }
0x16e: {  	v4 =	vadd.s32 v2, v15;
	vm2 =	vle.f32 v5, $4.000000000e+00  }
0x16f: {  	v5 =	vcvt.f32.s32 v13;
	vm3 =	vle.f32 v6, $4.000000000e+00;
	v13 =	vadd.s32 v2, v16  }
0x170: {  	v6 =	vcvt.f32.s32 v12;
	vm4 =	vle.f32 v7, $4.000000000e+00;
	v12 =	vadd.s32 v2, v14  }
0x171: {  	v7 =	vcvt.f32.s32 v11;
	vm5 =	vle.f32 v8, $4.000000000e+00;
	v5 =	vadd.s32 v2, v5  }
0x172: {  	vm6 =	vle.f32 v10, $4.000000000e+00;
	v6 =	vadd.s32 v2, v6;
	[tilespmem:v9+s25+$0x0] =	vst.idx.add.f32.msk vm0, v3  }
0x173: {  	v7 =	vadd.s32 v2, v7;
	[tilespmem:v4+s25+$0x0] =	vst.idx.add.f32.msk vm1, v3  }
0x174: {  	[tilespmem:v13+s25+$0x0] =	vst.idx.add.f32.msk vm2, v3  }
0x175: {  	[tilespmem:v12+s25+$0x0] =	vst.idx.add.f32.msk vm3, v3  }
0x176: {  	[tilespmem:v5+s25+$0x0] =	vst.idx.add.f32.msk vm4, v3  }
0x177: {  	[tilespmem:v6+s25+$0x0] =	vst.idx.add.f32.msk vm5, v3  }
0x178: {  	[tilespmem:v7+s25+$0x0] =	vst.idx.add.f32.msk vm6, v3  }
0x179: {  	[tilespmem:s21], [sflag:$0x2] =	stream.linear.gather [hbm4b:s12+s2], $0x4000, $0x38;
	[tilespmem:$0x14480] =	vst v63  }
0x17a: {  	_ =	swait.ge [sflag:s28], $0x4000  }
0x17b: {  	[sflag:s28] =	ssyncset.done $0x0  }
0x17c: {  	s1 =	simm.s32 $0x8040;
	[sflag:s28] =	ssyncadd.s32 $0xFFFFC000  }
0x17d: {  	v7 =	vld [tilespmem:s1+$0x30]  }
0x17e: {  	v4 =	vld [tilespmem:s1+$0xFFFFFFD0]  }
0x17f: {  	v5 =	vld [tilespmem:s1+$0xFFFFFFE0]  }
0x180: {  	v6 =	vld [tilespmem:s1+$0xFFFFFFF0]  }
0x181: {  	v8 =	vld [tilespmem:s1+$0x0]  }
0x182: {  	v10 =	vld [tilespmem:s1+$0x10]  }
0x183: {  	v12 =	vld [tilespmem:s1+$0xFFFFFFC0]  }
0x184: {  	v9 =	vmul.f32 $1.280000000e+02, v7;
	v11 =	vmul.f32 $1.280000000e+02, v4;
	v4 =	vand.u32 $0x7FFFFFFF, v4  }
0x185: {  	v18 =	vld [tilespmem:s1+$0x20];
	v13 =	vmul.f32 $1.280000000e+02, v5;
	v5 =	vand.u32 $0x7FFFFFFF, v5;
	v14 =	vmul.f32 $1.280000000e+02, v6  }
0x186: {  	v6 =	vand.u32 $0x7FFFFFFF, v6;
	v7 =	vand.u32 $0x7FFFFFFF, v7;
	v9 =	vadd.f32 $5.120000000e+02, v9  }
0x187: {  	v15 =	vmul.f32 $1.280000000e+02, v8;
	v16 =	vmul.f32 $1.280000000e+02, v10;
	vm15 =	vle.f32 v7, $4.000000000e+00  }
0x188: {  	v7 =	vmul.f32 $1.280000000e+02, v12;
	v11 =	vadd.f32 $5.120000000e+02, v11;
	v9 =	vtrunc.f32 v9  }
0x189: {  	v13 =	vadd.f32 $5.120000000e+02, v13;
	v14 =	vadd.f32 $5.120000000e+02, v14;
	v9 =	vcvt.f32.s32 v9  }
0x18a: {  	v17 =	vmul.f32 $1.280000000e+02, v18;
	v15 =	vadd.f32 $5.120000000e+02, v15;
	v7 =	vadd.f32 $5.120000000e+02, v7  }
0x18b: {  	v20 =	vtrunc.f32 v11;
	v11 =	vadd.f32 $5.120000000e+02, v16;
	v19 =	vadd.s32 v2, v9  }
0x18c: {  	v16 =	vadd.f32 $5.120000000e+02, v17;
	v21 =	vtrunc.f32 v13;
	v14 =	vtrunc.f32 v14  }
0x18d: {  	v13 =	vtrunc.f32 v15;
	v15 =	vtrunc.f32 v7;
	v7 =	vand.u32 $0x7FFFFFFF, v8  }
0x18e: {  	v8 =	vand.u32 $0x7FFFFFFF, v10;
	v14 =	vcvt.f32.s32 v14;
	v17 =	vcvt.f32.s32 v15  }
0x18f: {  	v15 =	vcvt.f32.s32 v20;
	v9 =	vand.u32 $0x7FFFFFFF, v12;
	v12 =	vtrunc.f32 v11  }
0x190: {  	s30 =	simm.s32 $0x80C0;
	s1 =	simm.s32 $0x0;
	v10 =	vand.u32 $0x7FFFFFFF, v18;
	v11 =	vtrunc.f32 v16;
	v16 =	vcvt.f32.s32 v21;
	[tilespmem:v19+s25+$0x0] =	vst.idx.add.f32.msk vm15, v3  }
.LBB2_16:
0x191: {  	v18 =	vld [tilespmem:s30+$0x30];
	s1 =	sadd.s32 $0x8, s1;
	v17 =	vadd.s32 v2, v17;
	v13 =	vcvt.f32.s32 v13;
	v12 =	vcvt.f32.s32 v12  }
0x192: {  	v15 =	vadd.s32 v2, v15;
	v11 =	vcvt.f32.s32 v11;
	v19 =	vld [tilespmem:s30+$0xFFFFFFD0];
	p0 =	slt.u32 s1, $0x3F8;
	v16 =	vadd.s32 v2, v16  }
0x193: {  	v14 =	vadd.s32 v2, v14;
	v20 =	vld [tilespmem:s30+$0xFFFFFFE0];
	v13 =	vadd.s32 v2, v13;
	v12 =	vadd.s32 v2, v12  }
0x194: {  	vm6 =	vle.f32 v9, $4.000000000e+00;
	vm5 =	vle.f32 v4, $4.000000000e+00;
	v11 =	vadd.s32 v2, v11;
	v21 =	vld [tilespmem:s30+$0xFFFFFFF0]  }
0x195: {  	vm4 =	vle.f32 v5, $4.000000000e+00;
	vm3 =	vle.f32 v6, $4.000000000e+00;
	vm2 =	vle.f32 v7, $4.000000000e+00;
	v22 =	vld [tilespmem:s30+$0x0]  }
0x196: {  	vm1 =	vle.f32 v8, $4.000000000e+00;
	vm0 =	vle.f32 v10, $4.000000000e+00;
	v23 =	vld [tilespmem:s30+$0x10];
	v6 =	vmul.f32 $1.280000000e+02, v18  }
0x197: {  	v7 =	vmul.f32 $1.280000000e+02, v19;
	v4 =	vand.u32 $0x7FFFFFFF, v19;
	v10 =	vld [tilespmem:s30+$0x20]  }
0x198: {  	v8 =	vld [tilespmem:s30+$0xFFFFFFC0];
	v9 =	vmul.f32 $1.280000000e+02, v20;
	v5 =	vand.u32 $0x7FFFFFFF, v20;
	v19 =	vadd.f32 $5.120000000e+02, v6  }
0x199: {  	v7 =	vadd.f32 $5.120000000e+02, v7;
	v20 =	vmul.f32 $1.280000000e+02, v21;
	v6 =	vand.u32 $0x7FFFFFFF, v21  }
0x19a: {  	v9 =	vadd.f32 $5.120000000e+02, v9;
	v21 =	vmul.f32 $1.280000000e+02, v22;
	v19 =	vtrunc.f32 v19;
	[tilespmem:v17+s25+$0x0] =	vst.idx.add.f32.msk vm6, v3  }
0x19b: {  	v18 =	vand.u32 $0x7FFFFFFF, v18;
	v17 =	vmul.f32 $1.280000000e+02, v23;
	v19 =	vcvt.f32.s32 v19;
	[tilespmem:v15+s25+$0x0] =	vst.idx.add.f32.msk vm5, v3  }
0x19c: {  	v15 =	vadd.f32 $5.120000000e+02, v20;
	vm5 =	vle.f32 v18, $4.000000000e+00;
	v20 =	vmul.f32 $1.280000000e+02, v10;
	[tilespmem:v16+s25+$0x0] =	vst.idx.add.f32.msk vm4, v3  }
0x19d: {  	v18 =	vadd.f32 $5.120000000e+02, v21;
	v16 =	vmul.f32 $1.280000000e+02, v8;
	v19 =	vadd.s32 v2, v19;
	[tilespmem:v14+s25+$0x0] =	vst.idx.add.f32.msk vm3, v3  }
0x19e: {  	v14 =	vtrunc.f32 v7;
	v7 =	vadd.f32 $5.120000000e+02, v17;
	v17 =	vadd.f32 $5.120000000e+02, v20;
	[tilespmem:v13+s25+$0x0] =	vst.idx.add.f32.msk vm2, v3  }
.Ltmp7:
0x19f: {  	v21 =	vtrunc.f32 v15;
	v20 =	vtrunc.f32 v9;
	v16 =	vadd.f32 $5.120000000e+02, v16;
	[tilespmem:v12+s25+$0x0] =	vst.idx.add.f32.msk vm1, v3;
	(pc) =	sbr.rel @p0 .LBB2_16-.Ltmp7, $4  }
0x1a0: {  	v9 =	vand.u32 $0x7FFFFFFF, v8;
	v13 =	vtrunc.f32 v18;
	v12 =	vtrunc.f32 v7;
	[tilespmem:v11+s25+$0x0] =	vst.idx.add.f32.msk vm0, v3  }
0x1a1: {  	v7 =	vand.u32 $0x7FFFFFFF, v22;
	v11 =	vtrunc.f32 v17;
	v8 =	vtrunc.f32 v16  }
0x1a2: {  	v15 =	vcvt.f32.s32 v14;
	v17 =	vcvt.f32.s32 v8;
	v8 =	vand.u32 $0x7FFFFFFF, v23;
	[tilespmem:v19+s25+$0x0] =	vst.idx.add.f32.msk vm5, v3  }
0x1a3: {  	s30 =	sadd.s32 $0x80, s30;
	v10 =	vand.u32 $0x7FFFFFFF, v10;
	v14 =	vcvt.f32.s32 v21;
	v16 =	vcvt.f32.s32 v20  }
0x1a4: {  	vm0 =	vle.f32 v9, $4.000000000e+00  }
0x1a5: {  	v9 =	vadd.s32 v2, v17;
	vm1 =	vle.f32 v4, $4.000000000e+00  }
0x1a6: {  	v4 =	vadd.s32 v2, v15;
	vm2 =	vle.f32 v5, $4.000000000e+00  }
0x1a7: {  	v5 =	vcvt.f32.s32 v13;
	vm3 =	vle.f32 v6, $4.000000000e+00;
	v13 =	vadd.s32 v2, v16  }
0x1a8: {  	v6 =	vcvt.f32.s32 v12;
	vm4 =	vle.f32 v7, $4.000000000e+00;
	v12 =	vadd.s32 v2, v14  }
0x1a9: {  	v7 =	vcvt.f32.s32 v11;
	vm5 =	vle.f32 v8, $4.000000000e+00;
	v5 =	vadd.s32 v2, v5  }
0x1aa: {  	vm6 =	vle.f32 v10, $4.000000000e+00;
	v6 =	vadd.s32 v2, v6;
	[tilespmem:v9+s25+$0x0] =	vst.idx.add.f32.msk vm0, v3  }
0x1ab: {  	v7 =	vadd.s32 v2, v7;
	[tilespmem:v4+s25+$0x0] =	vst.idx.add.f32.msk vm1, v3  }
0x1ac: {  	[tilespmem:v13+s25+$0x0] =	vst.idx.add.f32.msk vm2, v3  }
0x1ad: {  	[tilespmem:v12+s25+$0x0] =	vst.idx.add.f32.msk vm3, v3  }
0x1ae: {  	[tilespmem:v5+s25+$0x0] =	vst.idx.add.f32.msk vm4, v3  }
0x1af: {  	[tilespmem:v6+s25+$0x0] =	vst.idx.add.f32.msk vm5, v3  }
0x1b0: {  	[tilespmem:v7+s25+$0x0] =	vst.idx.add.f32.msk vm6, v3  }
0x1b1: {  	[tilespmem:s22], [sflag:$0x3] =	stream.linear.gather [hbm4b:s13+s2], $0x4000, $0x38;
	[tilespmem:$0x14480] =	vst v63  }
0x1b2: {  	_ =	swait.ge [sflag:s29], $0x4000  }
0x1b3: {  	[sflag:s29] =	ssyncset.done $0x0  }
0x1b4: {  	s1 =	simm.s32 $0xC040;
	[sflag:s29] =	ssyncadd.s32 $0xFFFFC000  }
0x1b5: {  	v7 =	vld [tilespmem:s1+$0x30]  }
0x1b6: {  	v4 =	vld [tilespmem:s1+$0xFFFFFFD0]  }
0x1b7: {  	v5 =	vld [tilespmem:s1+$0xFFFFFFE0]  }
0x1b8: {  	v6 =	vld [tilespmem:s1+$0xFFFFFFF0]  }
0x1b9: {  	v8 =	vld [tilespmem:s1+$0x0]  }
0x1ba: {  	v10 =	vld [tilespmem:s1+$0x10]  }
0x1bb: {  	v12 =	vld [tilespmem:s1+$0xFFFFFFC0]  }
0x1bc: {  	v9 =	vmul.f32 $1.280000000e+02, v7;
	v11 =	vmul.f32 $1.280000000e+02, v4;
	v4 =	vand.u32 $0x7FFFFFFF, v4  }
0x1bd: {  	v18 =	vld [tilespmem:s1+$0x20];
	v13 =	vmul.f32 $1.280000000e+02, v5;
	v5 =	vand.u32 $0x7FFFFFFF, v5;
	v14 =	vmul.f32 $1.280000000e+02, v6  }
0x1be: {  	v6 =	vand.u32 $0x7FFFFFFF, v6;
	v7 =	vand.u32 $0x7FFFFFFF, v7;
	v9 =	vadd.f32 $5.120000000e+02, v9  }
0x1bf: {  	v15 =	vmul.f32 $1.280000000e+02, v8;
	v16 =	vmul.f32 $1.280000000e+02, v10;
	vm15 =	vle.f32 v7, $4.000000000e+00  }
0x1c0: {  	v7 =	vmul.f32 $1.280000000e+02, v12;
	v11 =	vadd.f32 $5.120000000e+02, v11;
	v9 =	vtrunc.f32 v9  }
0x1c1: {  	v13 =	vadd.f32 $5.120000000e+02, v13;
	v14 =	vadd.f32 $5.120000000e+02, v14;
	v9 =	vcvt.f32.s32 v9  }
0x1c2: {  	v17 =	vmul.f32 $1.280000000e+02, v18;
	v15 =	vadd.f32 $5.120000000e+02, v15;
	v7 =	vadd.f32 $5.120000000e+02, v7  }
0x1c3: {  	v20 =	vtrunc.f32 v11;
	v11 =	vadd.f32 $5.120000000e+02, v16;
	v19 =	vadd.s32 v2, v9  }
0x1c4: {  	v16 =	vadd.f32 $5.120000000e+02, v17;
	v21 =	vtrunc.f32 v13;
	v14 =	vtrunc.f32 v14  }
0x1c5: {  	v13 =	vtrunc.f32 v15;
	v15 =	vtrunc.f32 v7;
	v7 =	vand.u32 $0x7FFFFFFF, v8  }
0x1c6: {  	v8 =	vand.u32 $0x7FFFFFFF, v10;
	v14 =	vcvt.f32.s32 v14;
	v17 =	vcvt.f32.s32 v15  }
0x1c7: {  	v15 =	vcvt.f32.s32 v20;
	v9 =	vand.u32 $0x7FFFFFFF, v12;
	v12 =	vtrunc.f32 v11  }
0x1c8: {  	s30 =	simm.s32 $0xC0C0;
	s1 =	simm.s32 $0x0;
	v10 =	vand.u32 $0x7FFFFFFF, v18;
	v11 =	vtrunc.f32 v16;
	v16 =	vcvt.f32.s32 v21;
	[tilespmem:v19+s25+$0x0] =	vst.idx.add.f32.msk vm15, v3  }
.LBB2_18:
0x1c9: {  	v18 =	vld [tilespmem:s30+$0x30];
	s1 =	sadd.s32 $0x8, s1;
	v17 =	vadd.s32 v2, v17;
	v13 =	vcvt.f32.s32 v13;
	v12 =	vcvt.f32.s32 v12  }
0x1ca: {  	v15 =	vadd.s32 v2, v15;
	v11 =	vcvt.f32.s32 v11;
	v19 =	vld [tilespmem:s30+$0xFFFFFFD0];
	p0 =	slt.u32 s1, $0x3F8;
	v16 =	vadd.s32 v2, v16  }
0x1cb: {  	v14 =	vadd.s32 v2, v14;
	v20 =	vld [tilespmem:s30+$0xFFFFFFE0];
	v13 =	vadd.s32 v2, v13;
	v12 =	vadd.s32 v2, v12  }
0x1cc: {  	vm6 =	vle.f32 v9, $4.000000000e+00;
	vm5 =	vle.f32 v4, $4.000000000e+00;
	v11 =	vadd.s32 v2, v11;
	v21 =	vld [tilespmem:s30+$0xFFFFFFF0]  }
0x1cd: {  	vm4 =	vle.f32 v5, $4.000000000e+00;
	vm3 =	vle.f32 v6, $4.000000000e+00;
	vm2 =	vle.f32 v7, $4.000000000e+00;
	v22 =	vld [tilespmem:s30+$0x0]  }
0x1ce: {  	vm1 =	vle.f32 v8, $4.000000000e+00;
	vm0 =	vle.f32 v10, $4.000000000e+00;
	v23 =	vld [tilespmem:s30+$0x10];
	v6 =	vmul.f32 $1.280000000e+02, v18  }
0x1cf: {  	v7 =	vmul.f32 $1.280000000e+02, v19;
	v4 =	vand.u32 $0x7FFFFFFF, v19;
	v10 =	vld [tilespmem:s30+$0x20]  }
0x1d0: {  	v8 =	vld [tilespmem:s30+$0xFFFFFFC0];
	v9 =	vmul.f32 $1.280000000e+02, v20;
	v5 =	vand.u32 $0x7FFFFFFF, v20;
	v19 =	vadd.f32 $5.120000000e+02, v6  }
0x1d1: {  	v7 =	vadd.f32 $5.120000000e+02, v7;
	v20 =	vmul.f32 $1.280000000e+02, v21;
	v6 =	vand.u32 $0x7FFFFFFF, v21  }
0x1d2: {  	v9 =	vadd.f32 $5.120000000e+02, v9;
	v21 =	vmul.f32 $1.280000000e+02, v22;
	v19 =	vtrunc.f32 v19;
	[tilespmem:v17+s25+$0x0] =	vst.idx.add.f32.msk vm6, v3  }
0x1d3: {  	v18 =	vand.u32 $0x7FFFFFFF, v18;
	v17 =	vmul.f32 $1.280000000e+02, v23;
	v19 =	vcvt.f32.s32 v19;
	[tilespmem:v15+s25+$0x0] =	vst.idx.add.f32.msk vm5, v3  }
0x1d4: {  	v15 =	vadd.f32 $5.120000000e+02, v20;
	vm5 =	vle.f32 v18, $4.000000000e+00;
	v20 =	vmul.f32 $1.280000000e+02, v10;
	[tilespmem:v16+s25+$0x0] =	vst.idx.add.f32.msk vm4, v3  }
0x1d5: {  	v18 =	vadd.f32 $5.120000000e+02, v21;
	v16 =	vmul.f32 $1.280000000e+02, v8;
	v19 =	vadd.s32 v2, v19;
	[tilespmem:v14+s25+$0x0] =	vst.idx.add.f32.msk vm3, v3  }
0x1d6: {  	v14 =	vtrunc.f32 v7;
	v7 =	vadd.f32 $5.120000000e+02, v17;
	v17 =	vadd.f32 $5.120000000e+02, v20;
	[tilespmem:v13+s25+$0x0] =	vst.idx.add.f32.msk vm2, v3  }
.Ltmp8:
0x1d7: {  	v21 =	vtrunc.f32 v15;
	v20 =	vtrunc.f32 v9;
	v16 =	vadd.f32 $5.120000000e+02, v16;
	[tilespmem:v12+s25+$0x0] =	vst.idx.add.f32.msk vm1, v3;
	(pc) =	sbr.rel @p0 .LBB2_18-.Ltmp8, $4  }
0x1d8: {  	v9 =	vand.u32 $0x7FFFFFFF, v8;
	v13 =	vtrunc.f32 v18;
	v12 =	vtrunc.f32 v7;
	[tilespmem:v11+s25+$0x0] =	vst.idx.add.f32.msk vm0, v3  }
0x1d9: {  	v7 =	vand.u32 $0x7FFFFFFF, v22;
	v11 =	vtrunc.f32 v17;
	v8 =	vtrunc.f32 v16  }
0x1da: {  	v15 =	vcvt.f32.s32 v14;
	v17 =	vcvt.f32.s32 v8;
	v8 =	vand.u32 $0x7FFFFFFF, v23;
	[tilespmem:v19+s25+$0x0] =	vst.idx.add.f32.msk vm5, v3  }
0x1db: {  	s30 =	sadd.s32 $0x80, s30;
	v10 =	vand.u32 $0x7FFFFFFF, v10;
	v14 =	vcvt.f32.s32 v21;
	v16 =	vcvt.f32.s32 v20  }
0x1dc: {  	vm0 =	vle.f32 v9, $4.000000000e+00  }
0x1dd: {  	v9 =	vadd.s32 v2, v17;
	vm1 =	vle.f32 v4, $4.000000000e+00  }
0x1de: {  	v4 =	vadd.s32 v2, v15;
	vm2 =	vle.f32 v5, $4.000000000e+00  }
0x1df: {  	v5 =	vcvt.f32.s32 v13;
	vm3 =	vle.f32 v6, $4.000000000e+00;
	v13 =	vadd.s32 v2, v16  }
0x1e0: {  	v6 =	vcvt.f32.s32 v12;
	vm4 =	vle.f32 v7, $4.000000000e+00;
	v12 =	vadd.s32 v2, v14  }
0x1e1: {  	v7 =	vcvt.f32.s32 v11;
	vm5 =	vle.f32 v8, $4.000000000e+00;
	v5 =	vadd.s32 v2, v5  }
0x1e2: {  	vm6 =	vle.f32 v10, $4.000000000e+00;
	v6 =	vadd.s32 v2, v6;
	[tilespmem:v9+s25+$0x0] =	vst.idx.add.f32.msk vm0, v3  }
0x1e3: {  	v7 =	vadd.s32 v2, v7;
	[tilespmem:v4+s25+$0x0] =	vst.idx.add.f32.msk vm1, v3  }
0x1e4: {  	[tilespmem:v13+s25+$0x0] =	vst.idx.add.f32.msk vm2, v3  }
0x1e5: {  	[tilespmem:v12+s25+$0x0] =	vst.idx.add.f32.msk vm3, v3  }
0x1e6: {  	[tilespmem:v5+s25+$0x0] =	vst.idx.add.f32.msk vm4, v3  }
0x1e7: {  	[tilespmem:v6+s25+$0x0] =	vst.idx.add.f32.msk vm5, v3  }
0x1e8: {  	[tilespmem:v7+s25+$0x0] =	vst.idx.add.f32.msk vm6, v3  }
0x1e9: {  	[tilespmem:s23], [sflag:$0x4] =	stream.linear.gather [hbm4b:s14+s2], $0x4000, $0x38;
	[tilespmem:$0x14480] =	vst v63  }
0x1ea: {  	_ =	swait.ge [sflag:s24], $0x4000  }
0x1eb: {  	[sflag:s24] =	ssyncset.done $0x0  }
0x1ec: {  	s1 =	simm.s32 $0x40;
	[sflag:s24] =	ssyncadd.s32 $0xFFFFC000  }
0x1ed: {  	v7 =	vld [tilespmem:s1+$0x30]  }
0x1ee: {  	v4 =	vld [tilespmem:s1+$0xFFFFFFD0]  }
0x1ef: {  	v5 =	vld [tilespmem:s1+$0xFFFFFFE0]  }
0x1f0: {  	v6 =	vld [tilespmem:s1+$0xFFFFFFF0]  }
0x1f1: {  	v8 =	vld [tilespmem:s1+$0x0]  }
0x1f2: {  	v10 =	vld [tilespmem:s1+$0x10]  }
0x1f3: {  	v12 =	vld [tilespmem:s1+$0xFFFFFFC0]  }
0x1f4: {  	v9 =	vmul.f32 $1.280000000e+02, v7;
	v11 =	vmul.f32 $1.280000000e+02, v4;
	v4 =	vand.u32 $0x7FFFFFFF, v4  }
0x1f5: {  	v18 =	vld [tilespmem:s1+$0x20];
	v13 =	vmul.f32 $1.280000000e+02, v5;
	v5 =	vand.u32 $0x7FFFFFFF, v5;
	v14 =	vmul.f32 $1.280000000e+02, v6  }
0x1f6: {  	v6 =	vand.u32 $0x7FFFFFFF, v6;
	v7 =	vand.u32 $0x7FFFFFFF, v7;
	v9 =	vadd.f32 $5.120000000e+02, v9  }
0x1f7: {  	v15 =	vmul.f32 $1.280000000e+02, v8;
	v16 =	vmul.f32 $1.280000000e+02, v10;
	vm15 =	vle.f32 v7, $4.000000000e+00  }
0x1f8: {  	v7 =	vmul.f32 $1.280000000e+02, v12;
	v11 =	vadd.f32 $5.120000000e+02, v11;
	v9 =	vtrunc.f32 v9  }
0x1f9: {  	v13 =	vadd.f32 $5.120000000e+02, v13;
	v14 =	vadd.f32 $5.120000000e+02, v14;
	v9 =	vcvt.f32.s32 v9  }
0x1fa: {  	v17 =	vmul.f32 $1.280000000e+02, v18;
	v15 =	vadd.f32 $5.120000000e+02, v15;
	v7 =	vadd.f32 $5.120000000e+02, v7  }
0x1fb: {  	v20 =	vtrunc.f32 v11;
	v11 =	vadd.f32 $5.120000000e+02, v16;
	v19 =	vadd.s32 v2, v9  }
0x1fc: {  	v16 =	vadd.f32 $5.120000000e+02, v17;
	v21 =	vtrunc.f32 v13;
	v14 =	vtrunc.f32 v14  }
0x1fd: {  	v13 =	vtrunc.f32 v15;
	v15 =	vtrunc.f32 v7;
	v7 =	vand.u32 $0x7FFFFFFF, v8  }
0x1fe: {  	v8 =	vand.u32 $0x7FFFFFFF, v10;
	v14 =	vcvt.f32.s32 v14;
	v17 =	vcvt.f32.s32 v15  }
0x1ff: {  	v15 =	vcvt.f32.s32 v20;
	v9 =	vand.u32 $0x7FFFFFFF, v12;
	v12 =	vtrunc.f32 v11  }
0x200: {  	s30 =	simm.s32 $0xC0;
	s1 =	simm.s32 $0x0;
	v10 =	vand.u32 $0x7FFFFFFF, v18;
	v11 =	vtrunc.f32 v16;
	v16 =	vcvt.f32.s32 v21;
	[tilespmem:v19+s25+$0x0] =	vst.idx.add.f32.msk vm15, v3  }
.LBB2_20:
0x201: {  	v18 =	vld [tilespmem:s30+$0x30];
	s1 =	sadd.s32 $0x8, s1;
	v17 =	vadd.s32 v2, v17;
	v13 =	vcvt.f32.s32 v13;
	v12 =	vcvt.f32.s32 v12  }
0x202: {  	v15 =	vadd.s32 v2, v15;
	v11 =	vcvt.f32.s32 v11;
	v19 =	vld [tilespmem:s30+$0xFFFFFFD0];
	p0 =	slt.u32 s1, $0x3F8;
	v16 =	vadd.s32 v2, v16  }
0x203: {  	v14 =	vadd.s32 v2, v14;
	v20 =	vld [tilespmem:s30+$0xFFFFFFE0];
	v13 =	vadd.s32 v2, v13;
	v12 =	vadd.s32 v2, v12  }
0x204: {  	vm6 =	vle.f32 v9, $4.000000000e+00;
	vm5 =	vle.f32 v4, $4.000000000e+00;
	v11 =	vadd.s32 v2, v11;
	v21 =	vld [tilespmem:s30+$0xFFFFFFF0]  }
0x205: {  	vm4 =	vle.f32 v5, $4.000000000e+00;
	vm3 =	vle.f32 v6, $4.000000000e+00;
	vm2 =	vle.f32 v7, $4.000000000e+00;
	v22 =	vld [tilespmem:s30+$0x0]  }
0x206: {  	vm1 =	vle.f32 v8, $4.000000000e+00;
	vm0 =	vle.f32 v10, $4.000000000e+00;
	v23 =	vld [tilespmem:s30+$0x10];
	v6 =	vmul.f32 $1.280000000e+02, v18  }
0x207: {  	v7 =	vmul.f32 $1.280000000e+02, v19;
	v4 =	vand.u32 $0x7FFFFFFF, v19;
	v10 =	vld [tilespmem:s30+$0x20]  }
0x208: {  	v8 =	vld [tilespmem:s30+$0xFFFFFFC0];
	v9 =	vmul.f32 $1.280000000e+02, v20;
	v5 =	vand.u32 $0x7FFFFFFF, v20;
	v19 =	vadd.f32 $5.120000000e+02, v6  }
0x209: {  	v7 =	vadd.f32 $5.120000000e+02, v7;
	v20 =	vmul.f32 $1.280000000e+02, v21;
	v6 =	vand.u32 $0x7FFFFFFF, v21  }
0x20a: {  	v9 =	vadd.f32 $5.120000000e+02, v9;
	v21 =	vmul.f32 $1.280000000e+02, v22;
	v19 =	vtrunc.f32 v19;
	[tilespmem:v17+s25+$0x0] =	vst.idx.add.f32.msk vm6, v3  }
0x20b: {  	v18 =	vand.u32 $0x7FFFFFFF, v18;
	v17 =	vmul.f32 $1.280000000e+02, v23;
	v19 =	vcvt.f32.s32 v19;
	[tilespmem:v15+s25+$0x0] =	vst.idx.add.f32.msk vm5, v3  }
0x20c: {  	v15 =	vadd.f32 $5.120000000e+02, v20;
	vm5 =	vle.f32 v18, $4.000000000e+00;
	v20 =	vmul.f32 $1.280000000e+02, v10;
	[tilespmem:v16+s25+$0x0] =	vst.idx.add.f32.msk vm4, v3  }
0x20d: {  	v18 =	vadd.f32 $5.120000000e+02, v21;
	v16 =	vmul.f32 $1.280000000e+02, v8;
	v19 =	vadd.s32 v2, v19;
	[tilespmem:v14+s25+$0x0] =	vst.idx.add.f32.msk vm3, v3  }
0x20e: {  	v14 =	vtrunc.f32 v7;
	v7 =	vadd.f32 $5.120000000e+02, v17;
	v17 =	vadd.f32 $5.120000000e+02, v20;
	[tilespmem:v13+s25+$0x0] =	vst.idx.add.f32.msk vm2, v3  }
.Ltmp9:
0x20f: {  	v21 =	vtrunc.f32 v15;
	v20 =	vtrunc.f32 v9;
	v16 =	vadd.f32 $5.120000000e+02, v16;
	[tilespmem:v12+s25+$0x0] =	vst.idx.add.f32.msk vm1, v3;
	(pc) =	sbr.rel @p0 .LBB2_20-.Ltmp9, $4  }
0x210: {  	v9 =	vand.u32 $0x7FFFFFFF, v8;
	v13 =	vtrunc.f32 v18;
	v12 =	vtrunc.f32 v7;
	[tilespmem:v11+s25+$0x0] =	vst.idx.add.f32.msk vm0, v3  }
0x211: {  	v7 =	vand.u32 $0x7FFFFFFF, v22;
	v11 =	vtrunc.f32 v17;
	v8 =	vtrunc.f32 v16  }
0x212: {  	v15 =	vcvt.f32.s32 v14;
	v17 =	vcvt.f32.s32 v8;
	v8 =	vand.u32 $0x7FFFFFFF, v23;
	[tilespmem:v19+s25+$0x0] =	vst.idx.add.f32.msk vm5, v3  }
0x213: {  	s30 =	sadd.s32 $0x80, s30;
	v10 =	vand.u32 $0x7FFFFFFF, v10;
	v14 =	vcvt.f32.s32 v21;
	v16 =	vcvt.f32.s32 v20  }
0x214: {  	vm0 =	vle.f32 v9, $4.000000000e+00  }
0x215: {  	v9 =	vadd.s32 v2, v17;
	vm1 =	vle.f32 v4, $4.000000000e+00  }
0x216: {  	v4 =	vadd.s32 v2, v15;
	vm2 =	vle.f32 v5, $4.000000000e+00  }
0x217: {  	v5 =	vcvt.f32.s32 v13;
	vm3 =	vle.f32 v6, $4.000000000e+00;
	v13 =	vadd.s32 v2, v16  }
0x218: {  	v6 =	vcvt.f32.s32 v12;
	vm4 =	vle.f32 v7, $4.000000000e+00;
	v12 =	vadd.s32 v2, v14  }
0x219: {  	v7 =	vcvt.f32.s32 v11;
	vm5 =	vle.f32 v8, $4.000000000e+00;
	v5 =	vadd.s32 v2, v5  }
0x21a: {  	vm6 =	vle.f32 v10, $4.000000000e+00;
	v6 =	vadd.s32 v2, v6;
	[tilespmem:v9+s25+$0x0] =	vst.idx.add.f32.msk vm0, v3  }
0x21b: {  	v7 =	vadd.s32 v2, v7;
	[tilespmem:v4+s25+$0x0] =	vst.idx.add.f32.msk vm1, v3  }
0x21c: {  	[tilespmem:v13+s25+$0x0] =	vst.idx.add.f32.msk vm2, v3  }
0x21d: {  	[tilespmem:v12+s25+$0x0] =	vst.idx.add.f32.msk vm3, v3  }
0x21e: {  	[tilespmem:v5+s25+$0x0] =	vst.idx.add.f32.msk vm4, v3  }
0x21f: {  	[tilespmem:v6+s25+$0x0] =	vst.idx.add.f32.msk vm5, v3  }
0x220: {  	[tilespmem:v7+s25+$0x0] =	vst.idx.add.f32.msk vm6, v3  }
0x221: {  	[tilespmem:s2], [sflag:$0x1] =	stream.linear.gather [hbm4b:s15+s2], $0x4000, $0x38;
	[tilespmem:$0x14480] =	vst v63  }
0x222: {  	_ =	swait.ge [sflag:s26], $0x4000  }
0x223: {  	[sflag:s26] =	ssyncset.done $0x0  }
0x224: {  	s1 =	simm.s32 $0x4040;
	[sflag:s26] =	ssyncadd.s32 $0xFFFFC000  }
0x225: {  	v7 =	vld [tilespmem:s1+$0x30]  }
0x226: {  	v4 =	vld [tilespmem:s1+$0xFFFFFFD0]  }
0x227: {  	v5 =	vld [tilespmem:s1+$0xFFFFFFE0]  }
0x228: {  	v6 =	vld [tilespmem:s1+$0xFFFFFFF0]  }
0x229: {  	v8 =	vld [tilespmem:s1+$0x0]  }
0x22a: {  	v10 =	vld [tilespmem:s1+$0x10]  }
0x22b: {  	v12 =	vld [tilespmem:s1+$0xFFFFFFC0]  }
0x22c: {  	v9 =	vmul.f32 $1.280000000e+02, v7;
	v11 =	vmul.f32 $1.280000000e+02, v4;
	v4 =	vand.u32 $0x7FFFFFFF, v4  }
0x22d: {  	v18 =	vld [tilespmem:s1+$0x20];
	v13 =	vmul.f32 $1.280000000e+02, v5;
	v5 =	vand.u32 $0x7FFFFFFF, v5;
	v14 =	vmul.f32 $1.280000000e+02, v6  }
0x22e: {  	v6 =	vand.u32 $0x7FFFFFFF, v6;
	v7 =	vand.u32 $0x7FFFFFFF, v7;
	v9 =	vadd.f32 $5.120000000e+02, v9  }
0x22f: {  	v15 =	vmul.f32 $1.280000000e+02, v8;
	v16 =	vmul.f32 $1.280000000e+02, v10;
	vm15 =	vle.f32 v7, $4.000000000e+00  }
0x230: {  	v7 =	vmul.f32 $1.280000000e+02, v12;
	v11 =	vadd.f32 $5.120000000e+02, v11;
	v9 =	vtrunc.f32 v9  }
0x231: {  	v13 =	vadd.f32 $5.120000000e+02, v13;
	v14 =	vadd.f32 $5.120000000e+02, v14;
	v9 =	vcvt.f32.s32 v9  }
0x232: {  	v17 =	vmul.f32 $1.280000000e+02, v18;
	v15 =	vadd.f32 $5.120000000e+02, v15;
	v7 =	vadd.f32 $5.120000000e+02, v7  }
0x233: {  	v20 =	vtrunc.f32 v11;
	v11 =	vadd.f32 $5.120000000e+02, v16;
	v19 =	vadd.s32 v2, v9  }
0x234: {  	v16 =	vadd.f32 $5.120000000e+02, v17;
	v21 =	vtrunc.f32 v13;
	v14 =	vtrunc.f32 v14  }
0x235: {  	v13 =	vtrunc.f32 v15;
	v15 =	vtrunc.f32 v7;
	v7 =	vand.u32 $0x7FFFFFFF, v8  }
0x236: {  	v8 =	vand.u32 $0x7FFFFFFF, v10;
	v14 =	vcvt.f32.s32 v14;
	v17 =	vcvt.f32.s32 v15  }
0x237: {  	v15 =	vcvt.f32.s32 v20;
	v9 =	vand.u32 $0x7FFFFFFF, v12;
	v12 =	vtrunc.f32 v11  }
0x238: {  	s30 =	simm.s32 $0x40C0;
	s1 =	simm.s32 $0x0;
	v10 =	vand.u32 $0x7FFFFFFF, v18;
	v11 =	vtrunc.f32 v16;
	v16 =	vcvt.f32.s32 v21;
	[tilespmem:v19+s25+$0x0] =	vst.idx.add.f32.msk vm15, v3  }
.LBB2_22:
0x239: {  	v18 =	vld [tilespmem:s30+$0x30];
	s1 =	sadd.s32 $0x8, s1;
	v17 =	vadd.s32 v2, v17;
	v13 =	vcvt.f32.s32 v13;
	v12 =	vcvt.f32.s32 v12  }
0x23a: {  	v15 =	vadd.s32 v2, v15;
	v11 =	vcvt.f32.s32 v11;
	v19 =	vld [tilespmem:s30+$0xFFFFFFD0];
	p0 =	slt.u32 s1, $0x3F8;
	v16 =	vadd.s32 v2, v16  }
0x23b: {  	v14 =	vadd.s32 v2, v14;
	v20 =	vld [tilespmem:s30+$0xFFFFFFE0];
	v13 =	vadd.s32 v2, v13;
	v12 =	vadd.s32 v2, v12  }
0x23c: {  	vm6 =	vle.f32 v9, $4.000000000e+00;
	vm5 =	vle.f32 v4, $4.000000000e+00;
	v11 =	vadd.s32 v2, v11;
	v21 =	vld [tilespmem:s30+$0xFFFFFFF0]  }
0x23d: {  	vm4 =	vle.f32 v5, $4.000000000e+00;
	vm3 =	vle.f32 v6, $4.000000000e+00;
	vm2 =	vle.f32 v7, $4.000000000e+00;
	v22 =	vld [tilespmem:s30+$0x0]  }
0x23e: {  	vm1 =	vle.f32 v8, $4.000000000e+00;
	vm0 =	vle.f32 v10, $4.000000000e+00;
	v23 =	vld [tilespmem:s30+$0x10];
	v6 =	vmul.f32 $1.280000000e+02, v18  }
0x23f: {  	v7 =	vmul.f32 $1.280000000e+02, v19;
	v4 =	vand.u32 $0x7FFFFFFF, v19;
	v10 =	vld [tilespmem:s30+$0x20]  }
0x240: {  	v8 =	vld [tilespmem:s30+$0xFFFFFFC0];
	v9 =	vmul.f32 $1.280000000e+02, v20;
	v5 =	vand.u32 $0x7FFFFFFF, v20;
	v19 =	vadd.f32 $5.120000000e+02, v6  }
0x241: {  	v7 =	vadd.f32 $5.120000000e+02, v7;
	v20 =	vmul.f32 $1.280000000e+02, v21;
	v6 =	vand.u32 $0x7FFFFFFF, v21  }
0x242: {  	v9 =	vadd.f32 $5.120000000e+02, v9;
	v21 =	vmul.f32 $1.280000000e+02, v22;
	v19 =	vtrunc.f32 v19;
	[tilespmem:v17+s25+$0x0] =	vst.idx.add.f32.msk vm6, v3  }
0x243: {  	v18 =	vand.u32 $0x7FFFFFFF, v18;
	v17 =	vmul.f32 $1.280000000e+02, v23;
	v19 =	vcvt.f32.s32 v19;
	[tilespmem:v15+s25+$0x0] =	vst.idx.add.f32.msk vm5, v3  }
0x244: {  	v15 =	vadd.f32 $5.120000000e+02, v20;
	vm5 =	vle.f32 v18, $4.000000000e+00;
	v20 =	vmul.f32 $1.280000000e+02, v10;
	[tilespmem:v16+s25+$0x0] =	vst.idx.add.f32.msk vm4, v3  }
0x245: {  	v18 =	vadd.f32 $5.120000000e+02, v21;
	v16 =	vmul.f32 $1.280000000e+02, v8;
	v19 =	vadd.s32 v2, v19;
	[tilespmem:v14+s25+$0x0] =	vst.idx.add.f32.msk vm3, v3  }
0x246: {  	v14 =	vtrunc.f32 v7;
	v7 =	vadd.f32 $5.120000000e+02, v17;
	v17 =	vadd.f32 $5.120000000e+02, v20;
	[tilespmem:v13+s25+$0x0] =	vst.idx.add.f32.msk vm2, v3  }
.Ltmp10:
0x247: {  	v21 =	vtrunc.f32 v15;
	v20 =	vtrunc.f32 v9;
	v16 =	vadd.f32 $5.120000000e+02, v16;
	[tilespmem:v12+s25+$0x0] =	vst.idx.add.f32.msk vm1, v3;
	(pc) =	sbr.rel @p0 .LBB2_22-.Ltmp10, $4  }
0x248: {  	v9 =	vand.u32 $0x7FFFFFFF, v8;
	v13 =	vtrunc.f32 v18;
	v12 =	vtrunc.f32 v7;
	[tilespmem:v11+s25+$0x0] =	vst.idx.add.f32.msk vm0, v3  }
0x249: {  	v7 =	vand.u32 $0x7FFFFFFF, v22;
	v11 =	vtrunc.f32 v17;
	v8 =	vtrunc.f32 v16  }
0x24a: {  	v15 =	vcvt.f32.s32 v14;
	v17 =	vcvt.f32.s32 v8;
	v8 =	vand.u32 $0x7FFFFFFF, v23;
	[tilespmem:v19+s25+$0x0] =	vst.idx.add.f32.msk vm5, v3  }
0x24b: {  	s30 =	sadd.s32 $0x80, s30;
	v10 =	vand.u32 $0x7FFFFFFF, v10;
	v14 =	vcvt.f32.s32 v21;
	v16 =	vcvt.f32.s32 v20  }
0x24c: {  	vm0 =	vle.f32 v9, $4.000000000e+00  }
0x24d: {  	v9 =	vadd.s32 v2, v17;
	vm1 =	vle.f32 v4, $4.000000000e+00  }
0x24e: {  	v4 =	vadd.s32 v2, v15;
	vm2 =	vle.f32 v5, $4.000000000e+00  }
0x24f: {  	v5 =	vcvt.f32.s32 v13;
	vm3 =	vle.f32 v6, $4.000000000e+00;
	v13 =	vadd.s32 v2, v16  }
0x250: {  	v6 =	vcvt.f32.s32 v12;
	vm4 =	vle.f32 v7, $4.000000000e+00;
	v12 =	vadd.s32 v2, v14  }
0x251: {  	v7 =	vcvt.f32.s32 v11;
	vm5 =	vle.f32 v8, $4.000000000e+00;
	v5 =	vadd.s32 v2, v5  }
0x252: {  	vm6 =	vle.f32 v10, $4.000000000e+00;
	v6 =	vadd.s32 v2, v6;
	[tilespmem:v9+s25+$0x0] =	vst.idx.add.f32.msk vm0, v3  }
0x253: {  	v7 =	vadd.s32 v2, v7;
	[tilespmem:v4+s25+$0x0] =	vst.idx.add.f32.msk vm1, v3  }
0x254: {  	[tilespmem:v13+s25+$0x0] =	vst.idx.add.f32.msk vm2, v3  }
0x255: {  	[tilespmem:v12+s25+$0x0] =	vst.idx.add.f32.msk vm3, v3  }
0x256: {  	[tilespmem:v5+s25+$0x0] =	vst.idx.add.f32.msk vm4, v3  }
0x257: {  	[tilespmem:v6+s25+$0x0] =	vst.idx.add.f32.msk vm5, v3  }
0x258: {  	[tilespmem:v7+s25+$0x0] =	vst.idx.add.f32.msk vm6, v3  }
0x259: {  	[tilespmem:s21], [sflag:$0x2] =	stream.linear.gather [hbm4b:s16+s2], $0x4000, $0x38;
	[tilespmem:$0x14480] =	vst v63  }
0x25a: {  	_ =	swait.ge [sflag:s28], $0x4000  }
0x25b: {  	[sflag:s28] =	ssyncset.done $0x0  }
0x25c: {  	s1 =	simm.s32 $0x8040;
	[sflag:s28] =	ssyncadd.s32 $0xFFFFC000  }
0x25d: {  	v7 =	vld [tilespmem:s1+$0x30]  }
0x25e: {  	v4 =	vld [tilespmem:s1+$0xFFFFFFD0]  }
0x25f: {  	v5 =	vld [tilespmem:s1+$0xFFFFFFE0]  }
0x260: {  	v6 =	vld [tilespmem:s1+$0xFFFFFFF0]  }
0x261: {  	v8 =	vld [tilespmem:s1+$0x0]  }
0x262: {  	v10 =	vld [tilespmem:s1+$0x10]  }
0x263: {  	v12 =	vld [tilespmem:s1+$0xFFFFFFC0]  }
0x264: {  	v9 =	vmul.f32 $1.280000000e+02, v7;
	v11 =	vmul.f32 $1.280000000e+02, v4;
	v4 =	vand.u32 $0x7FFFFFFF, v4  }
0x265: {  	v18 =	vld [tilespmem:s1+$0x20];
	v13 =	vmul.f32 $1.280000000e+02, v5;
	v5 =	vand.u32 $0x7FFFFFFF, v5;
	v14 =	vmul.f32 $1.280000000e+02, v6  }
0x266: {  	v6 =	vand.u32 $0x7FFFFFFF, v6;
	v7 =	vand.u32 $0x7FFFFFFF, v7;
	v9 =	vadd.f32 $5.120000000e+02, v9  }
0x267: {  	v15 =	vmul.f32 $1.280000000e+02, v8;
	v16 =	vmul.f32 $1.280000000e+02, v10;
	vm15 =	vle.f32 v7, $4.000000000e+00  }
0x268: {  	v7 =	vmul.f32 $1.280000000e+02, v12;
	v11 =	vadd.f32 $5.120000000e+02, v11;
	v9 =	vtrunc.f32 v9  }
0x269: {  	v13 =	vadd.f32 $5.120000000e+02, v13;
	v14 =	vadd.f32 $5.120000000e+02, v14;
	v9 =	vcvt.f32.s32 v9  }
0x26a: {  	v17 =	vmul.f32 $1.280000000e+02, v18;
	v15 =	vadd.f32 $5.120000000e+02, v15;
	v7 =	vadd.f32 $5.120000000e+02, v7  }
0x26b: {  	v20 =	vtrunc.f32 v11;
	v11 =	vadd.f32 $5.120000000e+02, v16;
	v19 =	vadd.s32 v2, v9  }
0x26c: {  	v16 =	vadd.f32 $5.120000000e+02, v17;
	v21 =	vtrunc.f32 v13;
	v14 =	vtrunc.f32 v14  }
0x26d: {  	v13 =	vtrunc.f32 v15;
	v15 =	vtrunc.f32 v7;
	v7 =	vand.u32 $0x7FFFFFFF, v8  }
0x26e: {  	v8 =	vand.u32 $0x7FFFFFFF, v10;
	v14 =	vcvt.f32.s32 v14;
	v17 =	vcvt.f32.s32 v15  }
0x26f: {  	v15 =	vcvt.f32.s32 v20;
	v9 =	vand.u32 $0x7FFFFFFF, v12;
	v12 =	vtrunc.f32 v11  }
0x270: {  	s30 =	simm.s32 $0x80C0;
	s1 =	simm.s32 $0x0;
	v10 =	vand.u32 $0x7FFFFFFF, v18;
	v11 =	vtrunc.f32 v16;
	v16 =	vcvt.f32.s32 v21;
	[tilespmem:v19+s25+$0x0] =	vst.idx.add.f32.msk vm15, v3  }
.LBB2_24:
0x271: {  	v18 =	vld [tilespmem:s30+$0x30];
	s1 =	sadd.s32 $0x8, s1;
	v17 =	vadd.s32 v2, v17;
	v13 =	vcvt.f32.s32 v13;
	v12 =	vcvt.f32.s32 v12  }
0x272: {  	v15 =	vadd.s32 v2, v15;
	v11 =	vcvt.f32.s32 v11;
	v19 =	vld [tilespmem:s30+$0xFFFFFFD0];
	p0 =	slt.u32 s1, $0x3F8;
	v16 =	vadd.s32 v2, v16  }
0x273: {  	v14 =	vadd.s32 v2, v14;
	v20 =	vld [tilespmem:s30+$0xFFFFFFE0];
	v13 =	vadd.s32 v2, v13;
	v12 =	vadd.s32 v2, v12  }
0x274: {  	vm6 =	vle.f32 v9, $4.000000000e+00;
	vm5 =	vle.f32 v4, $4.000000000e+00;
	v11 =	vadd.s32 v2, v11;
	v21 =	vld [tilespmem:s30+$0xFFFFFFF0]  }
0x275: {  	vm4 =	vle.f32 v5, $4.000000000e+00;
	vm3 =	vle.f32 v6, $4.000000000e+00;
	vm2 =	vle.f32 v7, $4.000000000e+00;
	v22 =	vld [tilespmem:s30+$0x0]  }
0x276: {  	vm1 =	vle.f32 v8, $4.000000000e+00;
	vm0 =	vle.f32 v10, $4.000000000e+00;
	v23 =	vld [tilespmem:s30+$0x10];
	v6 =	vmul.f32 $1.280000000e+02, v18  }
0x277: {  	v7 =	vmul.f32 $1.280000000e+02, v19;
	v4 =	vand.u32 $0x7FFFFFFF, v19;
	v10 =	vld [tilespmem:s30+$0x20]  }
0x278: {  	v8 =	vld [tilespmem:s30+$0xFFFFFFC0];
	v9 =	vmul.f32 $1.280000000e+02, v20;
	v5 =	vand.u32 $0x7FFFFFFF, v20;
	v19 =	vadd.f32 $5.120000000e+02, v6  }
0x279: {  	v7 =	vadd.f32 $5.120000000e+02, v7;
	v20 =	vmul.f32 $1.280000000e+02, v21;
	v6 =	vand.u32 $0x7FFFFFFF, v21  }
0x27a: {  	v9 =	vadd.f32 $5.120000000e+02, v9;
	v21 =	vmul.f32 $1.280000000e+02, v22;
	v19 =	vtrunc.f32 v19;
	[tilespmem:v17+s25+$0x0] =	vst.idx.add.f32.msk vm6, v3  }
0x27b: {  	v18 =	vand.u32 $0x7FFFFFFF, v18;
	v17 =	vmul.f32 $1.280000000e+02, v23;
	v19 =	vcvt.f32.s32 v19;
	[tilespmem:v15+s25+$0x0] =	vst.idx.add.f32.msk vm5, v3  }
0x27c: {  	v15 =	vadd.f32 $5.120000000e+02, v20;
	vm5 =	vle.f32 v18, $4.000000000e+00;
	v20 =	vmul.f32 $1.280000000e+02, v10;
	[tilespmem:v16+s25+$0x0] =	vst.idx.add.f32.msk vm4, v3  }
0x27d: {  	v18 =	vadd.f32 $5.120000000e+02, v21;
	v16 =	vmul.f32 $1.280000000e+02, v8;
	v19 =	vadd.s32 v2, v19;
	[tilespmem:v14+s25+$0x0] =	vst.idx.add.f32.msk vm3, v3  }
0x27e: {  	v14 =	vtrunc.f32 v7;
	v7 =	vadd.f32 $5.120000000e+02, v17;
	v17 =	vadd.f32 $5.120000000e+02, v20;
	[tilespmem:v13+s25+$0x0] =	vst.idx.add.f32.msk vm2, v3  }
.Ltmp11:
0x27f: {  	v21 =	vtrunc.f32 v15;
	v20 =	vtrunc.f32 v9;
	v16 =	vadd.f32 $5.120000000e+02, v16;
	[tilespmem:v12+s25+$0x0] =	vst.idx.add.f32.msk vm1, v3;
	(pc) =	sbr.rel @p0 .LBB2_24-.Ltmp11, $4  }
0x280: {  	v9 =	vand.u32 $0x7FFFFFFF, v8;
	v13 =	vtrunc.f32 v18;
	v12 =	vtrunc.f32 v7;
	[tilespmem:v11+s25+$0x0] =	vst.idx.add.f32.msk vm0, v3  }
0x281: {  	v7 =	vand.u32 $0x7FFFFFFF, v22;
	v11 =	vtrunc.f32 v17;
	v8 =	vtrunc.f32 v16  }
0x282: {  	v15 =	vcvt.f32.s32 v14;
	v17 =	vcvt.f32.s32 v8;
	v8 =	vand.u32 $0x7FFFFFFF, v23;
	[tilespmem:v19+s25+$0x0] =	vst.idx.add.f32.msk vm5, v3  }
0x283: {  	s30 =	sadd.s32 $0x80, s30;
	v10 =	vand.u32 $0x7FFFFFFF, v10;
	v14 =	vcvt.f32.s32 v21;
	v16 =	vcvt.f32.s32 v20  }
0x284: {  	vm0 =	vle.f32 v9, $4.000000000e+00  }
0x285: {  	v9 =	vadd.s32 v2, v17;
	vm1 =	vle.f32 v4, $4.000000000e+00  }
0x286: {  	v4 =	vadd.s32 v2, v15;
	vm2 =	vle.f32 v5, $4.000000000e+00  }
0x287: {  	v5 =	vcvt.f32.s32 v13;
	vm3 =	vle.f32 v6, $4.000000000e+00;
	v13 =	vadd.s32 v2, v16  }
0x288: {  	v6 =	vcvt.f32.s32 v12;
	vm4 =	vle.f32 v7, $4.000000000e+00;
	v12 =	vadd.s32 v2, v14  }
0x289: {  	v7 =	vcvt.f32.s32 v11;
	vm5 =	vle.f32 v8, $4.000000000e+00;
	v5 =	vadd.s32 v2, v5  }
0x28a: {  	vm6 =	vle.f32 v10, $4.000000000e+00;
	v6 =	vadd.s32 v2, v6;
	[tilespmem:v9+s25+$0x0] =	vst.idx.add.f32.msk vm0, v3  }
0x28b: {  	v7 =	vadd.s32 v2, v7;
	[tilespmem:v4+s25+$0x0] =	vst.idx.add.f32.msk vm1, v3  }
0x28c: {  	[tilespmem:v13+s25+$0x0] =	vst.idx.add.f32.msk vm2, v3  }
0x28d: {  	[tilespmem:v12+s25+$0x0] =	vst.idx.add.f32.msk vm3, v3  }
0x28e: {  	[tilespmem:v5+s25+$0x0] =	vst.idx.add.f32.msk vm4, v3  }
0x28f: {  	[tilespmem:v6+s25+$0x0] =	vst.idx.add.f32.msk vm5, v3  }
0x290: {  	[tilespmem:v7+s25+$0x0] =	vst.idx.add.f32.msk vm6, v3  }
0x291: {  	[tilespmem:s22], [sflag:$0x3] =	stream.linear.gather [hbm4b:s17+s2], $0x4000, $0x38;
	[tilespmem:$0x14480] =	vst v63  }
0x292: {  	_ =	swait.ge [sflag:s29], $0x4000  }
0x293: {  	[sflag:s29] =	ssyncset.done $0x0  }
0x294: {  	s1 =	simm.s32 $0xC040;
	[sflag:s29] =	ssyncadd.s32 $0xFFFFC000  }
0x295: {  	v7 =	vld [tilespmem:s1+$0x30]  }
0x296: {  	v4 =	vld [tilespmem:s1+$0xFFFFFFD0]  }
0x297: {  	v5 =	vld [tilespmem:s1+$0xFFFFFFE0]  }
0x298: {  	v6 =	vld [tilespmem:s1+$0xFFFFFFF0]  }
0x299: {  	v8 =	vld [tilespmem:s1+$0x0]  }
0x29a: {  	v10 =	vld [tilespmem:s1+$0x10]  }
0x29b: {  	v12 =	vld [tilespmem:s1+$0xFFFFFFC0]  }
0x29c: {  	v9 =	vmul.f32 $1.280000000e+02, v7;
	v11 =	vmul.f32 $1.280000000e+02, v4;
	v4 =	vand.u32 $0x7FFFFFFF, v4  }
0x29d: {  	v18 =	vld [tilespmem:s1+$0x20];
	v13 =	vmul.f32 $1.280000000e+02, v5;
	v5 =	vand.u32 $0x7FFFFFFF, v5;
	v14 =	vmul.f32 $1.280000000e+02, v6  }
0x29e: {  	v6 =	vand.u32 $0x7FFFFFFF, v6;
	v7 =	vand.u32 $0x7FFFFFFF, v7;
	v9 =	vadd.f32 $5.120000000e+02, v9  }
0x29f: {  	v15 =	vmul.f32 $1.280000000e+02, v8;
	v16 =	vmul.f32 $1.280000000e+02, v10;
	vm15 =	vle.f32 v7, $4.000000000e+00  }
0x2a0: {  	v7 =	vmul.f32 $1.280000000e+02, v12;
	v11 =	vadd.f32 $5.120000000e+02, v11;
	v9 =	vtrunc.f32 v9  }
0x2a1: {  	v13 =	vadd.f32 $5.120000000e+02, v13;
	v14 =	vadd.f32 $5.120000000e+02, v14;
	v9 =	vcvt.f32.s32 v9  }
0x2a2: {  	v17 =	vmul.f32 $1.280000000e+02, v18;
	v15 =	vadd.f32 $5.120000000e+02, v15;
	v7 =	vadd.f32 $5.120000000e+02, v7  }
0x2a3: {  	v20 =	vtrunc.f32 v11;
	v11 =	vadd.f32 $5.120000000e+02, v16;
	v19 =	vadd.s32 v2, v9  }
0x2a4: {  	v16 =	vadd.f32 $5.120000000e+02, v17;
	v21 =	vtrunc.f32 v13;
	v14 =	vtrunc.f32 v14  }
0x2a5: {  	v13 =	vtrunc.f32 v15;
	v15 =	vtrunc.f32 v7;
	v7 =	vand.u32 $0x7FFFFFFF, v8  }
0x2a6: {  	v8 =	vand.u32 $0x7FFFFFFF, v10;
	v14 =	vcvt.f32.s32 v14;
	v17 =	vcvt.f32.s32 v15  }
0x2a7: {  	v15 =	vcvt.f32.s32 v20;
	v9 =	vand.u32 $0x7FFFFFFF, v12;
	v12 =	vtrunc.f32 v11  }
0x2a8: {  	s30 =	simm.s32 $0xC0C0;
	s1 =	simm.s32 $0x0;
	v10 =	vand.u32 $0x7FFFFFFF, v18;
	v11 =	vtrunc.f32 v16;
	v16 =	vcvt.f32.s32 v21;
	[tilespmem:v19+s25+$0x0] =	vst.idx.add.f32.msk vm15, v3  }
.LBB2_26:
0x2a9: {  	v18 =	vld [tilespmem:s30+$0x30];
	s1 =	sadd.s32 $0x8, s1;
	v17 =	vadd.s32 v2, v17;
	v13 =	vcvt.f32.s32 v13;
	v12 =	vcvt.f32.s32 v12  }
0x2aa: {  	v15 =	vadd.s32 v2, v15;
	v11 =	vcvt.f32.s32 v11;
	v19 =	vld [tilespmem:s30+$0xFFFFFFD0];
	p0 =	slt.u32 s1, $0x3F8;
	v16 =	vadd.s32 v2, v16  }
0x2ab: {  	v14 =	vadd.s32 v2, v14;
	v20 =	vld [tilespmem:s30+$0xFFFFFFE0];
	v13 =	vadd.s32 v2, v13;
	v12 =	vadd.s32 v2, v12  }
0x2ac: {  	vm6 =	vle.f32 v9, $4.000000000e+00;
	vm5 =	vle.f32 v4, $4.000000000e+00;
	v11 =	vadd.s32 v2, v11;
	v21 =	vld [tilespmem:s30+$0xFFFFFFF0]  }
0x2ad: {  	vm4 =	vle.f32 v5, $4.000000000e+00;
	vm3 =	vle.f32 v6, $4.000000000e+00;
	vm2 =	vle.f32 v7, $4.000000000e+00;
	v22 =	vld [tilespmem:s30+$0x0]  }
0x2ae: {  	vm1 =	vle.f32 v8, $4.000000000e+00;
	vm0 =	vle.f32 v10, $4.000000000e+00;
	v23 =	vld [tilespmem:s30+$0x10];
	v6 =	vmul.f32 $1.280000000e+02, v18  }
0x2af: {  	v7 =	vmul.f32 $1.280000000e+02, v19;
	v4 =	vand.u32 $0x7FFFFFFF, v19;
	v10 =	vld [tilespmem:s30+$0x20]  }
0x2b0: {  	v8 =	vld [tilespmem:s30+$0xFFFFFFC0];
	v9 =	vmul.f32 $1.280000000e+02, v20;
	v5 =	vand.u32 $0x7FFFFFFF, v20;
	v19 =	vadd.f32 $5.120000000e+02, v6  }
0x2b1: {  	v7 =	vadd.f32 $5.120000000e+02, v7;
	v20 =	vmul.f32 $1.280000000e+02, v21;
	v6 =	vand.u32 $0x7FFFFFFF, v21  }
0x2b2: {  	v9 =	vadd.f32 $5.120000000e+02, v9;
	v21 =	vmul.f32 $1.280000000e+02, v22;
	v19 =	vtrunc.f32 v19;
	[tilespmem:v17+s25+$0x0] =	vst.idx.add.f32.msk vm6, v3  }
0x2b3: {  	v18 =	vand.u32 $0x7FFFFFFF, v18;
	v17 =	vmul.f32 $1.280000000e+02, v23;
	v19 =	vcvt.f32.s32 v19;
	[tilespmem:v15+s25+$0x0] =	vst.idx.add.f32.msk vm5, v3  }
0x2b4: {  	v15 =	vadd.f32 $5.120000000e+02, v20;
	vm5 =	vle.f32 v18, $4.000000000e+00;
	v20 =	vmul.f32 $1.280000000e+02, v10;
	[tilespmem:v16+s25+$0x0] =	vst.idx.add.f32.msk vm4, v3  }
0x2b5: {  	v18 =	vadd.f32 $5.120000000e+02, v21;
	v16 =	vmul.f32 $1.280000000e+02, v8;
	v19 =	vadd.s32 v2, v19;
	[tilespmem:v14+s25+$0x0] =	vst.idx.add.f32.msk vm3, v3  }
0x2b6: {  	v14 =	vtrunc.f32 v7;
	v7 =	vadd.f32 $5.120000000e+02, v17;
	v17 =	vadd.f32 $5.120000000e+02, v20;
	[tilespmem:v13+s25+$0x0] =	vst.idx.add.f32.msk vm2, v3  }
.Ltmp12:
0x2b7: {  	v21 =	vtrunc.f32 v15;
	v20 =	vtrunc.f32 v9;
	v16 =	vadd.f32 $5.120000000e+02, v16;
	[tilespmem:v12+s25+$0x0] =	vst.idx.add.f32.msk vm1, v3;
	(pc) =	sbr.rel @p0 .LBB2_26-.Ltmp12, $4  }
0x2b8: {  	v9 =	vand.u32 $0x7FFFFFFF, v8;
	v13 =	vtrunc.f32 v18;
	v12 =	vtrunc.f32 v7;
	[tilespmem:v11+s25+$0x0] =	vst.idx.add.f32.msk vm0, v3  }
0x2b9: {  	v7 =	vand.u32 $0x7FFFFFFF, v22;
	v11 =	vtrunc.f32 v17;
	v8 =	vtrunc.f32 v16  }
0x2ba: {  	v15 =	vcvt.f32.s32 v14;
	v17 =	vcvt.f32.s32 v8;
	v8 =	vand.u32 $0x7FFFFFFF, v23;
	[tilespmem:v19+s25+$0x0] =	vst.idx.add.f32.msk vm5, v3  }
0x2bb: {  	s30 =	sadd.s32 $0x80, s30;
	v10 =	vand.u32 $0x7FFFFFFF, v10;
	v14 =	vcvt.f32.s32 v21;
	v16 =	vcvt.f32.s32 v20  }
0x2bc: {  	vm0 =	vle.f32 v9, $4.000000000e+00  }
0x2bd: {  	v9 =	vadd.s32 v2, v17;
	vm1 =	vle.f32 v4, $4.000000000e+00  }
0x2be: {  	v4 =	vadd.s32 v2, v15;
	vm2 =	vle.f32 v5, $4.000000000e+00  }
0x2bf: {  	v5 =	vcvt.f32.s32 v13;
	vm3 =	vle.f32 v6, $4.000000000e+00;
	v13 =	vadd.s32 v2, v16  }
0x2c0: {  	v6 =	vcvt.f32.s32 v12;
	vm4 =	vle.f32 v7, $4.000000000e+00;
	v12 =	vadd.s32 v2, v14  }
0x2c1: {  	v7 =	vcvt.f32.s32 v11;
	vm5 =	vle.f32 v8, $4.000000000e+00;
	v5 =	vadd.s32 v2, v5  }
0x2c2: {  	vm6 =	vle.f32 v10, $4.000000000e+00;
	v6 =	vadd.s32 v2, v6;
	[tilespmem:v9+s25+$0x0] =	vst.idx.add.f32.msk vm0, v3  }
0x2c3: {  	v7 =	vadd.s32 v2, v7;
	[tilespmem:v4+s25+$0x0] =	vst.idx.add.f32.msk vm1, v3  }
0x2c4: {  	[tilespmem:v13+s25+$0x0] =	vst.idx.add.f32.msk vm2, v3  }
0x2c5: {  	[tilespmem:v12+s25+$0x0] =	vst.idx.add.f32.msk vm3, v3  }
0x2c6: {  	[tilespmem:v5+s25+$0x0] =	vst.idx.add.f32.msk vm4, v3  }
0x2c7: {  	[tilespmem:v6+s25+$0x0] =	vst.idx.add.f32.msk vm5, v3  }
0x2c8: {  	[tilespmem:v7+s25+$0x0] =	vst.idx.add.f32.msk vm6, v3  }
0x2c9: {  	[tilespmem:s23], [sflag:$0x4] =	stream.linear.gather [hbm4b:s18+s2], $0x4000, $0x38;
	[tilespmem:$0x14480] =	vst v63  }
0x2ca: {  	_ =	swait.ge [sflag:s24], $0x4000  }
0x2cb: {  	[sflag:s24] =	ssyncset.done $0x0  }
0x2cc: {  	s1 =	simm.s32 $0x40;
	[sflag:s24] =	ssyncadd.s32 $0xFFFFC000  }
0x2cd: {  	v7 =	vld [tilespmem:s1+$0x30]  }
0x2ce: {  	v4 =	vld [tilespmem:s1+$0xFFFFFFD0]  }
0x2cf: {  	v5 =	vld [tilespmem:s1+$0xFFFFFFE0]  }
0x2d0: {  	v6 =	vld [tilespmem:s1+$0xFFFFFFF0]  }
0x2d1: {  	v8 =	vld [tilespmem:s1+$0x0]  }
0x2d2: {  	v10 =	vld [tilespmem:s1+$0x10]  }
0x2d3: {  	v12 =	vld [tilespmem:s1+$0xFFFFFFC0]  }
0x2d4: {  	v9 =	vmul.f32 $1.280000000e+02, v7;
	v11 =	vmul.f32 $1.280000000e+02, v4;
	v4 =	vand.u32 $0x7FFFFFFF, v4  }
0x2d5: {  	v18 =	vld [tilespmem:s1+$0x20];
	v13 =	vmul.f32 $1.280000000e+02, v5;
	v5 =	vand.u32 $0x7FFFFFFF, v5;
	v14 =	vmul.f32 $1.280000000e+02, v6  }
0x2d6: {  	v6 =	vand.u32 $0x7FFFFFFF, v6;
	v7 =	vand.u32 $0x7FFFFFFF, v7;
	v9 =	vadd.f32 $5.120000000e+02, v9  }
0x2d7: {  	v15 =	vmul.f32 $1.280000000e+02, v8;
	v16 =	vmul.f32 $1.280000000e+02, v10;
	vm15 =	vle.f32 v7, $4.000000000e+00  }
0x2d8: {  	v7 =	vmul.f32 $1.280000000e+02, v12;
	v11 =	vadd.f32 $5.120000000e+02, v11;
	v9 =	vtrunc.f32 v9  }
0x2d9: {  	v13 =	vadd.f32 $5.120000000e+02, v13;
	v14 =	vadd.f32 $5.120000000e+02, v14;
	v9 =	vcvt.f32.s32 v9  }
0x2da: {  	v17 =	vmul.f32 $1.280000000e+02, v18;
	v15 =	vadd.f32 $5.120000000e+02, v15;
	v7 =	vadd.f32 $5.120000000e+02, v7  }
0x2db: {  	v20 =	vtrunc.f32 v11;
	v11 =	vadd.f32 $5.120000000e+02, v16;
	v19 =	vadd.s32 v2, v9  }
0x2dc: {  	v16 =	vadd.f32 $5.120000000e+02, v17;
	v21 =	vtrunc.f32 v13;
	v14 =	vtrunc.f32 v14  }
0x2dd: {  	v13 =	vtrunc.f32 v15;
	v15 =	vtrunc.f32 v7;
	v7 =	vand.u32 $0x7FFFFFFF, v8  }
0x2de: {  	v8 =	vand.u32 $0x7FFFFFFF, v10;
	v14 =	vcvt.f32.s32 v14;
	v17 =	vcvt.f32.s32 v15  }
0x2df: {  	v15 =	vcvt.f32.s32 v20;
	v9 =	vand.u32 $0x7FFFFFFF, v12;
	v12 =	vtrunc.f32 v11  }
0x2e0: {  	s30 =	simm.s32 $0xC0;
	s1 =	simm.s32 $0x0;
	v10 =	vand.u32 $0x7FFFFFFF, v18;
	v11 =	vtrunc.f32 v16;
	v16 =	vcvt.f32.s32 v21;
	[tilespmem:v19+s25+$0x0] =	vst.idx.add.f32.msk vm15, v3  }
.LBB2_28:
0x2e1: {  	v18 =	vld [tilespmem:s30+$0x30];
	s1 =	sadd.s32 $0x8, s1;
	v17 =	vadd.s32 v2, v17;
	v13 =	vcvt.f32.s32 v13;
	v12 =	vcvt.f32.s32 v12  }
0x2e2: {  	v15 =	vadd.s32 v2, v15;
	v11 =	vcvt.f32.s32 v11;
	v19 =	vld [tilespmem:s30+$0xFFFFFFD0];
	p0 =	slt.u32 s1, $0x3F8;
	v16 =	vadd.s32 v2, v16  }
0x2e3: {  	v14 =	vadd.s32 v2, v14;
	v20 =	vld [tilespmem:s30+$0xFFFFFFE0];
	v13 =	vadd.s32 v2, v13;
	v12 =	vadd.s32 v2, v12  }
0x2e4: {  	vm6 =	vle.f32 v9, $4.000000000e+00;
	vm5 =	vle.f32 v4, $4.000000000e+00;
	v11 =	vadd.s32 v2, v11;
	v21 =	vld [tilespmem:s30+$0xFFFFFFF0]  }
0x2e5: {  	vm4 =	vle.f32 v5, $4.000000000e+00;
	vm3 =	vle.f32 v6, $4.000000000e+00;
	vm2 =	vle.f32 v7, $4.000000000e+00;
	v22 =	vld [tilespmem:s30+$0x0]  }
0x2e6: {  	vm1 =	vle.f32 v8, $4.000000000e+00;
	vm0 =	vle.f32 v10, $4.000000000e+00;
	v23 =	vld [tilespmem:s30+$0x10];
	v6 =	vmul.f32 $1.280000000e+02, v18  }
0x2e7: {  	v7 =	vmul.f32 $1.280000000e+02, v19;
	v4 =	vand.u32 $0x7FFFFFFF, v19;
	v10 =	vld [tilespmem:s30+$0x20]  }
0x2e8: {  	v8 =	vld [tilespmem:s30+$0xFFFFFFC0];
	v9 =	vmul.f32 $1.280000000e+02, v20;
	v5 =	vand.u32 $0x7FFFFFFF, v20;
	v19 =	vadd.f32 $5.120000000e+02, v6  }
0x2e9: {  	v7 =	vadd.f32 $5.120000000e+02, v7;
	v20 =	vmul.f32 $1.280000000e+02, v21;
	v6 =	vand.u32 $0x7FFFFFFF, v21  }
0x2ea: {  	v9 =	vadd.f32 $5.120000000e+02, v9;
	v21 =	vmul.f32 $1.280000000e+02, v22;
	v19 =	vtrunc.f32 v19;
	[tilespmem:v17+s25+$0x0] =	vst.idx.add.f32.msk vm6, v3  }
0x2eb: {  	v18 =	vand.u32 $0x7FFFFFFF, v18;
	v17 =	vmul.f32 $1.280000000e+02, v23;
	v19 =	vcvt.f32.s32 v19;
	[tilespmem:v15+s25+$0x0] =	vst.idx.add.f32.msk vm5, v3  }
0x2ec: {  	v15 =	vadd.f32 $5.120000000e+02, v20;
	vm5 =	vle.f32 v18, $4.000000000e+00;
	v20 =	vmul.f32 $1.280000000e+02, v10;
	[tilespmem:v16+s25+$0x0] =	vst.idx.add.f32.msk vm4, v3  }
0x2ed: {  	v18 =	vadd.f32 $5.120000000e+02, v21;
	v16 =	vmul.f32 $1.280000000e+02, v8;
	v19 =	vadd.s32 v2, v19;
	[tilespmem:v14+s25+$0x0] =	vst.idx.add.f32.msk vm3, v3  }
0x2ee: {  	v14 =	vtrunc.f32 v7;
	v7 =	vadd.f32 $5.120000000e+02, v17;
	v17 =	vadd.f32 $5.120000000e+02, v20;
	[tilespmem:v13+s25+$0x0] =	vst.idx.add.f32.msk vm2, v3  }
.Ltmp13:
0x2ef: {  	v21 =	vtrunc.f32 v15;
	v20 =	vtrunc.f32 v9;
	v16 =	vadd.f32 $5.120000000e+02, v16;
	[tilespmem:v12+s25+$0x0] =	vst.idx.add.f32.msk vm1, v3;
	(pc) =	sbr.rel @p0 .LBB2_28-.Ltmp13, $4  }
0x2f0: {  	v9 =	vand.u32 $0x7FFFFFFF, v8;
	v13 =	vtrunc.f32 v18;
	v12 =	vtrunc.f32 v7;
	[tilespmem:v11+s25+$0x0] =	vst.idx.add.f32.msk vm0, v3  }
0x2f1: {  	v7 =	vand.u32 $0x7FFFFFFF, v22;
	v11 =	vtrunc.f32 v17;
	v8 =	vtrunc.f32 v16  }
0x2f2: {  	v15 =	vcvt.f32.s32 v14;
	v17 =	vcvt.f32.s32 v8;
	v8 =	vand.u32 $0x7FFFFFFF, v23;
	[tilespmem:v19+s25+$0x0] =	vst.idx.add.f32.msk vm5, v3  }
0x2f3: {  	s30 =	sadd.s32 $0x80, s30;
	v10 =	vand.u32 $0x7FFFFFFF, v10;
	v14 =	vcvt.f32.s32 v21;
	v16 =	vcvt.f32.s32 v20  }
0x2f4: {  	vm0 =	vle.f32 v9, $4.000000000e+00  }
0x2f5: {  	v9 =	vadd.s32 v2, v17;
	vm1 =	vle.f32 v4, $4.000000000e+00  }
0x2f6: {  	v4 =	vadd.s32 v2, v15;
	vm2 =	vle.f32 v5, $4.000000000e+00  }
0x2f7: {  	v5 =	vcvt.f32.s32 v13;
	vm3 =	vle.f32 v6, $4.000000000e+00;
	v13 =	vadd.s32 v2, v16  }
0x2f8: {  	v6 =	vcvt.f32.s32 v12;
	vm4 =	vle.f32 v7, $4.000000000e+00;
	v12 =	vadd.s32 v2, v14  }
0x2f9: {  	v7 =	vcvt.f32.s32 v11;
	vm5 =	vle.f32 v8, $4.000000000e+00;
	v5 =	vadd.s32 v2, v5  }
0x2fa: {  	vm6 =	vle.f32 v10, $4.000000000e+00;
	v6 =	vadd.s32 v2, v6;
	[tilespmem:v9+s25+$0x0] =	vst.idx.add.f32.msk vm0, v3  }
0x2fb: {  	v7 =	vadd.s32 v2, v7;
	[tilespmem:v4+s25+$0x0] =	vst.idx.add.f32.msk vm1, v3  }
0x2fc: {  	[tilespmem:v13+s25+$0x0] =	vst.idx.add.f32.msk vm2, v3  }
0x2fd: {  	[tilespmem:v12+s25+$0x0] =	vst.idx.add.f32.msk vm3, v3  }
0x2fe: {  	[tilespmem:v5+s25+$0x0] =	vst.idx.add.f32.msk vm4, v3  }
0x2ff: {  	[tilespmem:v6+s25+$0x0] =	vst.idx.add.f32.msk vm5, v3  }
0x300: {  	[tilespmem:v7+s25+$0x0] =	vst.idx.add.f32.msk vm6, v3  }
0x301: {  	_ =	swait.ge [sflag:s26], $0x4000  }
0x302: {  	[sflag:s26] =	ssyncset.done $0x0  }
0x303: {  	s1 =	simm.s32 $0x4040;
	[sflag:s26] =	ssyncadd.s32 $0xFFFFC000  }
0x304: {  	v7 =	vld [tilespmem:s1+$0x30]  }
0x305: {  	v4 =	vld [tilespmem:s1+$0xFFFFFFD0]  }
0x306: {  	v5 =	vld [tilespmem:s1+$0xFFFFFFE0]  }
0x307: {  	v6 =	vld [tilespmem:s1+$0xFFFFFFF0]  }
0x308: {  	v8 =	vld [tilespmem:s1+$0x0]  }
0x309: {  	v10 =	vld [tilespmem:s1+$0x10]  }
0x30a: {  	v12 =	vld [tilespmem:s1+$0xFFFFFFC0]  }
0x30b: {  	v9 =	vmul.f32 $1.280000000e+02, v7;
	v11 =	vmul.f32 $1.280000000e+02, v4;
	v4 =	vand.u32 $0x7FFFFFFF, v4  }
0x30c: {  	v18 =	vld [tilespmem:s1+$0x20];
	v13 =	vmul.f32 $1.280000000e+02, v5;
	v5 =	vand.u32 $0x7FFFFFFF, v5;
	v14 =	vmul.f32 $1.280000000e+02, v6  }
0x30d: {  	v6 =	vand.u32 $0x7FFFFFFF, v6;
	v7 =	vand.u32 $0x7FFFFFFF, v7;
	v9 =	vadd.f32 $5.120000000e+02, v9  }
0x30e: {  	v15 =	vmul.f32 $1.280000000e+02, v8;
	v16 =	vmul.f32 $1.280000000e+02, v10;
	vm15 =	vle.f32 v7, $4.000000000e+00  }
0x30f: {  	v7 =	vmul.f32 $1.280000000e+02, v12;
	v11 =	vadd.f32 $5.120000000e+02, v11;
	v9 =	vtrunc.f32 v9  }
0x310: {  	v13 =	vadd.f32 $5.120000000e+02, v13;
	v14 =	vadd.f32 $5.120000000e+02, v14;
	v9 =	vcvt.f32.s32 v9  }
0x311: {  	v17 =	vmul.f32 $1.280000000e+02, v18;
	v15 =	vadd.f32 $5.120000000e+02, v15;
	v7 =	vadd.f32 $5.120000000e+02, v7  }
0x312: {  	v20 =	vtrunc.f32 v11;
	v11 =	vadd.f32 $5.120000000e+02, v16;
	v19 =	vadd.s32 v2, v9  }
0x313: {  	v16 =	vadd.f32 $5.120000000e+02, v17;
	v21 =	vtrunc.f32 v13;
	v14 =	vtrunc.f32 v14  }
0x314: {  	v13 =	vtrunc.f32 v15;
	v15 =	vtrunc.f32 v7;
	v7 =	vand.u32 $0x7FFFFFFF, v8  }
0x315: {  	v8 =	vand.u32 $0x7FFFFFFF, v10;
	v14 =	vcvt.f32.s32 v14;
	v17 =	vcvt.f32.s32 v15  }
0x316: {  	v15 =	vcvt.f32.s32 v20;
	v9 =	vand.u32 $0x7FFFFFFF, v12;
	v12 =	vtrunc.f32 v11  }
0x317: {  	s30 =	simm.s32 $0x40C0;
	s1 =	simm.s32 $0x0;
	v10 =	vand.u32 $0x7FFFFFFF, v18;
	v11 =	vtrunc.f32 v16;
	v16 =	vcvt.f32.s32 v21;
	[tilespmem:v19+s25+$0x0] =	vst.idx.add.f32.msk vm15, v3  }
.LBB2_30:
0x318: {  	v18 =	vld [tilespmem:s30+$0x30];
	s1 =	sadd.s32 $0x8, s1;
	v17 =	vadd.s32 v2, v17;
	v13 =	vcvt.f32.s32 v13;
	v12 =	vcvt.f32.s32 v12  }
0x319: {  	v15 =	vadd.s32 v2, v15;
	v11 =	vcvt.f32.s32 v11;
	v19 =	vld [tilespmem:s30+$0xFFFFFFD0];
	p0 =	slt.u32 s1, $0x3F8;
	v16 =	vadd.s32 v2, v16  }
0x31a: {  	v14 =	vadd.s32 v2, v14;
	v20 =	vld [tilespmem:s30+$0xFFFFFFE0];
	v13 =	vadd.s32 v2, v13;
	v12 =	vadd.s32 v2, v12  }
0x31b: {  	vm6 =	vle.f32 v9, $4.000000000e+00;
	vm5 =	vle.f32 v4, $4.000000000e+00;
	v11 =	vadd.s32 v2, v11;
	v21 =	vld [tilespmem:s30+$0xFFFFFFF0]  }
0x31c: {  	vm4 =	vle.f32 v5, $4.000000000e+00;
	vm3 =	vle.f32 v6, $4.000000000e+00;
	vm2 =	vle.f32 v7, $4.000000000e+00;
	v22 =	vld [tilespmem:s30+$0x0]  }
0x31d: {  	vm1 =	vle.f32 v8, $4.000000000e+00;
	vm0 =	vle.f32 v10, $4.000000000e+00;
	v23 =	vld [tilespmem:s30+$0x10];
	v6 =	vmul.f32 $1.280000000e+02, v18  }
0x31e: {  	v7 =	vmul.f32 $1.280000000e+02, v19;
	v4 =	vand.u32 $0x7FFFFFFF, v19;
	v10 =	vld [tilespmem:s30+$0x20]  }
0x31f: {  	v8 =	vld [tilespmem:s30+$0xFFFFFFC0];
	v9 =	vmul.f32 $1.280000000e+02, v20;
	v5 =	vand.u32 $0x7FFFFFFF, v20;
	v19 =	vadd.f32 $5.120000000e+02, v6  }
0x320: {  	v7 =	vadd.f32 $5.120000000e+02, v7;
	v20 =	vmul.f32 $1.280000000e+02, v21;
	v6 =	vand.u32 $0x7FFFFFFF, v21  }
0x321: {  	v9 =	vadd.f32 $5.120000000e+02, v9;
	v21 =	vmul.f32 $1.280000000e+02, v22;
	v19 =	vtrunc.f32 v19;
	[tilespmem:v17+s25+$0x0] =	vst.idx.add.f32.msk vm6, v3  }
0x322: {  	v18 =	vand.u32 $0x7FFFFFFF, v18;
	v17 =	vmul.f32 $1.280000000e+02, v23;
	v19 =	vcvt.f32.s32 v19;
	[tilespmem:v15+s25+$0x0] =	vst.idx.add.f32.msk vm5, v3  }
0x323: {  	v15 =	vadd.f32 $5.120000000e+02, v20;
	vm5 =	vle.f32 v18, $4.000000000e+00;
	v20 =	vmul.f32 $1.280000000e+02, v10;
	[tilespmem:v16+s25+$0x0] =	vst.idx.add.f32.msk vm4, v3  }
0x324: {  	v18 =	vadd.f32 $5.120000000e+02, v21;
	v16 =	vmul.f32 $1.280000000e+02, v8;
	v19 =	vadd.s32 v2, v19;
	[tilespmem:v14+s25+$0x0] =	vst.idx.add.f32.msk vm3, v3  }
0x325: {  	v14 =	vtrunc.f32 v7;
	v7 =	vadd.f32 $5.120000000e+02, v17;
	v17 =	vadd.f32 $5.120000000e+02, v20;
	[tilespmem:v13+s25+$0x0] =	vst.idx.add.f32.msk vm2, v3  }
.Ltmp14:
0x326: {  	v21 =	vtrunc.f32 v15;
	v20 =	vtrunc.f32 v9;
	v16 =	vadd.f32 $5.120000000e+02, v16;
	[tilespmem:v12+s25+$0x0] =	vst.idx.add.f32.msk vm1, v3;
	(pc) =	sbr.rel @p0 .LBB2_30-.Ltmp14, $4  }
0x327: {  	v9 =	vand.u32 $0x7FFFFFFF, v8;
	v13 =	vtrunc.f32 v18;
	v12 =	vtrunc.f32 v7;
	[tilespmem:v11+s25+$0x0] =	vst.idx.add.f32.msk vm0, v3  }
0x328: {  	v7 =	vand.u32 $0x7FFFFFFF, v22;
	v11 =	vtrunc.f32 v17;
	v8 =	vtrunc.f32 v16  }
0x329: {  	v15 =	vcvt.f32.s32 v14;
	v17 =	vcvt.f32.s32 v8;
	v8 =	vand.u32 $0x7FFFFFFF, v23;
	[tilespmem:v19+s25+$0x0] =	vst.idx.add.f32.msk vm5, v3  }
0x32a: {  	s30 =	sadd.s32 $0x80, s30;
	v10 =	vand.u32 $0x7FFFFFFF, v10;
	v14 =	vcvt.f32.s32 v21;
	v16 =	vcvt.f32.s32 v20  }
0x32b: {  	vm0 =	vle.f32 v9, $4.000000000e+00  }
0x32c: {  	v9 =	vadd.s32 v2, v17;
	vm1 =	vle.f32 v4, $4.000000000e+00  }
0x32d: {  	v4 =	vadd.s32 v2, v15;
	vm2 =	vle.f32 v5, $4.000000000e+00  }
0x32e: {  	v5 =	vcvt.f32.s32 v13;
	vm3 =	vle.f32 v6, $4.000000000e+00;
	v13 =	vadd.s32 v2, v16  }
0x32f: {  	v6 =	vcvt.f32.s32 v12;
	vm4 =	vle.f32 v7, $4.000000000e+00;
	v12 =	vadd.s32 v2, v14  }
0x330: {  	v7 =	vcvt.f32.s32 v11;
	vm5 =	vle.f32 v8, $4.000000000e+00;
	v5 =	vadd.s32 v2, v5  }
0x331: {  	vm6 =	vle.f32 v10, $4.000000000e+00;
	v6 =	vadd.s32 v2, v6;
	[tilespmem:v9+s25+$0x0] =	vst.idx.add.f32.msk vm0, v3  }
0x332: {  	v7 =	vadd.s32 v2, v7;
	[tilespmem:v4+s25+$0x0] =	vst.idx.add.f32.msk vm1, v3  }
0x333: {  	[tilespmem:v13+s25+$0x0] =	vst.idx.add.f32.msk vm2, v3  }
0x334: {  	[tilespmem:v12+s25+$0x0] =	vst.idx.add.f32.msk vm3, v3  }
0x335: {  	[tilespmem:v5+s25+$0x0] =	vst.idx.add.f32.msk vm4, v3  }
0x336: {  	[tilespmem:v6+s25+$0x0] =	vst.idx.add.f32.msk vm5, v3  }
0x337: {  	[tilespmem:v7+s25+$0x0] =	vst.idx.add.f32.msk vm6, v3  }
0x338: {  	_ =	swait.ge [sflag:s28], $0x4000  }
0x339: {  	[sflag:s28] =	ssyncset.done $0x0  }
0x33a: {  	s1 =	simm.s32 $0x8040;
	[sflag:s28] =	ssyncadd.s32 $0xFFFFC000  }
0x33b: {  	v7 =	vld [tilespmem:s1+$0x30]  }
0x33c: {  	v4 =	vld [tilespmem:s1+$0xFFFFFFD0]  }
0x33d: {  	v5 =	vld [tilespmem:s1+$0xFFFFFFE0]  }
0x33e: {  	v6 =	vld [tilespmem:s1+$0xFFFFFFF0]  }
0x33f: {  	v8 =	vld [tilespmem:s1+$0x0]  }
0x340: {  	v10 =	vld [tilespmem:s1+$0x10]  }
0x341: {  	v12 =	vld [tilespmem:s1+$0xFFFFFFC0]  }
0x342: {  	v9 =	vmul.f32 $1.280000000e+02, v7;
	v11 =	vmul.f32 $1.280000000e+02, v4;
	v4 =	vand.u32 $0x7FFFFFFF, v4  }
0x343: {  	v18 =	vld [tilespmem:s1+$0x20];
	v13 =	vmul.f32 $1.280000000e+02, v5;
	v5 =	vand.u32 $0x7FFFFFFF, v5;
	v14 =	vmul.f32 $1.280000000e+02, v6  }
0x344: {  	v6 =	vand.u32 $0x7FFFFFFF, v6;
	v7 =	vand.u32 $0x7FFFFFFF, v7;
	v9 =	vadd.f32 $5.120000000e+02, v9  }
0x345: {  	v15 =	vmul.f32 $1.280000000e+02, v8;
	v16 =	vmul.f32 $1.280000000e+02, v10;
	vm15 =	vle.f32 v7, $4.000000000e+00  }
0x346: {  	v7 =	vmul.f32 $1.280000000e+02, v12;
	v11 =	vadd.f32 $5.120000000e+02, v11;
	v9 =	vtrunc.f32 v9  }
0x347: {  	v13 =	vadd.f32 $5.120000000e+02, v13;
	v14 =	vadd.f32 $5.120000000e+02, v14;
	v9 =	vcvt.f32.s32 v9  }
0x348: {  	v17 =	vmul.f32 $1.280000000e+02, v18;
	v15 =	vadd.f32 $5.120000000e+02, v15;
	v7 =	vadd.f32 $5.120000000e+02, v7  }
0x349: {  	v20 =	vtrunc.f32 v11;
	v11 =	vadd.f32 $5.120000000e+02, v16;
	v19 =	vadd.s32 v2, v9  }
0x34a: {  	v16 =	vadd.f32 $5.120000000e+02, v17;
	v21 =	vtrunc.f32 v13;
	v14 =	vtrunc.f32 v14  }
0x34b: {  	v13 =	vtrunc.f32 v15;
	v15 =	vtrunc.f32 v7;
	v7 =	vand.u32 $0x7FFFFFFF, v8  }
0x34c: {  	v8 =	vand.u32 $0x7FFFFFFF, v10;
	v14 =	vcvt.f32.s32 v14;
	v17 =	vcvt.f32.s32 v15  }
0x34d: {  	v15 =	vcvt.f32.s32 v20;
	v9 =	vand.u32 $0x7FFFFFFF, v12;
	v12 =	vtrunc.f32 v11  }
0x34e: {  	s30 =	simm.s32 $0x80C0;
	s1 =	simm.s32 $0x0;
	v10 =	vand.u32 $0x7FFFFFFF, v18;
	v11 =	vtrunc.f32 v16;
	v16 =	vcvt.f32.s32 v21;
	[tilespmem:v19+s25+$0x0] =	vst.idx.add.f32.msk vm15, v3  }
.LBB2_32:
0x34f: {  	v18 =	vld [tilespmem:s30+$0x30];
	s1 =	sadd.s32 $0x8, s1;
	v17 =	vadd.s32 v2, v17;
	v13 =	vcvt.f32.s32 v13;
	v12 =	vcvt.f32.s32 v12  }
0x350: {  	v15 =	vadd.s32 v2, v15;
	v11 =	vcvt.f32.s32 v11;
	v19 =	vld [tilespmem:s30+$0xFFFFFFD0];
	p0 =	slt.u32 s1, $0x3F8;
	v16 =	vadd.s32 v2, v16  }
0x351: {  	v14 =	vadd.s32 v2, v14;
	v20 =	vld [tilespmem:s30+$0xFFFFFFE0];
	v13 =	vadd.s32 v2, v13;
	v12 =	vadd.s32 v2, v12  }
0x352: {  	vm6 =	vle.f32 v9, $4.000000000e+00;
	vm5 =	vle.f32 v4, $4.000000000e+00;
	v11 =	vadd.s32 v2, v11;
	v21 =	vld [tilespmem:s30+$0xFFFFFFF0]  }
0x353: {  	vm4 =	vle.f32 v5, $4.000000000e+00;
	vm3 =	vle.f32 v6, $4.000000000e+00;
	vm2 =	vle.f32 v7, $4.000000000e+00;
	v22 =	vld [tilespmem:s30+$0x0]  }
0x354: {  	vm1 =	vle.f32 v8, $4.000000000e+00;
	vm0 =	vle.f32 v10, $4.000000000e+00;
	v23 =	vld [tilespmem:s30+$0x10];
	v6 =	vmul.f32 $1.280000000e+02, v18  }
0x355: {  	v7 =	vmul.f32 $1.280000000e+02, v19;
	v4 =	vand.u32 $0x7FFFFFFF, v19;
	v10 =	vld [tilespmem:s30+$0x20]  }
0x356: {  	v8 =	vld [tilespmem:s30+$0xFFFFFFC0];
	v9 =	vmul.f32 $1.280000000e+02, v20;
	v5 =	vand.u32 $0x7FFFFFFF, v20;
	v19 =	vadd.f32 $5.120000000e+02, v6  }
0x357: {  	v7 =	vadd.f32 $5.120000000e+02, v7;
	v20 =	vmul.f32 $1.280000000e+02, v21;
	v6 =	vand.u32 $0x7FFFFFFF, v21  }
0x358: {  	v9 =	vadd.f32 $5.120000000e+02, v9;
	v21 =	vmul.f32 $1.280000000e+02, v22;
	v19 =	vtrunc.f32 v19;
	[tilespmem:v17+s25+$0x0] =	vst.idx.add.f32.msk vm6, v3  }
0x359: {  	v18 =	vand.u32 $0x7FFFFFFF, v18;
	v17 =	vmul.f32 $1.280000000e+02, v23;
	v19 =	vcvt.f32.s32 v19;
	[tilespmem:v15+s25+$0x0] =	vst.idx.add.f32.msk vm5, v3  }
0x35a: {  	v15 =	vadd.f32 $5.120000000e+02, v20;
	vm5 =	vle.f32 v18, $4.000000000e+00;
	v20 =	vmul.f32 $1.280000000e+02, v10;
	[tilespmem:v16+s25+$0x0] =	vst.idx.add.f32.msk vm4, v3  }
0x35b: {  	v18 =	vadd.f32 $5.120000000e+02, v21;
	v16 =	vmul.f32 $1.280000000e+02, v8;
	v19 =	vadd.s32 v2, v19;
	[tilespmem:v14+s25+$0x0] =	vst.idx.add.f32.msk vm3, v3  }
0x35c: {  	v14 =	vtrunc.f32 v7;
	v7 =	vadd.f32 $5.120000000e+02, v17;
	v17 =	vadd.f32 $5.120000000e+02, v20;
	[tilespmem:v13+s25+$0x0] =	vst.idx.add.f32.msk vm2, v3  }
.Ltmp15:
0x35d: {  	v21 =	vtrunc.f32 v15;
	v20 =	vtrunc.f32 v9;
	v16 =	vadd.f32 $5.120000000e+02, v16;
	[tilespmem:v12+s25+$0x0] =	vst.idx.add.f32.msk vm1, v3;
	(pc) =	sbr.rel @p0 .LBB2_32-.Ltmp15, $4  }
0x35e: {  	v9 =	vand.u32 $0x7FFFFFFF, v8;
	v13 =	vtrunc.f32 v18;
	v12 =	vtrunc.f32 v7;
	[tilespmem:v11+s25+$0x0] =	vst.idx.add.f32.msk vm0, v3  }
0x35f: {  	v7 =	vand.u32 $0x7FFFFFFF, v22;
	v11 =	vtrunc.f32 v17;
	v8 =	vtrunc.f32 v16  }
0x360: {  	v15 =	vcvt.f32.s32 v14;
	v17 =	vcvt.f32.s32 v8;
	v8 =	vand.u32 $0x7FFFFFFF, v23;
	[tilespmem:v19+s25+$0x0] =	vst.idx.add.f32.msk vm5, v3  }
0x361: {  	s30 =	sadd.s32 $0x80, s30;
	v10 =	vand.u32 $0x7FFFFFFF, v10;
	v14 =	vcvt.f32.s32 v21;
	v16 =	vcvt.f32.s32 v20  }
0x362: {  	vm0 =	vle.f32 v9, $4.000000000e+00  }
0x363: {  	v9 =	vadd.s32 v2, v17;
	vm1 =	vle.f32 v4, $4.000000000e+00  }
0x364: {  	v4 =	vadd.s32 v2, v15;
	vm2 =	vle.f32 v5, $4.000000000e+00  }
0x365: {  	v5 =	vcvt.f32.s32 v13;
	vm3 =	vle.f32 v6, $4.000000000e+00;
	v13 =	vadd.s32 v2, v16  }
0x366: {  	v6 =	vcvt.f32.s32 v12;
	vm4 =	vle.f32 v7, $4.000000000e+00;
	v12 =	vadd.s32 v2, v14  }
0x367: {  	v7 =	vcvt.f32.s32 v11;
	vm5 =	vle.f32 v8, $4.000000000e+00;
	v5 =	vadd.s32 v2, v5  }
0x368: {  	vm6 =	vle.f32 v10, $4.000000000e+00;
	v6 =	vadd.s32 v2, v6;
	[tilespmem:v9+s25+$0x0] =	vst.idx.add.f32.msk vm0, v3  }
0x369: {  	v7 =	vadd.s32 v2, v7;
	[tilespmem:v4+s25+$0x0] =	vst.idx.add.f32.msk vm1, v3  }
0x36a: {  	[tilespmem:v13+s25+$0x0] =	vst.idx.add.f32.msk vm2, v3  }
0x36b: {  	[tilespmem:v12+s25+$0x0] =	vst.idx.add.f32.msk vm3, v3  }
0x36c: {  	[tilespmem:v5+s25+$0x0] =	vst.idx.add.f32.msk vm4, v3  }
0x36d: {  	[tilespmem:v6+s25+$0x0] =	vst.idx.add.f32.msk vm5, v3  }
0x36e: {  	[tilespmem:v7+s25+$0x0] =	vst.idx.add.f32.msk vm6, v3  }
0x36f: {  	_ =	swait.ge [sflag:s29], $0x4000  }
0x370: {  	[sflag:s29] =	ssyncset.done $0x0  }
0x371: {  	s1 =	simm.s32 $0xC040;
	[sflag:s29] =	ssyncadd.s32 $0xFFFFC000  }
0x372: {  	v7 =	vld [tilespmem:s1+$0x30]  }
0x373: {  	v4 =	vld [tilespmem:s1+$0xFFFFFFD0]  }
0x374: {  	v5 =	vld [tilespmem:s1+$0xFFFFFFE0]  }
0x375: {  	v6 =	vld [tilespmem:s1+$0xFFFFFFF0]  }
0x376: {  	v8 =	vld [tilespmem:s1+$0x0]  }
0x377: {  	v10 =	vld [tilespmem:s1+$0x10]  }
0x378: {  	v12 =	vld [tilespmem:s1+$0xFFFFFFC0]  }
0x379: {  	v9 =	vmul.f32 $1.280000000e+02, v7;
	v11 =	vmul.f32 $1.280000000e+02, v4;
	v4 =	vand.u32 $0x7FFFFFFF, v4  }
0x37a: {  	v18 =	vld [tilespmem:s1+$0x20];
	v13 =	vmul.f32 $1.280000000e+02, v5;
	v5 =	vand.u32 $0x7FFFFFFF, v5;
	v14 =	vmul.f32 $1.280000000e+02, v6  }
0x37b: {  	v6 =	vand.u32 $0x7FFFFFFF, v6;
	v7 =	vand.u32 $0x7FFFFFFF, v7;
	v9 =	vadd.f32 $5.120000000e+02, v9  }
0x37c: {  	v15 =	vmul.f32 $1.280000000e+02, v8;
	v16 =	vmul.f32 $1.280000000e+02, v10;
	vm15 =	vle.f32 v7, $4.000000000e+00  }
0x37d: {  	v7 =	vmul.f32 $1.280000000e+02, v12;
	v11 =	vadd.f32 $5.120000000e+02, v11;
	v9 =	vtrunc.f32 v9  }
0x37e: {  	v13 =	vadd.f32 $5.120000000e+02, v13;
	v14 =	vadd.f32 $5.120000000e+02, v14;
	v9 =	vcvt.f32.s32 v9  }
0x37f: {  	v17 =	vmul.f32 $1.280000000e+02, v18;
	v15 =	vadd.f32 $5.120000000e+02, v15;
	v7 =	vadd.f32 $5.120000000e+02, v7  }
0x380: {  	v20 =	vtrunc.f32 v11;
	v11 =	vadd.f32 $5.120000000e+02, v16;
	v19 =	vadd.s32 v2, v9  }
0x381: {  	v16 =	vadd.f32 $5.120000000e+02, v17;
	v21 =	vtrunc.f32 v13;
	v14 =	vtrunc.f32 v14  }
0x382: {  	v13 =	vtrunc.f32 v15;
	v15 =	vtrunc.f32 v7;
	v7 =	vand.u32 $0x7FFFFFFF, v8  }
0x383: {  	v8 =	vand.u32 $0x7FFFFFFF, v10;
	v14 =	vcvt.f32.s32 v14;
	v17 =	vcvt.f32.s32 v15  }
0x384: {  	v15 =	vcvt.f32.s32 v20;
	v9 =	vand.u32 $0x7FFFFFFF, v12;
	v12 =	vtrunc.f32 v11  }
0x385: {  	s30 =	simm.s32 $0xC0C0;
	s1 =	simm.s32 $0x0;
	v10 =	vand.u32 $0x7FFFFFFF, v18;
	v11 =	vtrunc.f32 v16;
	v16 =	vcvt.f32.s32 v21;
	[tilespmem:v19+s25+$0x0] =	vst.idx.add.f32.msk vm15, v3  }
.LBB2_34:
0x386: {  	v18 =	vld [tilespmem:s30+$0x30];
	s1 =	sadd.s32 $0x8, s1;
	v17 =	vadd.s32 v2, v17;
	v13 =	vcvt.f32.s32 v13;
	v12 =	vcvt.f32.s32 v12  }
0x387: {  	v15 =	vadd.s32 v2, v15;
	v11 =	vcvt.f32.s32 v11;
	v19 =	vld [tilespmem:s30+$0xFFFFFFD0];
	p0 =	slt.u32 s1, $0x3F8;
	v16 =	vadd.s32 v2, v16  }
0x388: {  	v14 =	vadd.s32 v2, v14;
	v20 =	vld [tilespmem:s30+$0xFFFFFFE0];
	v13 =	vadd.s32 v2, v13;
	v12 =	vadd.s32 v2, v12  }
0x389: {  	vm6 =	vle.f32 v9, $4.000000000e+00;
	vm5 =	vle.f32 v4, $4.000000000e+00;
	v11 =	vadd.s32 v2, v11;
	v21 =	vld [tilespmem:s30+$0xFFFFFFF0]  }
0x38a: {  	vm4 =	vle.f32 v5, $4.000000000e+00;
	vm3 =	vle.f32 v6, $4.000000000e+00;
	vm2 =	vle.f32 v7, $4.000000000e+00;
	v22 =	vld [tilespmem:s30+$0x0]  }
0x38b: {  	vm1 =	vle.f32 v8, $4.000000000e+00;
	vm0 =	vle.f32 v10, $4.000000000e+00;
	v23 =	vld [tilespmem:s30+$0x10];
	v6 =	vmul.f32 $1.280000000e+02, v18  }
0x38c: {  	v7 =	vmul.f32 $1.280000000e+02, v19;
	v4 =	vand.u32 $0x7FFFFFFF, v19;
	v10 =	vld [tilespmem:s30+$0x20]  }
0x38d: {  	v8 =	vld [tilespmem:s30+$0xFFFFFFC0];
	v9 =	vmul.f32 $1.280000000e+02, v20;
	v5 =	vand.u32 $0x7FFFFFFF, v20;
	v19 =	vadd.f32 $5.120000000e+02, v6  }
0x38e: {  	v7 =	vadd.f32 $5.120000000e+02, v7;
	v20 =	vmul.f32 $1.280000000e+02, v21;
	v6 =	vand.u32 $0x7FFFFFFF, v21  }
0x38f: {  	v9 =	vadd.f32 $5.120000000e+02, v9;
	v21 =	vmul.f32 $1.280000000e+02, v22;
	v19 =	vtrunc.f32 v19;
	[tilespmem:v17+s25+$0x0] =	vst.idx.add.f32.msk vm6, v3  }
0x390: {  	v18 =	vand.u32 $0x7FFFFFFF, v18;
	v17 =	vmul.f32 $1.280000000e+02, v23;
	v19 =	vcvt.f32.s32 v19;
	[tilespmem:v15+s25+$0x0] =	vst.idx.add.f32.msk vm5, v3  }
0x391: {  	v15 =	vadd.f32 $5.120000000e+02, v20;
	vm5 =	vle.f32 v18, $4.000000000e+00;
	v20 =	vmul.f32 $1.280000000e+02, v10;
	[tilespmem:v16+s25+$0x0] =	vst.idx.add.f32.msk vm4, v3  }
0x392: {  	v18 =	vadd.f32 $5.120000000e+02, v21;
	v16 =	vmul.f32 $1.280000000e+02, v8;
	v19 =	vadd.s32 v2, v19;
	[tilespmem:v14+s25+$0x0] =	vst.idx.add.f32.msk vm3, v3  }
0x393: {  	v14 =	vtrunc.f32 v7;
	v7 =	vadd.f32 $5.120000000e+02, v17;
	v17 =	vadd.f32 $5.120000000e+02, v20;
	[tilespmem:v13+s25+$0x0] =	vst.idx.add.f32.msk vm2, v3  }
.Ltmp16:
0x394: {  	v21 =	vtrunc.f32 v15;
	v20 =	vtrunc.f32 v9;
	v16 =	vadd.f32 $5.120000000e+02, v16;
	[tilespmem:v12+s25+$0x0] =	vst.idx.add.f32.msk vm1, v3;
	(pc) =	sbr.rel @p0 .LBB2_34-.Ltmp16, $4  }
0x395: {  	v9 =	vand.u32 $0x7FFFFFFF, v8;
	v13 =	vtrunc.f32 v18;
	v12 =	vtrunc.f32 v7;
	[tilespmem:v11+s25+$0x0] =	vst.idx.add.f32.msk vm0, v3  }
0x396: {  	v7 =	vand.u32 $0x7FFFFFFF, v22;
	v11 =	vtrunc.f32 v17;
	v8 =	vtrunc.f32 v16  }
0x397: {  	v15 =	vcvt.f32.s32 v14;
	v17 =	vcvt.f32.s32 v8;
	v8 =	vand.u32 $0x7FFFFFFF, v23;
	[tilespmem:v19+s25+$0x0] =	vst.idx.add.f32.msk vm5, v3  }
0x398: {  	s30 =	sadd.s32 $0x80, s30;
	v10 =	vand.u32 $0x7FFFFFFF, v10;
	v14 =	vcvt.f32.s32 v21;
	v16 =	vcvt.f32.s32 v20  }
0x399: {  	vm0 =	vle.f32 v9, $4.000000000e+00  }
0x39a: {  	v9 =	vadd.s32 v2, v17;
	vm1 =	vle.f32 v4, $4.000000000e+00  }
0x39b: {  	v4 =	vadd.s32 v2, v15;
	vm2 =	vle.f32 v5, $4.000000000e+00  }
0x39c: {  	v5 =	vcvt.f32.s32 v13;
	vm3 =	vle.f32 v6, $4.000000000e+00;
	v13 =	vadd.s32 v2, v16  }
0x39d: {  	v6 =	vcvt.f32.s32 v12;
	vm4 =	vle.f32 v7, $4.000000000e+00;
	v12 =	vadd.s32 v2, v14  }
0x39e: {  	v7 =	vcvt.f32.s32 v11;
	vm5 =	vle.f32 v8, $4.000000000e+00;
	v5 =	vadd.s32 v2, v5  }
0x39f: {  	vm6 =	vle.f32 v10, $4.000000000e+00;
	v6 =	vadd.s32 v2, v6;
	[tilespmem:v9+s25+$0x0] =	vst.idx.add.f32.msk vm0, v3  }
0x3a0: {  	v7 =	vadd.s32 v2, v7;
	[tilespmem:v4+s25+$0x0] =	vst.idx.add.f32.msk vm1, v3  }
0x3a1: {  	[tilespmem:v13+s25+$0x0] =	vst.idx.add.f32.msk vm2, v3;
	v4 =	vadd.s32 $0x400, v2  }
0x3a2: {  	[tilespmem:v12+s25+$0x0] =	vst.idx.add.f32.msk vm3, v3  }
0x3a3: {  	[tilespmem:v5+s25+$0x0] =	vst.idx.add.f32.msk vm4, v3  }
0x3a4: {  	[tilespmem:v6+s25+$0x0] =	vst.idx.add.f32.msk vm5, v3  }
0x3a5: {  	[tilespmem:v7+s25+$0x0] =	vst.idx.add.f32.msk vm6, v3  }
0x3a6: {  	s1 =	simm.s32 $0x0;
	v7 =	vadd.s32 $0x3FF, v2;
	v6 =	vld.idx.msk [tilespmem:v4+s25+$0x0], $0xffff  }
0x3a7: {  	v8 =	vor.u32 s1, v0  }
0x3a8: {  	v5 =	vadd.s32 $0x401, v0  }
0x3a9: {  	v9 =	vadd.s32 s1, v5  }
0x3aa: {  	v4 =	vadd.s32 $0x802, v0  }
0x3ab: {  	v10 =	vadd.s32 s1, v4;
	[tilespmem:v7+s25+$0x0] =	vst.idx.add.f32.msk $0xffff, v6  }
0x3ac: {  	v6 =	vadd.s32 $0xC03, v0;
	v11 =	vld.idx.msk [tilespmem:v8+s25+$0x0], $0xffff  }
0x3ad: {  	v12 =	vadd.s32 s1, v6  }
0x3ae: {  	v7 =	vadd.s32 $0x1004, v0;
	v13 =	vld.idx.msk [tilespmem:v9+s25+$0x0], $0xffff  }
0x3af: {  	v14 =	vadd.s32 s1, v7  }
0x3b0: {  	v15 =	vld.idx.msk [tilespmem:v10+s25+$0x0], $0xffff;
	v8 =	vadd.s32 $0x1405, v0  }
0x3b1: {  	v16 =	vadd.s32 s1, v8;
	v10 =	vadd.f32 $0.0e+00, v11  }
0x3b2: {  	v9 =	vadd.s32 $0x1806, v0;
	v12 =	vld.idx.msk [tilespmem:v12+s25+$0x0], $0xffff  }
0x3b3: {  	v17 =	vadd.s32 s1, v9;
	v11 =	vadd.f32 v13, v10  }
0x3b4: {  	v13 =	vld.idx.msk [tilespmem:v14+s25+$0x0], $0xffff;
	v10 =	vadd.s32 $0x1C07, v0  }
0x3b5: {  	v14 =	vadd.s32 s1, v10;
	v15 =	vadd.f32 v15, v11  }
0x3b6: {  	v16 =	vld.idx.msk [tilespmem:v16+s25+$0x0], $0xffff;
	v11 =	vadd.s32 $0x2008, v0  }
0x3b7: {  	v18 =	vadd.s32 s1, v11;
	v15 =	vadd.f32 v12, v15  }
0x3b8: {  	v17 =	vld.idx.msk [tilespmem:v17+s25+$0x0], $0xffff;
	v12 =	vadd.s32 $0x2409, v0  }
0x3b9: {  	v19 =	vadd.s32 s1, v12;
	v15 =	vadd.f32 v13, v15  }
0x3ba: {  	v20 =	vld.idx.msk [tilespmem:v14+s25+$0x0], $0xffff;
	v13 =	vadd.s32 $0x280A, v0  }
0x3bb: {  	v21 =	vadd.s32 s1, v13;
	v15 =	vadd.f32 v16, v15  }
0x3bc: {  	v14 =	vadd.s32 $0x2C0B, v0;
	v18 =	vld.idx.msk [tilespmem:v18+s25+$0x0], $0xffff  }
0x3bd: {  	v22 =	vadd.s32 s1, v14;
	v16 =	vadd.f32 v17, v15  }
0x3be: {  	v19 =	vld.idx.msk [tilespmem:v19+s25+$0x0], $0xffff;
	v15 =	vadd.s32 $0x300C, v0  }
0x3bf: {  	v23 =	vadd.s32 s1, v15;
	v17 =	vadd.f32 v20, v16  }
0x3c0: {  	v20 =	vld.idx.msk [tilespmem:v21+s25+$0x0], $0xffff;
	v16 =	vadd.s32 $0x340D, v0  }
0x3c1: {  	v21 =	vadd.s32 s1, v16;
	v18 =	vadd.f32 v18, v17  }
0x3c2: {  	v22 =	vld.idx.msk [tilespmem:v22+s25+$0x0], $0xffff;
	v17 =	vadd.s32 $0x380E, v0  }
0x3c3: {  	v24 =	vadd.s32 s1, v17;
	v19 =	vadd.f32 v19, v18  }
0x3c4: {  	v23 =	vld.idx.msk [tilespmem:v23+s25+$0x0], $0xffff;
	v18 =	vadd.s32 $0x3C0F, v0  }
0x3c5: {  	v25 =	vadd.s32 s1, v18;
	v19 =	vadd.f32 v20, v19  }
0x3c6: {  	v20 =	vld.idx.msk [tilespmem:v21+s25+$0x0], $0xffff  }
0x3c7: {  	v19 =	vadd.f32 v22, v19  }
0x3c8: {  	v21 =	vld.idx.msk [tilespmem:v24+s25+$0x0], $0xffff  }
0x3c9: {  	v19 =	vadd.f32 v23, v19  }
0x3ca: {  	v22 =	vld.idx.msk [tilespmem:v25+s25+$0x0], $0xffff  }
0x3cb: {  	v19 =	vadd.f32 v20, v19  }
0x3cc: {  	s4 =	simm.s32 $0x10  }
0x3cd: {  	v20 =	vor.u32 s4, v0;
	v19 =	vadd.f32 v21, v19;
	_ =	sdelay $0x1  }
0x3ce: {  	v21 =	vadd.s32 s4, v5;
	v19 =	vadd.f32 v22, v19  }
0x3cf: {  	s1 =	simm.s32 $0x14080  }
0x3d0: {  	v22 =	vadd.s32 s4, v4;
	[tilespmem:s1+$0x0] =	vst v19  }
0x3d1: {  	v19 =	vld.idx.msk [tilespmem:v20+s25+$0x0], $0xffff  }
0x3d2: {  	v20 =	vadd.s32 s4, v6  }
0x3d3: {  	v21 =	vld.idx.msk [tilespmem:v21+s25+$0x0], $0xffff  }
0x3d4: {  	v23 =	vadd.s32 s4, v7  }
0x3d5: {  	v22 =	vld.idx.msk [tilespmem:v22+s25+$0x0], $0xffff  }
0x3d6: {  	v57 =	vadd.s32 s4, v8;
	v19 =	vadd.f32 $0.0e+00, v19  }
0x3d7: {  	v20 =	vld.idx.msk [tilespmem:v20+s25+$0x0], $0xffff  }
0x3d8: {  	v58 =	vadd.s32 s4, v9;
	v19 =	vadd.f32 v21, v19  }
0x3d9: {  	v21 =	vld.idx.msk [tilespmem:v23+s25+$0x0], $0xffff  }
0x3da: {  	v23 =	vadd.s32 s4, v10;
	v19 =	vadd.f32 v22, v19  }
0x3db: {  	v22 =	vld.idx.msk [tilespmem:v57+s25+$0x0], $0xffff  }
0x3dc: {  	v59 =	vadd.s32 s4, v11;
	v19 =	vadd.f32 v20, v19  }
0x3dd: {  	v20 =	vld.idx.msk [tilespmem:v58+s25+$0x0], $0xffff  }
0x3de: {  	v60 =	vadd.s32 s4, v12;
	v19 =	vadd.f32 v21, v19  }
0x3df: {  	v21 =	vld.idx.msk [tilespmem:v23+s25+$0x0], $0xffff  }
0x3e0: {  	v23 =	vadd.s32 s4, v13;
	v19 =	vadd.f32 v22, v19  }
0x3e1: {  	v22 =	vld.idx.msk [tilespmem:v59+s25+$0x0], $0xffff  }
0x3e2: {  	v61 =	vadd.s32 s4, v14;
	v19 =	vadd.f32 v20, v19  }
0x3e3: {  	v20 =	vld.idx.msk [tilespmem:v60+s25+$0x0], $0xffff  }
0x3e4: {  	v19 =	vadd.f32 v21, v19  }
0x3e5: {  	v21 =	vld.idx.msk [tilespmem:v23+s25+$0x0], $0xffff  }
0x3e6: {  	v62 =	vadd.s32 s4, v15;
	v19 =	vadd.f32 v22, v19  }
0x3e7: {  	v22 =	vld.idx.msk [tilespmem:v61+s25+$0x0], $0xffff  }
0x3e8: {  	v23 =	vadd.s32 s4, v16;
	v19 =	vadd.f32 v20, v19;
	_ =	sdelay $0x1  }
0x3e9: {  	v63 =	vadd.s32 s4, v17;
	v19 =	vadd.f32 v21, v19  }
0x3ea: {  	v20 =	vld.idx.msk [tilespmem:v62+s25+$0x0], $0xffff  }
0x3eb: {  	v19 =	vadd.f32 v22, v19;
	v22 =	vadd.s32 s4, v18  }
0x3ec: {  	v21 =	vld.idx.msk [tilespmem:v23+s25+$0x0], $0xffff;
	_ =	sdelay $0x1  }
0x3ed: {  	v23 =	vld.idx.msk [tilespmem:v63+s25+$0x0], $0xffff  }
0x3ee: {  	v19 =	vadd.f32 v20, v19  }
0x3ef: {  	v20 =	vld.idx.msk [tilespmem:v22+s25+$0x0], $0xffff  }
0x3f0: {  	v21 =	vadd.f32 v21, v19  }
0x3f1: {  	s30 =	simm.s32 $0x20  }
0x3f2: {  	s4 =	simm.s32 $0x30;
	v19 =	vor.u32 s30, v0;
	v21 =	vadd.f32 v23, v21  }
.LBB2_36:
0x3f3: {  	p0 =	sne.s32 s4, $0x3F0  }
0x3f4: {  	v22 =	vadd.s32 s30, v5;
	v20 =	vadd.f32 v20, v21  }
0x3f5: {  	s1 =	sadd.s32 $0x10, s1  }
0x3f6: {  	v21 =	vadd.s32 s30, v4;
	[tilespmem:s1+$0x0] =	vst v20  }
0x3f7: {  	v19 =	vld.idx.msk [tilespmem:v19+s25+$0x0], $0xffff  }
0x3f8: {  	v20 =	vadd.s32 s30, v6  }
0x3f9: {  	v22 =	vld.idx.msk [tilespmem:v22+s25+$0x0], $0xffff  }
0x3fa: {  	v23 =	vadd.s32 s30, v7  }
0x3fb: {  	v21 =	vld.idx.msk [tilespmem:v21+s25+$0x0], $0xffff  }
0x3fc: {  	v24 =	vadd.s32 s30, v8  }
0x3fd: {  	v19 =	vadd.f32 $0.0e+00, v19;
	v20 =	vld.idx.msk [tilespmem:v20+s25+$0x0], $0xffff  }
0x3fe: {  	v25 =	vadd.s32 s30, v9  }
0x3ff: {  	v19 =	vadd.f32 v22, v19;
	v22 =	vld.idx.msk [tilespmem:v23+s25+$0x0], $0xffff  }
0x400: {  	v23 =	vadd.s32 s30, v10  }
0x401: {  	v19 =	vadd.f32 v21, v19;
	v21 =	vld.idx.msk [tilespmem:v24+s25+$0x0], $0xffff  }
0x402: {  	v24 =	vadd.s32 s30, v11  }
0x403: {  	v19 =	vadd.f32 v20, v19;
	v20 =	vld.idx.msk [tilespmem:v25+s25+$0x0], $0xffff  }
0x404: {  	v25 =	vadd.s32 s30, v12  }
0x405: {  	v19 =	vadd.f32 v22, v19;
	v22 =	vld.idx.msk [tilespmem:v23+s25+$0x0], $0xffff  }
0x406: {  	v23 =	vadd.s32 s30, v13  }
0x407: {  	v19 =	vadd.f32 v21, v19;
	v21 =	vld.idx.msk [tilespmem:v24+s25+$0x0], $0xffff  }
0x408: {  	v24 =	vadd.s32 s30, v14  }
0x409: {  	v19 =	vadd.f32 v20, v19;
	v20 =	vld.idx.msk [tilespmem:v25+s25+$0x0], $0xffff  }
0x40a: {  	v25 =	vadd.s32 s30, v15  }
0x40b: {  	v19 =	vadd.f32 v22, v19;
	v22 =	vld.idx.msk [tilespmem:v23+s25+$0x0], $0xffff  }
0x40c: {  	v23 =	vadd.s32 s30, v16  }
0x40d: {  	v19 =	vadd.f32 v21, v19;
	v21 =	vld.idx.msk [tilespmem:v24+s25+$0x0], $0xffff  }
0x40e: {  	v24 =	vadd.s32 s30, v17  }
0x40f: {  	v19 =	vadd.f32 v20, v19;
	v20 =	vld.idx.msk [tilespmem:v25+s25+$0x0], $0xffff  }
0x410: {  	v25 =	vadd.s32 s30, v18;
	s30 =	smov.u32 s4  }
0x411: {  	v19 =	vadd.f32 v22, v19;
	v22 =	vld.idx.msk [tilespmem:v23+s25+$0x0], $0xffff;
	_ =	sdelay $0x1  }
0x412: {  	v19 =	vadd.f32 v21, v19;
	v21 =	vld.idx.msk [tilespmem:v24+s25+$0x0], $0xffff;
	_ =	sdelay $0x1  }
.Ltmp17:
0x413: {  	v19 =	vadd.f32 v20, v19;
	v20 =	vld.idx.msk [tilespmem:v25+s25+$0x0], $0xffff;
	(pc) =	sbr.rel @p0 .LBB2_36-.Ltmp17, $3  }
0x414: {  	_ = 	snop  }
0x415: {  	v22 =	vadd.f32 v22, v19;
	_ =	sdelay $0x1  }
0x416: {  	s4 =	sadd.s32 $0x10, s4;
	v19 =	vor.u32 s30, v0;
	v21 =	vadd.f32 v21, v22  }
0x417: {  	_ = 	snop  }
0x418: {  	v5 =	vadd.s32 s30, v5;
	v20 =	vadd.f32 v20, v21  }
0x419: {  	s1 =	sadd.s32 $0x10, s1  }
0x41a: {  	v4 =	vadd.s32 s30, v4;
	[tilespmem:s1+$0x0] =	vst v20  }
0x41b: {  	v19 =	vld.idx.msk [tilespmem:v19+s25+$0x0], $0xffff  }
0x41c: {  	v6 =	vadd.s32 s30, v6  }
0x41d: {  	v5 =	vld.idx.msk [tilespmem:v5+s25+$0x0], $0xffff  }
0x41e: {  	v7 =	vadd.s32 s30, v7  }
0x41f: {  	v4 =	vld.idx.msk [tilespmem:v4+s25+$0x0], $0xffff  }
0x420: {  	v8 =	vadd.s32 s30, v8;
	v19 =	vadd.f32 $0.0e+00, v19  }
0x421: {  	v6 =	vld.idx.msk [tilespmem:v6+s25+$0x0], $0xffff  }
0x422: {  	v9 =	vadd.s32 s30, v9;
	v5 =	vadd.f32 v5, v19  }
0x423: {  	v7 =	vld.idx.msk [tilespmem:v7+s25+$0x0], $0xffff  }
0x424: {  	v10 =	vadd.s32 s30, v10;
	v4 =	vadd.f32 v4, v5  }
0x425: {  	v5 =	vld.idx.msk [tilespmem:v8+s25+$0x0], $0xffff  }
0x426: {  	v49 =	vadd.s32 s30, v11;
	v4 =	vadd.f32 v6, v4  }
0x427: {  	v50 =	vld.idx.msk [tilespmem:v9+s25+$0x0], $0xffff  }
0x428: {  	v51 =	vadd.s32 s30, v12;
	v4 =	vadd.f32 v7, v4  }
0x429: {  	v52 =	vld.idx.msk [tilespmem:v10+s25+$0x0], $0xffff  }
0x42a: {  	v53 =	vadd.s32 s30, v13;
	v4 =	vadd.f32 v5, v4  }
0x42b: {  	v5 =	vld.idx.msk [tilespmem:v49+s25+$0x0], $0xffff  }
0x42c: {  	v54 =	vadd.s32 s30, v14;
	v4 =	vadd.f32 v50, v4  }
0x42d: {  	v55 =	vld.idx.msk [tilespmem:v51+s25+$0x0], $0xffff  }
0x42e: {  	v56 =	vadd.s32 s30, v15;
	v4 =	vadd.f32 v52, v4  }
0x42f: {  	v57 =	vld.idx.msk [tilespmem:v53+s25+$0x0], $0xffff  }
0x430: {  	v58 =	vadd.s32 s30, v16;
	v4 =	vadd.f32 v5, v4  }
0x431: {  	v5 =	vld.idx.msk [tilespmem:v54+s25+$0x0], $0xffff  }
0x432: {  	v59 =	vadd.s32 s30, v17;
	v4 =	vadd.f32 v55, v4  }
0x433: {  	v60 =	vld.idx.msk [tilespmem:v56+s25+$0x0], $0xffff  }
0x434: {  	v61 =	vadd.s32 s30, v18;
	v4 =	vadd.f32 v57, v4  }
0x435: {  	v62 =	vld.idx.msk [tilespmem:v58+s25+$0x0], $0xffff  }
0x436: {  	v4 =	vadd.f32 v5, v4  }
0x437: {  	v5 =	vld.idx.msk [tilespmem:v59+s25+$0x0], $0xffff  }
0x438: {  	v4 =	vadd.f32 v60, v4  }
0x439: {  	v63 =	vld.idx.msk [tilespmem:v61+s25+$0x0], $0xffff  }
0x43a: {  	v4 =	vadd.f32 v62, v4;
	_ =	sdelay $0x1  }
0x43b: {  	v4 =	vadd.f32 v5, v4;
	_ =	sdelay $0x1  }
0x43c: {  	s0 =	sadd.s32 $0x1, s0;
	v4 =	vadd.f32 v63, v4  }
0x43d: {  	p0 =	sne.s32 s0, s20;
	s1 =	sadd.s32 $0x10, s1  }
.Ltmp18:
0x43e: {  	s30 =	simm.s32 $0x14080;
	[tilespmem:s1+$0x0] =	vst v4;
	(pc) =	sbr.rel @p0 .LBB2_1-.Ltmp18, $4  }
0x43f: {  	[hbm4b:s19+s2] =	stream.linear.scatter [tilespmem:s30], [sflag:$0x5], $0x400, $0x38;
	[tilespmem:$0x14480] =	vst v63  }
0x440: {  	_ =	swait.ge [sflag:s31], $0x400  }
0x441: {  	[sflag:s31] =	ssyncset.done $0x0  }
0x442: {  	[sflag:s31] =	ssyncadd.s32 $0xFFFFFC00  }
0x443: {  	_ =	sfence.sel $0x180000  }
0x444: {  	[bflag:$0x0] =	sbarrier.arrive $0xFFFF  }
0x445: {  	_ =	strace $0x90000047  }
0x446: {  	s0 =	stileid.u32;
	[bflag:$0x2] =	sbarrier.arrive $0xFFFF  }
0x447: {  	p0 =	sne.s32 s0, $0x0;
	s0 =	rddreg [dreg:$0x2]  }
0x448: {  	s0 =	sadd.s32 @!p0 $0x100000, s0  }
0x449: {  	[sflag:s0] =	ssyncadd.tile.s32 @!p0 $0x1;
	_ =	shalt  }
.Lfunc_end2:
_tile_overlayer_lowered:
.L_overlay_start_2:
0x44a: {  	(tag) =	ssettag $0x2  }
0x44b: {  	s0 =	rddreg [dreg:$0x0];
	s2 =	stileid.u32  }
0x44c: {  	s1 =	rddreg [dreg:$0x1];
	p0 =	sne.s32 s2, $0x0  }
0x44d: {  	s3 =	rddreg [dreg:$0x2];
	[bflag:$0x3] =	sbarrier.arrive $0xFFFF;
	s2 =	simm.s32 @!p0 $0x1C05  }
0x44e: {  	[timem:s3], [sflag:s2] =	dma.local @!p0 [hbm:s0], s1  }
0x44f: {  	s0 =	simm.s32 @!p0 $0x5  }
0x450: {  	_ =	swait.ge @!p0 [sflag:s0], s1  }
0x451: {  	s1 =	ssub.s32 @!p0 $0x0, s1;
	[sflag:s0] =	ssyncset.done @!p0 $0x0  }
0x452: {  	[sflag:s0] =	ssyncadd.s32 @!p0 s1  }
0x453: {  	[bflag:$0x3] =	sbarrier.arrive $0xFFFF  }
0x454: {  	_ =	shalt  }

</sc_bundles>
